<compile_context>
chip_gen: v7x
topology: tpu7x:2x2x1
jax: 0.10.2.dev20260603
libtpu: 0.0.44.dev20260713+nightly
codegen_flags: <defaults>
</compile_context>

<pallas_src>
import functools

import jax
import jax.numpy as jnp
from jax import lax
from jax.experimental import pallas as pl
from jax.experimental.pallas import tpu as pltpu
from jax.experimental.pallas import tpu_sc as plsc

K = 8
NUM_CLASSES = 64
INPUT_DIM = 1 + NUM_CLASSES
B, L = 128, 512
LMAX = L - K
D = K * INPUT_DIM


ROWS_PER_STEP = 8


def _tc_body(seq_ref, pred_ref, dmat_ref, ltgt_ref, ssel_ref, rrep_ref,
             dsel_ref, out_ref):
    g = pl.program_id(0)

    @pl.when(g == 0)
    def _init():
        out_ref[...] = jnp.zeros((4, D), jnp.float32)

    for r in range(ROWS_PER_STEP):
        _tc_row(seq_ref, pred_ref, dmat_ref, ltgt_ref, ssel_ref, rrep_ref,
                dsel_ref, out_ref, g * ROWS_PER_STEP + r, r)


def _tc_row(seq_ref, pred_ref, dmat_ref, ltgt_ref, ssel_ref, rrep_ref,
            dsel_ref, out_ref, b, r):
    length = jnp.maximum(seq_ref[b] - K, 0)
    x = pred_ref[r]
    dmat = dmat_ref[r]
    ltgt = ltgt_ref[r]

    ones_m = (jax.lax.broadcasted_iota(jnp.int32, (1, L), 1)
              < length).astype(jnp.float32)

    e = jnp.exp(x)
    sums = jax.lax.dot_general(
        ssel_ref[...], e, (((1,), (1,)), ((), ())),
        preferred_element_type=jnp.float32)
    lse = jnp.log(sums)
    lmask = (jax.lax.broadcasted_iota(jnp.int32, (K, L), 1)
             < length)
    lse_row = jnp.sum(jnp.where(lmask, lse, 0.0), axis=0,
                      keepdims=True)

    ltl = jax.lax.dot_general(
        ltgt, rrep_ref[...], (((0,), (0,)), ((), ())),
        preferred_element_type=jnp.float32)
    lane = jax.lax.broadcasted_iota(jnp.int32, (L, D), 1
                                    ).astype(jnp.float32)
    sel = jnp.where(ltl == lane, x, 0.0)
    ones_all = jnp.zeros((1, L), jnp.float32) + 1.0
    p1 = jax.lax.dot_general(
        ones_all, sel, (((1,), (0,)), ((), ())),
        preferred_element_type=jnp.float32)

    deltal = jax.lax.dot_general(
        dmat, dsel_ref[...], (((0,), (0,)), ((), ())),
        preferred_element_type=jnp.float32)
    sq = (x - deltal) ** 2
    t1 = jax.lax.dot_general(
        ones_m, sq, (((1,), (0,)), ((), ())),
        preferred_element_type=jnp.float32)
    dany = jnp.sum(dsel_ref[...], axis=0, keepdims=True)

    out_ref[0:1, :] += t1 * dany
    out_ref[1:2, 0:L] += lse_row
    out_ref[2:3, :] += p1
    out_ref[3:4, 0:L] += ones_m


def _build_consts():
    c = jnp.arange(D, dtype=jnp.int32)
    seg = c // INPUT_DIM
    off = c % INPUT_DIM
    t = jnp.arange(K, dtype=jnp.int32)
    ssel = ((seg[None, :] == t[:, None]) & (off[None, :] > 0)
            ).astype(jnp.float32)
    rrep = (seg[None, :] == t[:, None]).astype(jnp.float32)
    dsel = ((seg[None, :] == t[:, None]) & (off[None, :] == 0)
            ).astype(jnp.float32)
    return ssel, rrep, dsel


_VB = 16
_TSBUF = L + K


def _sc_body(ts_hbm, lbl_hbm, seq_hbm, dmat_hbm, ltgt_hbm,
             ts_v, lbl_v, seq_v, dm_v, lt_v):
    nc = 2
    wid = lax.axis_index("s") * nc + lax.axis_index("c")
    rpw = B // 32
    iota = lax.iota(jnp.int32, _VB)
    zf = jnp.zeros((_VB,), jnp.float32)
    zi = jnp.zeros((_VB,), jnp.int32)
    pltpu.sync_copy(seq_hbm, seq_v.at[pl.ds(0, B)])
    for j in range(rpw):
        row = wid * rpw + j
        ts_v[pl.ds(L - _VB + K, _VB)] = zf
        lbl_v[pl.ds(L - _VB + K, _VB)] = zi
        pltpu.sync_copy(ts_hbm.at[row], ts_v.at[pl.ds(0, L)])
        pltpu.sync_copy(lbl_hbm.at[row], lbl_v.at[pl.ds(0, L)])
        length = seq_v[pl.ds(row, _VB)][0] - K

        def body(k, carry):
            i0 = k * _VB
            valid = (i0 + iota) < length
            for t in range(K):
                a = ts_v[pl.ds(i0 + t, _VB)]
                b2 = ts_v[pl.ds(i0 + t + 1, _VB)]
                lbl = lbl_v[pl.ds(i0 + t + 1, _VB)]
                dm_v[t, pl.ds(i0, _VB)] = jnp.where(valid, b2 - a, 0.0)
                lt = (lbl + (t * INPUT_DIM + 1)).astype(jnp.float32)
                lt_v[t, pl.ds(i0, _VB)] = jnp.where(valid, lt, -1000.0)
            return carry

        lax.fori_loop(0, L // _VB, body, 0)
        pltpu.sync_copy(dm_v, dmat_hbm.at[row])
        pltpu.sync_copy(lt_v, ltgt_hbm.at[row])


@functools.partial(
    pl.kernel,
    mesh=plsc.VectorSubcoreMesh(core_axis_name="c", subcore_axis_name="s"),
    out_type=[
        jax.ShapeDtypeStruct((B, K, L), jnp.float32),
        jax.ShapeDtypeStruct((B, K, L), jnp.float32),
    ],
    scratch_types=[
        pltpu.VMEM((_TSBUF,), jnp.float32),
        pltpu.VMEM((_TSBUF,), jnp.int32),
        pltpu.VMEM((B + _VB,), jnp.int32),
        pltpu.VMEM((K, L), jnp.float32),
        pltpu.VMEM((K, L), jnp.float32),
    ],
)
def _build_aux_sc(ts_hbm, lbl_hbm, seq_hbm, dmat_hbm, ltgt_hbm,
                  ts_v, lbl_v, seq_v, dm_v, lt_v):
    _sc_body(ts_hbm, lbl_hbm, seq_hbm, dmat_hbm, ltgt_hbm,
             ts_v, lbl_v, seq_v, dm_v, lt_v)


def kernel(timestamps, labels, seq_lens, predictions):
    ssel, rrep, dsel = _build_consts()
    dmat, ltgt = _build_aux_sc(timestamps, labels.astype(jnp.int32),
                               seq_lens.astype(jnp.int32))
    sums = pl.pallas_call(
        _tc_body,
        grid=(B // ROWS_PER_STEP,),
        in_specs=[
            pl.BlockSpec(memory_space=pltpu.SMEM),
            pl.BlockSpec((ROWS_PER_STEP, L, D), lambda b: (b, 0, 0)),
            pl.BlockSpec((ROWS_PER_STEP, K, L), lambda b: (b, 0, 0)),
            pl.BlockSpec((ROWS_PER_STEP, K, L), lambda b: (b, 0, 0)),
            pl.BlockSpec((K, D), lambda b: (0, 0)),
            pl.BlockSpec((K, D), lambda b: (0, 0)),
            pl.BlockSpec((K, D), lambda b: (0, 0)),
        ],
        out_specs=pl.BlockSpec((4, D), lambda b: (0, 0)),
        out_shape=jax.ShapeDtypeStruct((4, D), jnp.float32),
    )(seq_lens.astype(jnp.int32), predictions, dmat, ltgt, ssel, rrep, dsel)
    ts_num = jnp.sum(sums[0])
    lbl_num = jnp.sum(sums[1]) - jnp.sum(sums[2])
    n = jnp.sum(sums[3])
    return jnp.stack([ts_num, lbl_num]) / (n * jnp.float32(K))

# --- scband reference (transcript-rebuilt; emitter-appended) ---
"""Pipeline reference for scband-next-kloss-10892037063199 (READ-ONLY COPY).

The authoritative reference and input builder live on the scoring server;
editing this copy changes nothing except your own understanding.
"""

import jax, jax.numpy as jnp
import numpy as np

K = 8
NUM_CLASSES = 64
INPUT_DIM = 1 + NUM_CLASSES
B, L = 128, 512
LOSS_STEP = 1


def extract_windows(x, t):
    # (B, L, D) -> (B, L - t + 1, t, D) sliding windows, same math as torch roll+stack
    b, l, d = x.shape
    if l - t + 1 <= 0:
        return x[:, :0].reshape(b, 0, t, d)
    parts = [jnp.roll(x, -i, axis=1) for i in range(t)]
    return jnp.stack(parts, 2)[:, :l - t + 1]


def setup_inputs(seed: int = 0):
    key = jax.random.key(seed)
    k1, k2, k3, k4 = jax.random.split(key, 4)
    timestamps = jnp.sort(jax.random.uniform(k1, (B, L), dtype=jnp.float32) * 1000.0, axis=1)
    labels = jax.random.randint(k2, (B, L), 0, NUM_CLASSES)
    seq_lens = jax.random.randint(k3, (B,), K + 1, L + 1).astype(jnp.int32)
    predictions = jax.random.normal(k4, (B, L, K * INPUT_DIM), dtype=jnp.float32)
    return {"timestamps": timestamps, "labels": labels, "seq_lens": seq_lens, "predictions": predictions}


def reference(timestamps, labels, seq_lens, predictions):
    b, l = timestamps.shape
    lmax = max(l - K, 0)
    # lengths = (seq_lens - k).clip(min=0); loss_step == 1 so no subsampling branch
    lengths = jnp.clip(seq_lens - K, 0, None)
    mask = jnp.arange(lmax)[None, :] < lengths[:, None]  # seq_len_mask, traced bool
    # targets = stack of payload fields -> (B, L, 2); windows of length k+1
    targets = jnp.stack([timestamps, labels.astype(jnp.float32)], -1)
    windows = extract_windows(targets, K + 1)  # (B, L-K, K+1, 2)
    ts_win = windows[..., 0]                            # (B, lmax, K+1)
    lbl_win = windows[..., 1].astype(jnp.int32)         # (B, lmax, K+1)
    # predictions reshaped to (B, L, K, input_dim), last step duplicated
    pred = predictions.reshape(b, l, K, INPUT_DIM)[:, :lmax]          # (B, lmax, K, input_dim)
    pred = jnp.concatenate([pred, pred[:, :, -1:]], axis=2)           # (B, lmax, K+1, input_dim)
    # next-item loss over each window: predict step t+1 from prediction at step t
    n = jnp.sum(lengths)
    denom = (n * K).astype(jnp.float32)
    deltas = ts_win[..., 1:] - ts_win[..., :-1]
    pred_delta = pred[..., :-1, 0]
    sq = (pred_delta - deltas) ** 2                                   # (B, lmax, K)
    loss_ts = jnp.sum(jnp.where(mask[..., None], sq, 0.0)) / denom
    logits = pred[:, :, :-1, 1:]
    tgt = lbl_win[..., 1:]
    logp = jax.nn.log_softmax(logits, axis=-1)
    picked = jnp.take_along_axis(logp, tgt[..., None], axis=-1)[..., 0]  # (B, lmax, K)
    loss_lbl = -jnp.sum(jnp.where(mask[..., None], picked, 0.0)) / denom
    return jnp.stack([loss_ts, loss_lbl])

if __name__ == "__main__":
    import jax
    _d = setup_inputs()
    print(jax.jit(kernel)(*tuple(_d.values())))

</pallas_src>

<mosaic_0001>
#map = affine_map<(d0, d1) -> (0, 0)>
#map1 = affine_map<(d0, d1) -> (0)>
#map2 = affine_map<(d0, d1) -> (0, 0, 0)>
module attributes {stable_mosaic.version = 14 : i64} {
  func.func @_build_aux_sc(%arg0: i32, %arg1: i32, %arg2: memref<128x512xf32, #tpu.memory_space<hbm>>, %arg3: memref<128x512xi32, #tpu.memory_space<hbm>>, %arg4: memref<128xi32, #tpu.memory_space<hbm>>, %arg5: memref<128x8x512xf32, #tpu.memory_space<hbm>>, %arg6: memref<128x8x512xf32, #tpu.memory_space<hbm>>, %arg7: memref<520xf32, #tpu.memory_space<vmem>>, %arg8: memref<520xi32, #tpu.memory_space<vmem>>, %arg9: memref<144xi32, #tpu.memory_space<vmem>>, %arg10: memref<8x512xf32, #tpu.memory_space<vmem>>, %arg11: memref<8x512xf32, #tpu.memory_space<vmem>>) attributes {dimension_semantics = [#tpu.dimension_semantics<core_parallel>, #tpu.dimension_semantics<subcore_parallel>], iteration_bounds = array<i64: 2, 16>, scalar_prefetch = 0 : i64, scratch_operands = 5 : i64, tpu.core_type = #tpu.core_type<sc_vector_subcore>, window_params = [{transform_indices = #map}, {transform_indices = #map}, {transform_indices = #map1}, {transform_indices = #map2}, {transform_indices = #map2}]} {
    %mul3A = arith.constant 2 : i32
    %mul3A_0 = arith.muli %arg1, %mul3A : i32
    %add3A = arith.addi %mul3A_0, %arg0 : i32
    %iota3A = tpu.iota {dimensions = array<i32: 0>} : vector<16xi32>
    %broadcast_in_dim3A = arith.constant 0.000000e+00 : f32
    %broadcast_in_dim3A_1 = vector.broadcast %broadcast_in_dim3A : f32 to vector<16xf32>
    %broadcast_in_dim3A_2 = arith.constant 0 : i32
    %broadcast_in_dim3A_3 = vector.broadcast %broadcast_in_dim3A_2 : i32 to vector<16xi32>
    "tpu.region"() ({
      %run_scoped3A = tpu.sem_alloc : memref<!tpu.dma_semaphore, #tpu.memory_space<semaphore_mem>>
      %dma_start3A = arith.constant 0 : i32
      %dma_start3A_98 = tpu.memref_slice %arg9[%dma_start3A] : memref<144xi32, #tpu.memory_space<vmem>> -> memref<128xi32, #tpu.memory_space<vmem>>
      %dma_start3A_99 = arith.constant 0 : i32
      %dma_start3A_100 = tpu.memref_slice %arg9[%dma_start3A_99] : memref<144xi32, #tpu.memory_space<vmem>> -> memref<128xi32, #tpu.memory_space<vmem>>
      tpu.enqueue_dma source(%arg4 : memref<128xi32, #tpu.memory_space<hbm>>) target(%dma_start3A_100 : memref<128xi32, #tpu.memory_space<vmem>>) target_semaphore(%run_scoped3A : memref<!tpu.dma_semaphore, #tpu.memory_space<semaphore_mem>>)
      %dma_wait3A = arith.constant 0 : i32
      %dma_wait3A_101 = tpu.memref_slice %arg9[%dma_wait3A] : memref<144xi32, #tpu.memory_space<vmem>> -> memref<128xi32, #tpu.memory_space<vmem>>
      %dma_wait3A_102 = arith.constant 0 : i32
      %dma_wait3A_103 = tpu.memref_slice %arg9[%dma_wait3A_102] : memref<144xi32, #tpu.memory_space<vmem>> -> memref<128xi32, #tpu.memory_space<vmem>>
      tpu.wait_dma2 semaphore(%run_scoped3A : memref<!tpu.dma_semaphore, #tpu.memory_space<semaphore_mem>>) src(%arg4 : memref<128xi32, #tpu.memory_space<hbm>>) dst(%dma_wait3A_103 : memref<128xi32, #tpu.memory_space<vmem>>)
      tpu.yield
    }) : () -> ()
    %mul3A_4 = arith.constant 4 : i32
    %mul3A_5 = arith.muli %add3A, %mul3A_4 : i32
    %add3A_6 = arith.constant 0 : i32
    %add3A_7 = arith.addi %mul3A_5, %add3A_6 : i32
    %swap3A = arith.constant 504 : index
    %swap3A_8 = tpu.vector_load %arg7[%swap3A] {strides = array<i32>} : memref<520xf32, #tpu.memory_space<vmem>>, vector<16xf32>,
    %swap3A_9 = vector.shape_cast %swap3A_8 : vector<16xf32> to vector<16xf32>
    %swap3A_10 = vector.shape_cast %broadcast_in_dim3A_1 : vector<16xf32> to vector<16xf32>
    tpu.vector_store %arg7[%swap3A], %swap3A_10 {strides = array<i32>} : memref<520xf32, #tpu.memory_space<vmem>>, vector<16xf32>,
    %swap3A_11 = arith.constant 504 : index
    %swap3A_12 = tpu.vector_load %arg8[%swap3A_11] {strides = array<i32>} : memref<520xi32, #tpu.memory_space<vmem>>, vector<16xi32>,
    %swap3A_13 = vector.shape_cast %swap3A_12 : vector<16xi32> to vector<16xi32>
    %swap3A_14 = vector.shape_cast %broadcast_in_dim3A_3 : vector<16xi32> to vector<16xi32>
    tpu.vector_store %arg8[%swap3A_11], %swap3A_14 {strides = array<i32>} : memref<520xi32, #tpu.memory_space<vmem>>, vector<16xi32>,
    "tpu.region"() ({
      %run_scoped3A = tpu.sem_alloc : memref<!tpu.dma_semaphore, #tpu.memory_space<semaphore_mem>>
      %dma_start3A = arith.constant 0 : i32
      %dma_start3A_98 = tpu.memref_slice %arg7[%dma_start3A] : memref<520xf32, #tpu.memory_space<vmem>> -> memref<512xf32, #tpu.memory_space<vmem>>
      %dma_start3A_99 = arith.constant 0 : i32
      %dma_start3A_100 = tpu.memref_slice %arg2[%add3A_7, %dma_start3A_99] : memref<128x512xf32, #tpu.memory_space<hbm>> -> memref<1x512xf32, #tpu.memory_space<hbm>>
      %dma_start3A_101 = tpu.memref_squeeze %dma_start3A_100 : memref<1x512xf32, #tpu.memory_space<hbm>> -> memref<512xf32, #tpu.memory_space<hbm>>
      %dma_start3A_102 = arith.constant 0 : i32
      %dma_start3A_103 = tpu.memref_slice %arg7[%dma_start3A_102] : memref<520xf32, #tpu.memory_space<vmem>> -> memref<512xf32, #tpu.memory_space<vmem>>
      %dma_start3A_104 = arith.constant 0 : i32
      %dma_start3A_105 = tpu.memref_slice %arg2[%add3A_7, %dma_start3A_104] : memref<128x512xf32, #tpu.memory_space<hbm>> -> memref<1x512xf32, #tpu.memory_space<hbm>>
      %dma_start3A_106 = tpu.memref_squeeze %dma_start3A_105 : memref<1x512xf32, #tpu.memory_space<hbm>> -> memref<512xf32, #tpu.memory_space<hbm>>
      tpu.enqueue_dma source(%dma_start3A_106 : memref<512xf32, #tpu.memory_space<hbm>>) target(%dma_start3A_103 : memref<512xf32, #tpu.memory_space<vmem>>) target_semaphore(%run_scoped3A : memref<!tpu.dma_semaphore, #tpu.memory_space<semaphore_mem>>)
      %dma_wait3A = arith.constant 0 : i32
      %dma_wait3A_107 = tpu.memref_slice %arg7[%dma_wait3A] : memref<520xf32, #tpu.memory_space<vmem>> -> memref<512xf32, #tpu.memory_space<vmem>>
      %dma_wait3A_108 = arith.constant 0 : i32
      %dma_wait3A_109 = tpu.memref_slice %arg2[%add3A_7, %dma_wait3A_108] : memref<128x512xf32, #tpu.memory_space<hbm>> -> memref<1x512xf32, #tpu.memory_space<hbm>>
      %dma_wait3A_110 = tpu.memref_squeeze %dma_wait3A_109 : memref<1x512xf32, #tpu.memory_space<hbm>> -> memref<512xf32, #tpu.memory_space<hbm>>
      %dma_wait3A_111 = arith.constant 0 : i32
      %dma_wait3A_112 = tpu.memref_slice %arg7[%dma_wait3A_111] : memref<520xf32, #tpu.memory_space<vmem>> -> memref<512xf32, #tpu.memory_space<vmem>>
      %dma_wait3A_113 = arith.constant 0 : i32
      %dma_wait3A_114 = tpu.memref_slice %arg2[%add3A_7, %dma_wait3A_113] : memref<128x512xf32, #tpu.memory_space<hbm>> -> memref<1x512xf32, #tpu.memory_space<hbm>>
      %dma_wait3A_115 = tpu.memref_squeeze %dma_wait3A_114 : memref<1x512xf32, #tpu.memory_space<hbm>> -> memref<512xf32, #tpu.memory_space<hbm>>
      tpu.wait_dma2 semaphore(%run_scoped3A : memref<!tpu.dma_semaphore, #tpu.memory_space<semaphore_mem>>) src(%dma_wait3A_115 : memref<512xf32, #tpu.memory_space<hbm>>) dst(%dma_wait3A_112 : memref<512xf32, #tpu.memory_space<vmem>>)
      tpu.yield
    }) : () -> ()
    "tpu.region"() ({
      %run_scoped3A = tpu.sem_alloc : memref<!tpu.dma_semaphore, #tpu.memory_space<semaphore_mem>>
      %dma_start3A = arith.constant 0 : i32
      %dma_start3A_98 = tpu.memref_slice %arg8[%dma_start3A] : memref<520xi32, #tpu.memory_space<vmem>> -> memref<512xi32, #tpu.memory_space<vmem>>
      %dma_start3A_99 = arith.constant 0 : i32
      %dma_start3A_100 = tpu.memref_slice %arg3[%add3A_7, %dma_start3A_99] : memref<128x512xi32, #tpu.memory_space<hbm>> -> memref<1x512xi32, #tpu.memory_space<hbm>>
      %dma_start3A_101 = tpu.memref_squeeze %dma_start3A_100 : memref<1x512xi32, #tpu.memory_space<hbm>> -> memref<512xi32, #tpu.memory_space<hbm>>
      %dma_start3A_102 = arith.constant 0 : i32
      %dma_start3A_103 = tpu.memref_slice %arg8[%dma_start3A_102] : memref<520xi32, #tpu.memory_space<vmem>> -> memref<512xi32, #tpu.memory_space<vmem>>
      %dma_start3A_104 = arith.constant 0 : i32
      %dma_start3A_105 = tpu.memref_slice %arg3[%add3A_7, %dma_start3A_104] : memref<128x512xi32, #tpu.memory_space<hbm>> -> memref<1x512xi32, #tpu.memory_space<hbm>>
      %dma_start3A_106 = tpu.memref_squeeze %dma_start3A_105 : memref<1x512xi32, #tpu.memory_space<hbm>> -> memref<512xi32, #tpu.memory_space<hbm>>
      tpu.enqueue_dma source(%dma_start3A_106 : memref<512xi32, #tpu.memory_space<hbm>>) target(%dma_start3A_103 : memref<512xi32, #tpu.memory_space<vmem>>) target_semaphore(%run_scoped3A : memref<!tpu.dma_semaphore, #tpu.memory_space<semaphore_mem>>)
      %dma_wait3A = arith.constant 0 : i32
      %dma_wait3A_107 = tpu.memref_slice %arg8[%dma_wait3A] : memref<520xi32, #tpu.memory_space<vmem>> -> memref<512xi32, #tpu.memory_space<vmem>>
      %dma_wait3A_108 = arith.constant 0 : i32
      %dma_wait3A_109 = tpu.memref_slice %arg3[%add3A_7, %dma_wait3A_108] : memref<128x512xi32, #tpu.memory_space<hbm>> -> memref<1x512xi32, #tpu.memory_space<hbm>>
      %dma_wait3A_110 = tpu.memref_squeeze %dma_wait3A_109 : memref<1x512xi32, #tpu.memory_space<hbm>> -> memref<512xi32, #tpu.memory_space<hbm>>
      %dma_wait3A_111 = arith.constant 0 : i32
      %dma_wait3A_112 = tpu.memref_slice %arg8[%dma_wait3A_111] : memref<520xi32, #tpu.memory_space<vmem>> -> memref<512xi32, #tpu.memory_space<vmem>>
      %dma_wait3A_113 = arith.constant 0 : i32
      %dma_wait3A_114 = tpu.memref_slice %arg3[%add3A_7, %dma_wait3A_113] : memref<128x512xi32, #tpu.memory_space<hbm>> -> memref<1x512xi32, #tpu.memory_space<hbm>>
      %dma_wait3A_115 = tpu.memref_squeeze %dma_wait3A_114 : memref<1x512xi32, #tpu.memory_space<hbm>> -> memref<512xi32, #tpu.memory_space<hbm>>
      tpu.wait_dma2 semaphore(%run_scoped3A : memref<!tpu.dma_semaphore, #tpu.memory_space<semaphore_mem>>) src(%dma_wait3A_115 : memref<512xi32, #tpu.memory_space<hbm>>) dst(%dma_wait3A_112 : memref<512xi32, #tpu.memory_space<vmem>>)
      tpu.yield
    }) : () -> ()
    %get3A = arith.index_cast %add3A_7 : i32 to index
    %get3A_15 = tpu.vector_load %arg9[%get3A] {strides = array<i32>} : memref<144xi32, #tpu.memory_space<vmem>>, vector<16xi32>,
    %get3A_16 = vector.shape_cast %get3A_15 : vector<16xi32> to vector<16xi32>
    %slice3A = vector.extract_strided_slice %get3A_16 {offsets = [0], sizes = [1], strides = [1]} : vector<16xi32> to vector<1xi32>
    %squeeze3A = vector.extract %slice3A[0] : i32 from vector<1xi32>
    %sub3A = arith.constant 8 : i32
    %sub3A_17 = arith.subi %squeeze3A, %sub3A : i32
    %scan3A = arith.constant 0 : i32
    %scan3A_18 = arith.constant 0 : i32
    %scan3A_19 = arith.constant 32 : i32
    %scan3A_20 = arith.addi %scan3A_18, %scan3A_19 : i32
    %scan3A_21 = arith.constant 1 : i32
    scf.for %scan3A_98 = %scan3A_18 to %scan3A_20 step %scan3A_21  : i32 {
      %mul3A_99 = arith.constant 16 : i32
      %mul3A_100 = arith.muli %scan3A_98, %mul3A_99 : i32
      %add3A_101 = vector.broadcast %mul3A_100 : i32 to vector<16xi32>
      %add3A_102 = arith.addi %add3A_101, %iota3A : vector<16xi32>
      %lt3A = vector.broadcast %sub3A_17 : i32 to vector<16xi32>
      %lt3A_103 = arith.cmpi slt, %add3A_102, %lt3A : vector<16xi32>
      %add3A_104 = arith.constant 0 : i32
      %add3A_105 = arith.addi %mul3A_100, %add3A_104 : i32
      %get3A_106 = arith.index_cast %add3A_105 : i32 to index
      %get3A_107 = tpu.vector_load %arg7[%get3A_106] {strides = array<i32>} : memref<520xf32, #tpu.memory_space<vmem>>, vector<16xf32>,
      %get3A_108 = vector.shape_cast %get3A_107 : vector<16xf32> to vector<16xf32>
      %add3A_109 = arith.constant 0 : i32
      %add3A_110 = arith.addi %mul3A_100, %add3A_109 : i32
      %add3A_111 = arith.constant 1 : i32
      %add3A_112 = arith.addi %add3A_110, %add3A_111 : i32
      %get3A_113 = arith.index_cast %add3A_112 : i32 to index
      %get3A_114 = tpu.vector_load %arg7[%get3A_113] {strides = array<i32>} : memref<520xf32, #tpu.memory_space<vmem>>, vector<16xf32>,
      %get3A_115 = vector.shape_cast %get3A_114 : vector<16xf32> to vector<16xf32>
      %add3A_116 = arith.constant 0 : i32
      %add3A_117 = arith.addi %mul3A_100, %add3A_116 : i32
      %add3A_118 = arith.constant 1 : i32
      %add3A_119 = arith.addi %add3A_117, %add3A_118 : i32
      %get3A_120 = arith.index_cast %add3A_119 : i32 to index
      %get3A_121 = tpu.vector_load %arg8[%get3A_120] {strides = array<i32>} : memref<520xi32, #tpu.memory_space<vmem>>, vector<16xi32>,
      %get3A_122 = vector.shape_cast %get3A_121 : vector<16xi32> to vector<16xi32>
      %sub3A_123 = arith.subf %get3A_115, %get3A_108 : vector<16xf32>
      %jit3A = arith.constant 0.000000e+00 : f32
      %broadcast_in_dim3A_124 = vector.broadcast %jit3A : f32 to vector<16xf32>
      %select_n3A = arith.select %lt3A_103, %sub3A_123, %broadcast_in_dim3A_124 : vector<16xi1>, vector<16xf32>
      %swap3A_125 = arith.constant 0 : i32
      %swap3A_126 = arith.index_cast %swap3A_125 : i32 to index
      %swap3A_127 = arith.index_cast %mul3A_100 : i32 to index
      %swap3A_128 = tpu.vector_load %arg10[%swap3A_126, %swap3A_127] {strides = array<i32>} : memref<8x512xf32, #tpu.memory_space<vmem>>, vector<1x16xf32>,
      %swap3A_129 = vector.shape_cast %swap3A_128 : vector<1x16xf32> to vector<16xf32>
      %swap3A_130 = vector.shape_cast %select_n3A : vector<16xf32> to vector<1x16xf32>
      tpu.vector_store %arg10[%swap3A_126, %swap3A_127], %swap3A_130 {strides = array<i32>} : memref<8x512xf32, #tpu.memory_space<vmem>>, vector<1x16xf32>,
      %add3A_131 = arith.constant 1 : i32
      %add3A_132 = vector.broadcast %add3A_131 : i32 to vector<16xi32>
      %add3A_133 = arith.addi %get3A_122, %add3A_132 : vector<16xi32>
      %convert_element_type3A = arith.sitofp %add3A_133 : vector<16xi32> to vector<16xf32>
      %jit3A_134 = arith.constant -1.000000e+03 : f32
      %broadcast_in_dim3A_135 = vector.broadcast %jit3A_134 : f32 to vector<16xf32>
      %select_n3A_136 = arith.select %lt3A_103, %convert_element_type3A, %broadcast_in_dim3A_135 : vector<16xi1>, vector<16xf32>
      %swap3A_137 = arith.constant 0 : i32
      %swap3A_138 = arith.index_cast %swap3A_137 : i32 to index
      %swap3A_139 = arith.index_cast %mul3A_100 : i32 to index
      %swap3A_140 = tpu.vector_load %arg11[%swap3A_138, %swap3A_139] {strides = array<i32>} : memref<8x512xf32, #tpu.memory_space<vmem>>, vector<1x16xf32>,
      %swap3A_141 = vector.shape_cast %swap3A_140 : vector<1x16xf32> to vector<16xf32>
      %swap3A_142 = vector.shape_cast %select_n3A_136 : vector<16xf32> to vector<1x16xf32>
      tpu.vector_store %arg11[%swap3A_138, %swap3A_139], %swap3A_142 {strides = array<i32>} : memref<8x512xf32, #tpu.memory_space<vmem>>, vector<1x16xf32>,
      %add3A_143 = arith.constant 1 : i32
      %add3A_144 = arith.addi %mul3A_100, %add3A_143 : i32
      %get3A_145 = arith.index_cast %add3A_144 : i32 to index
      %get3A_146 = tpu.vector_load %arg7[%get3A_145] {strides = array<i32>} : memref<520xf32, #tpu.memory_space<vmem>>, vector<16xf32>,
      %get3A_147 = vector.shape_cast %get3A_146 : vector<16xf32> to vector<16xf32>
      %add3A_148 = arith.constant 1 : i32
      %add3A_149 = arith.addi %mul3A_100, %add3A_148 : i32
      %add3A_150 = arith.constant 1 : i32
      %add3A_151 = arith.addi %add3A_149, %add3A_150 : i32
      %get3A_152 = arith.index_cast %add3A_151 : i32 to index
      %get3A_153 = tpu.vector_load %arg7[%get3A_152] {strides = array<i32>} : memref<520xf32, #tpu.memory_space<vmem>>, vector<16xf32>,
      %get3A_154 = vector.shape_cast %get3A_153 : vector<16xf32> to vector<16xf32>
      %add3A_155 = arith.constant 1 : i32
      %add3A_156 = arith.addi %mul3A_100, %add3A_155 : i32
      %add3A_157 = arith.constant 1 : i32
      %add3A_158 = arith.addi %add3A_156, %add3A_157 : i32
      %get3A_159 = arith.index_cast %add3A_158 : i32 to index
      %get3A_160 = tpu.vector_load %arg8[%get3A_159] {strides = array<i32>} : memref<520xi32, #tpu.memory_space<vmem>>, vector<16xi32>,
      %get3A_161 = vector.shape_cast %get3A_160 : vector<16xi32> to vector<16xi32>
      %sub3A_162 = arith.subf %get3A_154, %get3A_147 : vector<16xf32>
      %jit3A_163 = arith.constant 0.000000e+00 : f32
      %broadcast_in_dim3A_164 = vector.broadcast %jit3A_163 : f32 to vector<16xf32>
      %select_n3A_165 = arith.select %lt3A_103, %sub3A_162, %broadcast_in_dim3A_164 : vector<16xi1>, vector<16xf32>
      %swap3A_166 = arith.constant 1 : i32
      %swap3A_167 = arith.index_cast %swap3A_166 : i32 to index
      %swap3A_168 = arith.index_cast %mul3A_100 : i32 to index
      %swap3A_169 = tpu.vector_load %arg10[%swap3A_167, %swap3A_168] {strides = array<i32>} : memref<8x512xf32, #tpu.memory_space<vmem>>, vector<1x16xf32>,
      %swap3A_170 = vector.shape_cast %swap3A_169 : vector<1x16xf32> to vector<16xf32>
      %swap3A_171 = vector.shape_cast %select_n3A_165 : vector<16xf32> to vector<1x16xf32>
      tpu.vector_store %arg10[%swap3A_167, %swap3A_168], %swap3A_171 {strides = array<i32>} : memref<8x512xf32, #tpu.memory_space<vmem>>, vector<1x16xf32>,
      %add3A_172 = arith.constant 66 : i32
      %add3A_173 = vector.broadcast %add3A_172 : i32 to vector<16xi32>
      %add3A_174 = arith.addi %get3A_161, %add3A_173 : vector<16xi32>
      %convert_element_type3A_175 = arith.sitofp %add3A_174 : vector<16xi32> to vector<16xf32>
      %jit3A_176 = arith.constant -1.000000e+03 : f32
      %broadcast_in_dim3A_177 = vector.broadcast %jit3A_176 : f32 to vector<16xf32>
      %select_n3A_178 = arith.select %lt3A_103, %convert_element_type3A_175, %broadcast_in_dim3A_177 : vector<16xi1>, vector<16xf32>
      %swap3A_179 = arith.constant 1 : i32
      %swap3A_180 = arith.index_cast %swap3A_179 : i32 to index
      %swap3A_181 = arith.index_cast %mul3A_100 : i32 to index
      %swap3A_182 = tpu.vector_load %arg11[%swap3A_180, %swap3A_181] {strides = array<i32>} : memref<8x512xf32, #tpu.memory_space<vmem>>, vector<1x16xf32>,
      %swap3A_183 = vector.shape_cast %swap3A_182 : vector<1x16xf32> to vector<16xf32>
      %swap3A_184 = vector.shape_cast %select_n3A_178 : vector<16xf32> to vector<1x16xf32>
      tpu.vector_store %arg11[%swap3A_180, %swap3A_181], %swap3A_184 {strides = array<i32>} : memref<8x512xf32, #tpu.memory_space<vmem>>, vector<1x16xf32>,
      %add3A_185 = arith.constant 2 : i32
      %add3A_186 = arith.addi %mul3A_100, %add3A_185 : i32
      %get3A_187 = arith.index_cast %add3A_186 : i32 to index
      %get3A_188 = tpu.vector_load %arg7[%get3A_187] {strides = array<i32>} : memref<520xf32, #tpu.memory_space<vmem>>, vector<16xf32>,
      %get3A_189 = vector.shape_cast %get3A_188 : vector<16xf32> to vector<16xf32>
      %add3A_190 = arith.constant 2 : i32
      %add3A_191 = arith.addi %mul3A_100, %add3A_190 : i32
      %add3A_192 = arith.constant 1 : i32
      %add3A_193 = arith.addi %add3A_191, %add3A_192 : i32
      %get3A_194 = arith.index_cast %add3A_193 : i32 to index
      %get3A_195 = tpu.vector_load %arg7[%get3A_194] {strides = array<i32>} : memref<520xf32, #tpu.memory_space<vmem>>, vector<16xf32>,
      %get3A_196 = vector.shape_cast %get3A_195 : vector<16xf32> to vector<16xf32>
      %add3A_197 = arith.constant 2 : i32
      %add3A_198 = arith.addi %mul3A_100, %add3A_197 : i32
      %add3A_199 = arith.constant 1 : i32
      %add3A_200 = arith.addi %add3A_198, %add3A_199 : i32
      %get3A_201 = arith.index_cast %add3A_200 : i32 to index
      %get3A_202 = tpu.vector_load %arg8[%get3A_201] {strides = array<i32>} : memref<520xi32, #tpu.memory_space<vmem>>, vector<16xi32>,
      %get3A_203 = vector.shape_cast %get3A_202 : vector<16xi32> to vector<16xi32>
      %sub3A_204 = arith.subf %get3A_196, %get3A_189 : vector<16xf32>
      %jit3A_205 = arith.constant 0.000000e+00 : f32
      %broadcast_in_dim3A_206 = vector.broadcast %jit3A_205 : f32 to vector<16xf32>
      %select_n3A_207 = arith.select %lt3A_103, %sub3A_204, %broadcast_in_dim3A_206 : vector<16xi1>, vector<16xf32>
      %swap3A_208 = arith.constant 2 : i32
      %swap3A_209 = arith.index_cast %swap3A_208 : i32 to index
      %swap3A_210 = arith.index_cast %mul3A_100 : i32 to index
      %swap3A_211 = tpu.vector_load %arg10[%swap3A_209, %swap3A_210] {strides = array<i32>} : memref<8x512xf32, #tpu.memory_space<vmem>>, vector<1x16xf32>,
      %swap3A_212 = vector.shape_cast %swap3A_211 : vector<1x16xf32> to vector<16xf32>
      %swap3A_213 = vector.shape_cast %select_n3A_207 : vector<16xf32> to vector<1x16xf32>
      tpu.vector_store %arg10[%swap3A_209, %swap3A_210], %swap3A_213 {strides = array<i32>} : memref<8x512xf32, #tpu.memory_space<vmem>>, vector<1x16xf32>,
      %add3A_214 = arith.constant 131 : i32
      %add3A_215 = vector.broadcast %add3A_214 : i32 to vector<16xi32>
      %add3A_216 = arith.addi %get3A_203, %add3A_215 : vector<16xi32>
      %convert_element_type3A_217 = arith.sitofp %add3A_216 : vector<16xi32> to vector<16xf32>
      %jit3A_218 = arith.constant -1.000000e+03 : f32
      %broadcast_in_dim3A_219 = vector.broadcast %jit3A_218 : f32 to vector<16xf32>
      %select_n3A_220 = arith.select %lt3A_103, %convert_element_type3A_217, %broadcast_in_dim3A_219 : vector<16xi1>, vector<16xf32>
      %swap3A_221 = arith.constant 2 : i32
      %swap3A_222 = arith.index_cast %swap3A_221 : i32 to index
      %swap3A_223 = arith.index_cast %mul3A_100 : i32 to index
      %swap3A_224 = tpu.vector_load %arg11[%swap3A_222, %swap3A_223] {strides = array<i32>} : memref<8x512xf32, #tpu.memory_space<vmem>>, vector<1x16xf32>,
      %swap3A_225 = vector.shape_cast %swap3A_224 : vector<1x16xf32> to vector<16xf32>
      %swap3A_226 = vector.shape_cast %select_n3A_220 : vector<16xf32> to vector<1x16xf32>
      tpu.vector_store %arg11[%swap3A_222, %swap3A_223], %swap3A_226 {strides = array<i32>} : memref<8x512xf32, #tpu.memory_space<vmem>>, vector<1x16xf32>,
      %add3A_227 = arith.constant 3 : i32
      %add3A_228 = arith.addi %mul3A_100, %add3A_227 : i32
      %get3A_229 = arith.index_cast %add3A_228 : i32 to index
      %get3A_230 = tpu.vector_load %arg7[%get3A_229] {strides = array<i32>} : memref<520xf32, #tpu.memory_space<vmem>>, vector<16xf32>,
      %get3A_231 = vector.shape_cast %get3A_230 : vector<16xf32> to vector<16xf32>
      %add3A_232 = arith.constant 3 : i32
      %add3A_233 = arith.addi %mul3A_100, %add3A_232 : i32
      %add3A_234 = arith.constant 1 : i32
      %add3A_235 = arith.addi %add3A_233, %add3A_234 : i32
      %get3A_236 = arith.index_cast %add3A_235 : i32 to index
      %get3A_237 = tpu.vector_load %arg7[%get3A_236] {strides = array<i32>} : memref<520xf32, #tpu.memory_space<vmem>>, vector<16xf32>,
      %get3A_238 = vector.shape_cast %get3A_237 : vector<16xf32> to vector<16xf32>
      %add3A_239 = arith.constant 3 : i32
      %add3A_240 = arith.addi %mul3A_100, %add3A_239 : i32
      %add3A_241 = arith.constant 1 : i32
      %add3A_242 = arith.addi %add3A_240, %add3A_241 : i32
      %get3A_243 = arith.index_cast %add3A_242 : i32 to index
      %get3A_244 = tpu.vector_load %arg8[%get3A_243] {strides = array<i32>} : memref<520xi32, #tpu.memory_space<vmem>>, vector<16xi32>,
      %get3A_245 = vector.shape_cast %get3A_244 : vector<16xi32> to vector<16xi32>
      %sub3A_246 = arith.subf %get3A_238, %get3A_231 : vector<16xf32>
      %jit3A_247 = arith.constant 0.000000e+00 : f32
      %broadcast_in_dim3A_248 = vector.broadcast %jit3A_247 : f32 to vector<16xf32>
      %select_n3A_249 = arith.select %lt3A_103, %sub3A_246, %broadcast_in_dim3A_248 : vector<16xi1>, vector<16xf32>
      %swap3A_250 = arith.constant 3 : i32
      %swap3A_251 = arith.index_cast %swap3A_250 : i32 to index
      %swap3A_252 = arith.index_cast %mul3A_100 : i32 to index
      %swap3A_253 = tpu.vector_load %arg10[%swap3A_251, %swap3A_252] {strides = array<i32>} : memref<8x512xf32, #tpu.memory_space<vmem>>, vector<1x16xf32>,
      %swap3A_254 = vector.shape_cast %swap3A_253 : vector<1x16xf32> to vector<16xf32>
      %swap3A_255 = vector.shape_cast %select_n3A_249 : vector<16xf32> to vector<1x16xf32>
      tpu.vector_store %arg10[%swap3A_251, %swap3A_252], %swap3A_255 {strides = array<i32>} : memref<8x512xf32, #tpu.memory_space<vmem>>, vector<1x16xf32>,
      %add3A_256 = arith.constant 196 : i32
      %add3A_257 = vector.broadcast %add3A_256 : i32 to vector<16xi32>
      %add3A_258 = arith.addi %get3A_245, %add3A_257 : vector<16xi32>
      %convert_element_type3A_259 = arith.sitofp %add3A_258 : vector<16xi32> to vector<16xf32>
      %jit3A_260 = arith.constant -1.000000e+03 : f32
      %broadcast_in_dim3A_261 = vector.broadcast %jit3A_260 : f32 to vector<16xf32>
      %select_n3A_262 = arith.select %lt3A_103, %convert_element_type3A_259, %broadcast_in_dim3A_261 : vector<16xi1>, vector<16xf32>
      %swap3A_263 = arith.constant 3 : i32
      %swap3A_264 = arith.index_cast %swap3A_263 : i32 to index
      %swap3A_265 = arith.index_cast %mul3A_100 : i32 to index
      %swap3A_266 = tpu.vector_load %arg11[%swap3A_264, %swap3A_265] {strides = array<i32>} : memref<8x512xf32, #tpu.memory_space<vmem>>, vector<1x16xf32>,
      %swap3A_267 = vector.shape_cast %swap3A_266 : vector<1x16xf32> to vector<16xf32>
      %swap3A_268 = vector.shape_cast %select_n3A_262 : vector<16xf32> to vector<1x16xf32>
      tpu.vector_store %arg11[%swap3A_264, %swap3A_265], %swap3A_268 {strides = array<i32>} : memref<8x512xf32, #tpu.memory_space<vmem>>, vector<1x16xf32>,
      %add3A_269 = arith.constant 4 : i32
      %add3A_270 = arith.addi %mul3A_100, %add3A_269 : i32
      %get3A_271 = arith.index_cast %add3A_270 : i32 to index
      %get3A_272 = tpu.vector_load %arg7[%get3A_271] {strides = array<i32>} : memref<520xf32, #tpu.memory_space<vmem>>, vector<16xf32>,
      %get3A_273 = vector.shape_cast %get3A_272 : vector<16xf32> to vector<16xf32>
      %add3A_274 = arith.constant 4 : i32
      %add3A_275 = arith.addi %mul3A_100, %add3A_274 : i32
      %add3A_276 = arith.constant 1 : i32
      %add3A_277 = arith.addi %add3A_275, %add3A_276 : i32
      %get3A_278 = arith.index_cast %add3A_277 : i32 to index
      %get3A_279 = tpu.vector_load %arg7[%get3A_278] {strides = array<i32>} : memref<520xf32, #tpu.memory_space<vmem>>, vector<16xf32>,
      %get3A_280 = vector.shape_cast %get3A_279 : vector<16xf32> to vector<16xf32>
      %add3A_281 = arith.constant 4 : i32
      %add3A_282 = arith.addi %mul3A_100, %add3A_281 : i32
      %add3A_283 = arith.constant 1 : i32
      %add3A_284 = arith.addi %add3A_282, %add3A_283 : i32
      %get3A_285 = arith.index_cast %add3A_284 : i32 to index
      %get3A_286 = tpu.vector_load %arg8[%get3A_285] {strides = array<i32>} : memref<520xi32, #tpu.memory_space<vmem>>, vector<16xi32>,
      %get3A_287 = vector.shape_cast %get3A_286 : vector<16xi32> to vector<16xi32>
      %sub3A_288 = arith.subf %get3A_280, %get3A_273 : vector<16xf32>
      %jit3A_289 = arith.constant 0.000000e+00 : f32
      %broadcast_in_dim3A_290 = vector.broadcast %jit3A_289 : f32 to vector<16xf32>
      %select_n3A_291 = arith.select %lt3A_103, %sub3A_288, %broadcast_in_dim3A_290 : vector<16xi1>, vector<16xf32>
      %swap3A_292 = arith.constant 4 : i32
      %swap3A_293 = arith.index_cast %swap3A_292 : i32 to index
      %swap3A_294 = arith.index_cast %mul3A_100 : i32 to index
      %swap3A_295 = tpu.vector_load %arg10[%swap3A_293, %swap3A_294] {strides = array<i32>} : memref<8x512xf32, #tpu.memory_space<vmem>>, vector<1x16xf32>,
      %swap3A_296 = vector.shape_cast %swap3A_295 : vector<1x16xf32> to vector<16xf32>
      %swap3A_297 = vector.shape_cast %select_n3A_291 : vector<16xf32> to vector<1x16xf32>
      tpu.vector_store %arg10[%swap3A_293, %swap3A_294], %swap3A_297 {strides = array<i32>} : memref<8x512xf32, #tpu.memory_space<vmem>>, vector<1x16xf32>,
      %add3A_298 = arith.constant 261 : i32
      %add3A_299 = vector.broadcast %add3A_298 : i32 to vector<16xi32>
      %add3A_300 = arith.addi %get3A_287, %add3A_299 : vector<16xi32>
      %convert_element_type3A_301 = arith.sitofp %add3A_300 : vector<16xi32> to vector<16xf32>
      %jit3A_302 = arith.constant -1.000000e+03 : f32
      %broadcast_in_dim3A_303 = vector.broadcast %jit3A_302 : f32 to vector<16xf32>
      %select_n3A_304 = arith.select %lt3A_103, %convert_element_type3A_301, %broadcast_in_dim3A_303 : vector<16xi1>, vector<16xf32>
      %swap3A_305 = arith.constant 4 : i32
      %swap3A_306 = arith.index_cast %swap3A_305 : i32 to index
      %swap3A_307 = arith.index_cast %mul3A_100 : i32 to index
      %swap3A_308 = tpu.vector_load %arg11[%swap3A_306, %swap3A_307] {strides = array<i32>} : memref<8x512xf32, #tpu.memory_space<vmem>>, vector<1x16xf32>,
      %swap3A_309 = vector.shape_cast %swap3A_308 : vector<1x16xf32> to vector<16xf32>
      %swap3A_310 = vector.shape_cast %select_n3A_304 : vector<16xf32> to vector<1x16xf32>
      tpu.vector_store %arg11[%swap3A_306, %swap3A_307], %swap3A_310 {strides = array<i32>} : memref<8x512xf32, #tpu.memory_space<vmem>>, vector<1x16xf32>,
      %add3A_311 = arith.constant 5 : i32
      %add3A_312 = arith.addi %mul3A_100, %add3A_311 : i32
      %get3A_313 = arith.index_cast %add3A_312 : i32 to index
      %get3A_314 = tpu.vector_load %arg7[%get3A_313] {strides = array<i32>} : memref<520xf32, #tpu.memory_space<vmem>>, vector<16xf32>,
      %get3A_315 = vector.shape_cast %get3A_314 : vector<16xf32> to vector<16xf32>
      %add3A_316 = arith.constant 5 : i32
      %add3A_317 = arith.addi %mul3A_100, %add3A_316 : i32
      %add3A_318 = arith.constant 1 : i32
      %add3A_319 = arith.addi %add3A_317, %add3A_318 : i32
      %get3A_320 = arith.index_cast %add3A_319 : i32 to index
      %get3A_321 = tpu.vector_load %arg7[%get3A_320] {strides = array<i32>} : memref<520xf32, #tpu.memory_space<vmem>>, vector<16xf32>,
      %get3A_322 = vector.shape_cast %get3A_321 : vector<16xf32> to vector<16xf32>
      %add3A_323 = arith.constant 5 : i32
      %add3A_324 = arith.addi %mul3A_100, %add3A_323 : i32
      %add3A_325 = arith.constant 1 : i32
      %add3A_326 = arith.addi %add3A_324, %add3A_325 : i32
      %get3A_327 = arith.index_cast %add3A_326 : i32 to index
      %get3A_328 = tpu.vector_load %arg8[%get3A_327] {strides = array<i32>} : memref<520xi32, #tpu.memory_space<vmem>>, vector<16xi32>,
      %get3A_329 = vector.shape_cast %get3A_328 : vector<16xi32> to vector<16xi32>
      %sub3A_330 = arith.subf %get3A_322, %get3A_315 : vector<16xf32>
      %jit3A_331 = arith.constant 0.000000e+00 : f32
      %broadcast_in_dim3A_332 = vector.broadcast %jit3A_331 : f32 to vector<16xf32>
      %select_n3A_333 = arith.select %lt3A_103, %sub3A_330, %broadcast_in_dim3A_332 : vector<16xi1>, vector<16xf32>
      %swap3A_334 = arith.constant 5 : i32
      %swap3A_335 = arith.index_cast %swap3A_334 : i32 to index
      %swap3A_336 = arith.index_cast %mul3A_100 : i32 to index
      %swap3A_337 = tpu.vector_load %arg10[%swap3A_335, %swap3A_336] {strides = array<i32>} : memref<8x512xf32, #tpu.memory_space<vmem>>, vector<1x16xf32>,
      %swap3A_338 = vector.shape_cast %swap3A_337 : vector<1x16xf32> to vector<16xf32>
      %swap3A_339 = vector.shape_cast %select_n3A_333 : vector<16xf32> to vector<1x16xf32>
      tpu.vector_store %arg10[%swap3A_335, %swap3A_336], %swap3A_339 {strides = array<i32>} : memref<8x512xf32, #tpu.memory_space<vmem>>, vector<1x16xf32>,
      %add3A_340 = arith.constant 326 : i32
      %add3A_341 = vector.broadcast %add3A_340 : i32 to vector<16xi32>
      %add3A_342 = arith.addi %get3A_329, %add3A_341 : vector<16xi32>
      %convert_element_type3A_343 = arith.sitofp %add3A_342 : vector<16xi32> to vector<16xf32>
      %jit3A_344 = arith.constant -1.000000e+03 : f32
      %broadcast_in_dim3A_345 = vector.broadcast %jit3A_344 : f32 to vector<16xf32>
      %select_n3A_346 = arith.select %lt3A_103, %convert_element_type3A_343, %broadcast_in_dim3A_345 : vector<16xi1>, vector<16xf32>
      %swap3A_347 = arith.constant 5 : i32
      %swap3A_348 = arith.index_cast %swap3A_347 : i32 to index
      %swap3A_349 = arith.index_cast %mul3A_100 : i32 to index
      %swap3A_350 = tpu.vector_load %arg11[%swap3A_348, %swap3A_349] {strides = array<i32>} : memref<8x512xf32, #tpu.memory_space<vmem>>, vector<1x16xf32>,
      %swap3A_351 = vector.shape_cast %swap3A_350 : vector<1x16xf32> to vector<16xf32>
      %swap3A_352 = vector.shape_cast %select_n3A_346 : vector<16xf32> to vector<1x16xf32>
      tpu.vector_store %arg11[%swap3A_348, %swap3A_349], %swap3A_352 {strides = array<i32>} : memref<8x512xf32, #tpu.memory_space<vmem>>, vector<1x16xf32>,
      %add3A_353 = arith.constant 6 : i32
      %add3A_354 = arith.addi %mul3A_100, %add3A_353 : i32
      %get3A_355 = arith.index_cast %add3A_354 : i32 to index
      %get3A_356 = tpu.vector_load %arg7[%get3A_355] {strides = array<i32>} : memref<520xf32, #tpu.memory_space<vmem>>, vector<16xf32>,
      %get3A_357 = vector.shape_cast %get3A_356 : vector<16xf32> to vector<16xf32>
      %add3A_358 = arith.constant 6 : i32
      %add3A_359 = arith.addi %mul3A_100, %add3A_358 : i32
      %add3A_360 = arith.constant 1 : i32
      %add3A_361 = arith.addi %add3A_359, %add3A_360 : i32
      %get3A_362 = arith.index_cast %add3A_361 : i32 to index
      %get3A_363 = tpu.vector_load %arg7[%get3A_362] {strides = array<i32>} : memref<520xf32, #tpu.memory_space<vmem>>, vector<16xf32>,
      %get3A_364 = vector.shape_cast %get3A_363 : vector<16xf32> to vector<16xf32>
      %add3A_365 = arith.constant 6 : i32
      %add3A_366 = arith.addi %mul3A_100, %add3A_365 : i32
      %add3A_367 = arith.constant 1 : i32
      %add3A_368 = arith.addi %add3A_366, %add3A_367 : i32
      %get3A_369 = arith.index_cast %add3A_368 : i32 to index
      %get3A_370 = tpu.vector_load %arg8[%get3A_369] {strides = array<i32>} : memref<520xi32, #tpu.memory_space<vmem>>, vector<16xi32>,
      %get3A_371 = vector.shape_cast %get3A_370 : vector<16xi32> to vector<16xi32>
      %sub3A_372 = arith.subf %get3A_364, %get3A_357 : vector<16xf32>
      %jit3A_373 = arith.constant 0.000000e+00 : f32
      %broadcast_in_dim3A_374 = vector.broadcast %jit3A_373 : f32 to vector<16xf32>
      %select_n3A_375 = arith.select %lt3A_103, %sub3A_372, %broadcast_in_dim3A_374 : vector<16xi1>, vector<16xf32>
      %swap3A_376 = arith.constant 6 : i32
      %swap3A_377 = arith.index_cast %swap3A_376 : i32 to index
      %swap3A_378 = arith.index_cast %mul3A_100 : i32 to index
      %swap3A_379 = tpu.vector_load %arg10[%swap3A_377, %swap3A_378] {strides = array<i32>} : memref<8x512xf32, #tpu.memory_space<vmem>>, vector<1x16xf32>,
      %swap3A_380 = vector.shape_cast %swap3A_379 : vector<1x16xf32> to vector<16xf32>
      %swap3A_381 = vector.shape_cast %select_n3A_375 : vector<16xf32> to vector<1x16xf32>
      tpu.vector_store %arg10[%swap3A_377, %swap3A_378], %swap3A_381 {strides = array<i32>} : memref<8x512xf32, #tpu.memory_space<vmem>>, vector<1x16xf32>,
      %add3A_382 = arith.constant 391 : i32
      %add3A_383 = vector.broadcast %add3A_382 : i32 to vector<16xi32>
      %add3A_384 = arith.addi %get3A_371, %add3A_383 : vector<16xi32>
      %convert_element_type3A_385 = arith.sitofp %add3A_384 : vector<16xi32> to vector<16xf32>
      %jit3A_386 = arith.constant -1.000000e+03 : f32
      %broadcast_in_dim3A_387 = vector.broadcast %jit3A_386 : f32 to vector<16xf32>
      %select_n3A_388 = arith.select %lt3A_103, %convert_element_type3A_385, %broadcast_in_dim3A_387 : vector<16xi1>, vector<16xf32>
      %swap3A_389 = arith.constant 6 : i32
      %swap3A_390 = arith.index_cast %swap3A_389 : i32 to index
      %swap3A_391 = arith.index_cast %mul3A_100 : i32 to index
      %swap3A_392 = tpu.vector_load %arg11[%swap3A_390, %swap3A_391] {strides = array<i32>} : memref<8x512xf32, #tpu.memory_space<vmem>>, vector<1x16xf32>,
      %swap3A_393 = vector.shape_cast %swap3A_392 : vector<1x16xf32> to vector<16xf32>
      %swap3A_394 = vector.shape_cast %select_n3A_388 : vector<16xf32> to vector<1x16xf32>
      tpu.vector_store %arg11[%swap3A_390, %swap3A_391], %swap3A_394 {strides = array<i32>} : memref<8x512xf32, #tpu.memory_space<vmem>>, vector<1x16xf32>,
      %add3A_395 = arith.constant 7 : i32
      %add3A_396 = arith.addi %mul3A_100, %add3A_395 : i32
      %get3A_397 = arith.index_cast %add3A_396 : i32 to index
      %get3A_398 = tpu.vector_load %arg7[%get3A_397] {strides = array<i32>} : memref<520xf32, #tpu.memory_space<vmem>>, vector<16xf32>,
      %get3A_399 = vector.shape_cast %get3A_398 : vector<16xf32> to vector<16xf32>
      %add3A_400 = arith.constant 7 : i32
      %add3A_401 = arith.addi %mul3A_100, %add3A_400 : i32
      %add3A_402 = arith.constant 1 : i32
      %add3A_403 = arith.addi %add3A_401, %add3A_402 : i32
      %get3A_404 = arith.index_cast %add3A_403 : i32 to index
      %get3A_405 = tpu.vector_load %arg7[%get3A_404] {strides = array<i32>} : memref<520xf32, #tpu.memory_space<vmem>>, vector<16xf32>,
      %get3A_406 = vector.shape_cast %get3A_405 : vector<16xf32> to vector<16xf32>
      %add3A_407 = arith.constant 7 : i32
      %add3A_408 = arith.addi %mul3A_100, %add3A_407 : i32
      %add3A_409 = arith.constant 1 : i32
      %add3A_410 = arith.addi %add3A_408, %add3A_409 : i32
      %get3A_411 = arith.index_cast %add3A_410 : i32 to index
      %get3A_412 = tpu.vector_load %arg8[%get3A_411] {strides = array<i32>} : memref<520xi32, #tpu.memory_space<vmem>>, vector<16xi32>,
      %get3A_413 = vector.shape_cast %get3A_412 : vector<16xi32> to vector<16xi32>
      %sub3A_414 = arith.subf %get3A_406, %get3A_399 : vector<16xf32>
      %jit3A_415 = arith.constant 0.000000e+00 : f32
      %broadcast_in_dim3A_416 = vector.broadcast %jit3A_415 : f32 to vector<16xf32>
      %select_n3A_417 = arith.select %lt3A_103, %sub3A_414, %broadcast_in_dim3A_416 : vector<16xi1>, vector<16xf32>
      %swap3A_418 = arith.constant 7 : i32
      %swap3A_419 = arith.index_cast %swap3A_418 : i32 to index
      %swap3A_420 = arith.index_cast %mul3A_100 : i32 to index
      %swap3A_421 = tpu.vector_load %arg10[%swap3A_419, %swap3A_420] {strides = array<i32>} : memref<8x512xf32, #tpu.memory_space<vmem>>, vector<1x16xf32>,
      %swap3A_422 = vector.shape_cast %swap3A_421 : vector<1x16xf32> to vector<16xf32>
      %swap3A_423 = vector.shape_cast %select_n3A_417 : vector<16xf32> to vector<1x16xf32>
      tpu.vector_store %arg10[%swap3A_419, %swap3A_420], %swap3A_423 {strides = array<i32>} : memref<8x512xf32, #tpu.memory_space<vmem>>, vector<1x16xf32>,
      %add3A_424 = arith.constant 456 : i32
      %add3A_425 = vector.broadcast %add3A_424 : i32 to vector<16xi32>
      %add3A_426 = arith.addi %get3A_413, %add3A_425 : vector<16xi32>
      %convert_element_type3A_427 = arith.sitofp %add3A_426 : vector<16xi32> to vector<16xf32>
      %jit3A_428 = arith.constant -1.000000e+03 : f32
      %broadcast_in_dim3A_429 = vector.broadcast %jit3A_428 : f32 to vector<16xf32>
      %select_n3A_430 = arith.select %lt3A_103, %convert_element_type3A_427, %broadcast_in_dim3A_429 : vector<16xi1>, vector<16xf32>
      %swap3A_431 = arith.constant 7 : i32
      %swap3A_432 = arith.index_cast %swap3A_431 : i32 to index
      %swap3A_433 = arith.index_cast %mul3A_100 : i32 to index
      %swap3A_434 = tpu.vector_load %arg11[%swap3A_432, %swap3A_433] {strides = array<i32>} : memref<8x512xf32, #tpu.memory_space<vmem>>, vector<1x16xf32>,
      %swap3A_435 = vector.shape_cast %swap3A_434 : vector<1x16xf32> to vector<16xf32>
      %swap3A_436 = vector.shape_cast %select_n3A_430 : vector<16xf32> to vector<1x16xf32>
      tpu.vector_store %arg11[%swap3A_432, %swap3A_433], %swap3A_436 {strides = array<i32>} : memref<8x512xf32, #tpu.memory_space<vmem>>, vector<1x16xf32>,
    }
    %scan3A_22 = arith.constant 32 : i32
    "tpu.region"() ({
      %run_scoped3A = tpu.sem_alloc : memref<!tpu.dma_semaphore, #tpu.memory_space<semaphore_mem>>
      %dma_start3A = arith.constant 0 : i32
      %dma_start3A_98 = arith.constant 0 : i32
      %dma_start3A_99 = tpu.memref_slice %arg5[%add3A_7, %dma_start3A, %dma_start3A_98] : memref<128x8x512xf32, #tpu.memory_space<hbm>> -> memref<1x8x512xf32, #tpu.memory_space<hbm>>
      %dma_start3A_100 = tpu.memref_squeeze %dma_start3A_99 : memref<1x8x512xf32, #tpu.memory_space<hbm>> -> memref<8x512xf32, #tpu.memory_space<hbm>>
      %dma_start3A_101 = arith.constant 0 : i32
      %dma_start3A_102 = arith.constant 0 : i32
      %dma_start3A_103 = tpu.memref_slice %arg5[%add3A_7, %dma_start3A_101, %dma_start3A_102] : memref<128x8x512xf32, #tpu.memory_space<hbm>> -> memref<1x8x512xf32, #tpu.memory_space<hbm>>
      %dma_start3A_104 = tpu.memref_squeeze %dma_start3A_103 : memref<1x8x512xf32, #tpu.memory_space<hbm>> -> memref<8x512xf32, #tpu.memory_space<hbm>>
      tpu.enqueue_dma source(%arg10 : memref<8x512xf32, #tpu.memory_space<vmem>>) target(%dma_start3A_104 : memref<8x512xf32, #tpu.memory_space<hbm>>) target_semaphore(%run_scoped3A : memref<!tpu.dma_semaphore, #tpu.memory_space<semaphore_mem>>)
      %dma_wait3A = arith.constant 0 : i32
      %dma_wait3A_105 = arith.constant 0 : i32
      %dma_wait3A_106 = tpu.memref_slice %arg5[%add3A_7, %dma_wait3A, %dma_wait3A_105] : memref<128x8x512xf32, #tpu.memory_space<hbm>> -> memref<1x8x512xf32, #tpu.memory_space<hbm>>
      %dma_wait3A_107 = tpu.memref_squeeze %dma_wait3A_106 : memref<1x8x512xf32, #tpu.memory_space<hbm>> -> memref<8x512xf32, #tpu.memory_space<hbm>>
      %dma_wait3A_108 = arith.constant 0 : i32
      %dma_wait3A_109 = arith.constant 0 : i32
      %dma_wait3A_110 = tpu.memref_slice %arg5[%add3A_7, %dma_wait3A_108, %dma_wait3A_109] : memref<128x8x512xf32, #tpu.memory_space<hbm>> -> memref<1x8x512xf32, #tpu.memory_space<hbm>>
      %dma_wait3A_111 = tpu.memref_squeeze %dma_wait3A_110 : memref<1x8x512xf32, #tpu.memory_space<hbm>> -> memref<8x512xf32, #tpu.memory_space<hbm>>
      tpu.wait_dma2 semaphore(%run_scoped3A : memref<!tpu.dma_semaphore, #tpu.memory_space<semaphore_mem>>) src(%arg10 : memref<8x512xf32, #tpu.memory_space<vmem>>) dst(%dma_wait3A_111 : memref<8x512xf32, #tpu.memory_space<hbm>>)
      tpu.yield
    }) : () -> ()
    "tpu.region"() ({
      %run_scoped3A = tpu.sem_alloc : memref<!tpu.dma_semaphore, #tpu.memory_space<semaphore_mem>>
      %dma_start3A = arith.constant 0 : i32
      %dma_start3A_98 = arith.constant 0 : i32
      %dma_start3A_99 = tpu.memref_slice %arg6[%add3A_7, %dma_start3A, %dma_start3A_98] : memref<128x8x512xf32, #tpu.memory_space<hbm>> -> memref<1x8x512xf32, #tpu.memory_space<hbm>>
      %dma_start3A_100 = tpu.memref_squeeze %dma_start3A_99 : memref<1x8x512xf32, #tpu.memory_space<hbm>> -> memref<8x512xf32, #tpu.memory_space<hbm>>
      %dma_start3A_101 = arith.constant 0 : i32
      %dma_start3A_102 = arith.constant 0 : i32
      %dma_start3A_103 = tpu.memref_slice %arg6[%add3A_7, %dma_start3A_101, %dma_start3A_102] : memref<128x8x512xf32, #tpu.memory_space<hbm>> -> memref<1x8x512xf32, #tpu.memory_space<hbm>>
      %dma_start3A_104 = tpu.memref_squeeze %dma_start3A_103 : memref<1x8x512xf32, #tpu.memory_space<hbm>> -> memref<8x512xf32, #tpu.memory_space<hbm>>
      tpu.enqueue_dma source(%arg11 : memref<8x512xf32, #tpu.memory_space<vmem>>) target(%dma_start3A_104 : memref<8x512xf32, #tpu.memory_space<hbm>>) target_semaphore(%run_scoped3A : memref<!tpu.dma_semaphore, #tpu.memory_space<semaphore_mem>>)
      %dma_wait3A = arith.constant 0 : i32
      %dma_wait3A_105 = arith.constant 0 : i32
      %dma_wait3A_106 = tpu.memref_slice %arg6[%add3A_7, %dma_wait3A, %dma_wait3A_105] : memref<128x8x512xf32, #tpu.memory_space<hbm>> -> memref<1x8x512xf32, #tpu.memory_space<hbm>>
      %dma_wait3A_107 = tpu.memref_squeeze %dma_wait3A_106 : memref<1x8x512xf32, #tpu.memory_space<hbm>> -> memref<8x512xf32, #tpu.memory_space<hbm>>
      %dma_wait3A_108 = arith.constant 0 : i32
      %dma_wait3A_109 = arith.constant 0 : i32
      %dma_wait3A_110 = tpu.memref_slice %arg6[%add3A_7, %dma_wait3A_108, %dma_wait3A_109] : memref<128x8x512xf32, #tpu.memory_space<hbm>> -> memref<1x8x512xf32, #tpu.memory_space<hbm>>
      %dma_wait3A_111 = tpu.memref_squeeze %dma_wait3A_110 : memref<1x8x512xf32, #tpu.memory_space<hbm>> -> memref<8x512xf32, #tpu.memory_space<hbm>>
      tpu.wait_dma2 semaphore(%run_scoped3A : memref<!tpu.dma_semaphore, #tpu.memory_space<semaphore_mem>>) src(%arg11 : memref<8x512xf32, #tpu.memory_space<vmem>>) dst(%dma_wait3A_111 : memref<8x512xf32, #tpu.memory_space<hbm>>)
      tpu.yield
    }) : () -> ()
    %mul3A_23 = arith.constant 4 : i32
    %mul3A_24 = arith.muli %add3A, %mul3A_23 : i32
    %add3A_25 = arith.constant 1 : i32
    %add3A_26 = arith.addi %mul3A_24, %add3A_25 : i32
    %swap3A_27 = arith.constant 504 : index
    %swap3A_28 = tpu.vector_load %arg7[%swap3A_27] {strides = array<i32>} : memref<520xf32, #tpu.memory_space<vmem>>, vector<16xf32>,
    %swap3A_29 = vector.shape_cast %swap3A_28 : vector<16xf32> to vector<16xf32>
    %swap3A_30 = vector.shape_cast %broadcast_in_dim3A_1 : vector<16xf32> to vector<16xf32>
    tpu.vector_store %arg7[%swap3A_27], %swap3A_30 {strides = array<i32>} : memref<520xf32, #tpu.memory_space<vmem>>, vector<16xf32>,
    %swap3A_31 = arith.constant 504 : index
    %swap3A_32 = tpu.vector_load %arg8[%swap3A_31] {strides = array<i32>} : memref<520xi32, #tpu.memory_space<vmem>>, vector<16xi32>,
    %swap3A_33 = vector.shape_cast %swap3A_32 : vector<16xi32> to vector<16xi32>
    %swap3A_34 = vector.shape_cast %broadcast_in_dim3A_3 : vector<16xi32> to vector<16xi32>
    tpu.vector_store %arg8[%swap3A_31], %swap3A_34 {strides = array<i32>} : memref<520xi32, #tpu.memory_space<vmem>>, vector<16xi32>,
    "tpu.region"() ({
      %run_scoped3A = tpu.sem_alloc : memref<!tpu.dma_semaphore, #tpu.memory_space<semaphore_mem>>
      %dma_start3A = arith.constant 0 : i32
      %dma_start3A_98 = tpu.memref_slice %arg7[%dma_start3A] : memref<520xf32, #tpu.memory_space<vmem>> -> memref<512xf32, #tpu.memory_space<vmem>>
      %dma_start3A_99 = arith.constant 0 : i32
      %dma_start3A_100 = tpu.memref_slice %arg2[%add3A_26, %dma_start3A_99] : memref<128x512xf32, #tpu.memory_space<hbm>> -> memref<1x512xf32, #tpu.memory_space<hbm>>
      %dma_start3A_101 = tpu.memref_squeeze %dma_start3A_100 : memref<1x512xf32, #tpu.memory_space<hbm>> -> memref<512xf32, #tpu.memory_space<hbm>>
      %dma_start3A_102 = arith.constant 0 : i32
      %dma_start3A_103 = tpu.memref_slice %arg7[%dma_start3A_102] : memref<520xf32, #tpu.memory_space<vmem>> -> memref<512xf32, #tpu.memory_space<vmem>>
      %dma_start3A_104 = arith.constant 0 : i32
      %dma_start3A_105 = tpu.memref_slice %arg2[%add3A_26, %dma_start3A_104] : memref<128x512xf32, #tpu.memory_space<hbm>> -> memref<1x512xf32, #tpu.memory_space<hbm>>
      %dma_start3A_106 = tpu.memref_squeeze %dma_start3A_105 : memref<1x512xf32, #tpu.memory_space<hbm>> -> memref<512xf32, #tpu.memory_space<hbm>>
      tpu.enqueue_dma source(%dma_start3A_106 : memref<512xf32, #tpu.memory_space<hbm>>) target(%dma_start3A_103 : memref<512xf32, #tpu.memory_space<vmem>>) target_semaphore(%run_scoped3A : memref<!tpu.dma_semaphore, #tpu.memory_space<semaphore_mem>>)
      %dma_wait3A = arith.constant 0 : i32
      %dma_wait3A_107 = tpu.memref_slice %arg7[%dma_wait3A] : memref<520xf32, #tpu.memory_space<vmem>> -> memref<512xf32, #tpu.memory_space<vmem>>
      %dma_wait3A_108 = arith.constant 0 : i32
      %dma_wait3A_109 = tpu.memref_slice %arg2[%add3A_26, %dma_wait3A_108] : memref<128x512xf32, #tpu.memory_space<hbm>> -> memref<1x512xf32, #tpu.memory_space<hbm>>
      %dma_wait3A_110 = tpu.memref_squeeze %dma_wait3A_109 : memref<1x512xf32, #tpu.memory_space<hbm>> -> memref<512xf32, #tpu.memory_space<hbm>>
      %dma_wait3A_111 = arith.constant 0 : i32
      %dma_wait3A_112 = tpu.memref_slice %arg7[%dma_wait3A_111] : memref<520xf32, #tpu.memory_space<vmem>> -> memref<512xf32, #tpu.memory_space<vmem>>
      %dma_wait3A_113 = arith.constant 0 : i32
      %dma_wait3A_114 = tpu.memref_slice %arg2[%add3A_26, %dma_wait3A_113] : memref<128x512xf32, #tpu.memory_space<hbm>> -> memref<1x512xf32, #tpu.memory_space<hbm>>
      %dma_wait3A_115 = tpu.memref_squeeze %dma_wait3A_114 : memref<1x512xf32, #tpu.memory_space<hbm>> -> memref<512xf32, #tpu.memory_space<hbm>>
      tpu.wait_dma2 semaphore(%run_scoped3A : memref<!tpu.dma_semaphore, #tpu.memory_space<semaphore_mem>>) src(%dma_wait3A_115 : memref<512xf32, #tpu.memory_space<hbm>>) dst(%dma_wait3A_112 : memref<512xf32, #tpu.memory_space<vmem>>)
      tpu.yield
    }) : () -> ()
    "tpu.region"() ({
      %run_scoped3A = tpu.sem_alloc : memref<!tpu.dma_semaphore, #tpu.memory_space<semaphore_mem>>
      %dma_start3A = arith.constant 0 : i32
      %dma_start3A_98 = tpu.memref_slice %arg8[%dma_start3A] : memref<520xi32, #tpu.memory_space<vmem>> -> memref<512xi32, #tpu.memory_space<vmem>>
      %dma_start3A_99 = arith.constant 0 : i32
      %dma_start3A_100 = tpu.memref_slice %arg3[%add3A_26, %dma_start3A_99] : memref<128x512xi32, #tpu.memory_space<hbm>> -> memref<1x512xi32, #tpu.memory_space<hbm>>
      %dma_start3A_101 = tpu.memref_squeeze %dma_start3A_100 : memref<1x512xi32, #tpu.memory_space<hbm>> -> memref<512xi32, #tpu.memory_space<hbm>>
      %dma_start3A_102 = arith.constant 0 : i32
      %dma_start3A_103 = tpu.memref_slice %arg8[%dma_start3A_102] : memref<520xi32, #tpu.memory_space<vmem>> -> memref<512xi32, #tpu.memory_space<vmem>>
      %dma_start3A_104 = arith.constant 0 : i32
      %dma_start3A_105 = tpu.memref_slice %arg3[%add3A_26, %dma_start3A_104] : memref<128x512xi32, #tpu.memory_space<hbm>> -> memref<1x512xi32, #tpu.memory_space<hbm>>
      %dma_start3A_106 = tpu.memref_squeeze %dma_start3A_105 : memref<1x512xi32, #tpu.memory_space<hbm>> -> memref<512xi32, #tpu.memory_space<hbm>>
      tpu.enqueue_dma source(%dma_start3A_106 : memref<512xi32, #tpu.memory_space<hbm>>) target(%dma_start3A_103 : memref<512xi32, #tpu.memory_space<vmem>>) target_semaphore(%run_scoped3A : memref<!tpu.dma_semaphore, #tpu.memory_space<semaphore_mem>>)
      %dma_wait3A = arith.constant 0 : i32
      %dma_wait3A_107 = tpu.memref_slice %arg8[%dma_wait3A] : memref<520xi32, #tpu.memory_space<vmem>> -> memref<512xi32, #tpu.memory_space<vmem>>
      %dma_wait3A_108 = arith.constant 0 : i32
      %dma_wait3A_109 = tpu.memref_slice %arg3[%add3A_26, %dma_wait3A_108] : memref<128x512xi32, #tpu.memory_space<hbm>> -> memref<1x512xi32, #tpu.memory_space<hbm>>
      %dma_wait3A_110 = tpu.memref_squeeze %dma_wait3A_109 : memref<1x512xi32, #tpu.memory_space<hbm>> -> memref<512xi32, #tpu.memory_space<hbm>>
      %dma_wait3A_111 = arith.constant 0 : i32
      %dma_wait3A_112 = tpu.memref_slice %arg8[%dma_wait3A_111] : memref<520xi32, #tpu.memory_space<vmem>> -> memref<512xi32, #tpu.memory_space<vmem>>
      %dma_wait3A_113 = arith.constant 0 : i32
      %dma_wait3A_114 = tpu.memref_slice %arg3[%add3A_26, %dma_wait3A_113] : memref<128x512xi32, #tpu.memory_space<hbm>> -> memref<1x512xi32, #tpu.memory_space<hbm>>
      %dma_wait3A_115 = tpu.memref_squeeze %dma_wait3A_114 : memref<1x512xi32, #tpu.memory_space<hbm>> -> memref<512xi32, #tpu.memory_space<hbm>>
      tpu.wait_dma2 semaphore(%run_scoped3A : memref<!tpu.dma_semaphore, #tpu.memory_space<semaphore_mem>>) src(%dma_wait3A_115 : memref<512xi32, #tpu.memory_space<hbm>>) dst(%dma_wait3A_112 : memref<512xi32, #tpu.memory_space<vmem>>)
      tpu.yield
    }) : () -> ()
    %get3A_35 = arith.index_cast %add3A_26 : i32 to index
    %get3A_36 = tpu.vector_load %arg9[%get3A_35] {strides = array<i32>} : memref<144xi32, #tpu.memory_space<vmem>>, vector<16xi32>,
    %get3A_37 = vector.shape_cast %get3A_36 : vector<16xi32> to vector<16xi32>
    %slice3A_38 = vector.extract_strided_slice %get3A_37 {offsets = [0], sizes = [1], strides = [1]} : vector<16xi32> to vector<1xi32>
    %squeeze3A_39 = vector.extract %slice3A_38[0] : i32 from vector<1xi32>
    %sub3A_40 = arith.constant 8 : i32
    %sub3A_41 = arith.subi %squeeze3A_39, %sub3A_40 : i32
    %scan3A_42 = arith.constant 0 : i32
    %scan3A_43 = arith.constant 0 : i32
    %scan3A_44 = arith.constant 32 : i32
    %scan3A_45 = arith.addi %scan3A_43, %scan3A_44 : i32
    %scan3A_46 = arith.constant 1 : i32
    scf.for %scan3A_98 = %scan3A_43 to %scan3A_45 step %scan3A_46  : i32 {
      %mul3A_99 = arith.constant 16 : i32
      %mul3A_100 = arith.muli %scan3A_98, %mul3A_99 : i32
      %add3A_101 = vector.broadcast %mul3A_100 : i32 to vector<16xi32>
      %add3A_102 = arith.addi %add3A_101, %iota3A : vector<16xi32>
      %lt3A = vector.broadcast %sub3A_41 : i32 to vector<16xi32>
      %lt3A_103 = arith.cmpi slt, %add3A_102, %lt3A : vector<16xi32>
      %add3A_104 = arith.constant 0 : i32
      %add3A_105 = arith.addi %mul3A_100, %add3A_104 : i32
      %get3A_106 = arith.index_cast %add3A_105 : i32 to index
      %get3A_107 = tpu.vector_load %arg7[%get3A_106] {strides = array<i32>} : memref<520xf32, #tpu.memory_space<vmem>>, vector<16xf32>,
      %get3A_108 = vector.shape_cast %get3A_107 : vector<16xf32> to vector<16xf32>
      %add3A_109 = arith.constant 0 : i32
      %add3A_110 = arith.addi %mul3A_100, %add3A_109 : i32
      %add3A_111 = arith.constant 1 : i32
      %add3A_112 = arith.addi %add3A_110, %add3A_111 : i32
      %get3A_113 = arith.index_cast %add3A_112 : i32 to index
      %get3A_114 = tpu.vector_load %arg7[%get3A_113] {strides = array<i32>} : memref<520xf32, #tpu.memory_space<vmem>>, vector<16xf32>,
      %get3A_115 = vector.shape_cast %get3A_114 : vector<16xf32> to vector<16xf32>
      %add3A_116 = arith.constant 0 : i32
      %add3A_117 = arith.addi %mul3A_100, %add3A_116 : i32
      %add3A_118 = arith.constant 1 : i32
      %add3A_119 = arith.addi %add3A_117, %add3A_118 : i32
      %get3A_120 = arith.index_cast %add3A_119 : i32 to index
      %get3A_121 = tpu.vector_load %arg8[%get3A_120] {strides = array<i32>} : memref<520xi32, #tpu.memory_space<vmem>>, vector<16xi32>,
      %get3A_122 = vector.shape_cast %get3A_121 : vector<16xi32> to vector<16xi32>
      %sub3A_123 = arith.subf %get3A_115, %get3A_108 : vector<16xf32>
      %jit3A = arith.constant 0.000000e+00 : f32
      %broadcast_in_dim3A_124 = vector.broadcast %jit3A : f32 to vector<16xf32>
      %select_n3A = arith.select %lt3A_103, %sub3A_123, %broadcast_in_dim3A_124 : vector<16xi1>, vector<16xf32>
      %swap3A_125 = arith.constant 0 : i32
      %swap3A_126 = arith.index_cast %swap3A_125 : i32 to index
      %swap3A_127 = arith.index_cast %mul3A_100 : i32 to index
      %swap3A_128 = tpu.vector_load %arg10[%swap3A_126, %swap3A_127] {strides = array<i32>} : memref<8x512xf32, #tpu.memory_space<vmem>>, vector<1x16xf32>,
      %swap3A_129 = vector.shape_cast %swap3A_128 : vector<1x16xf32> to vector<16xf32>
      %swap3A_130 = vector.shape_cast %select_n3A : vector<16xf32> to vector<1x16xf32>
      tpu.vector_store %arg10[%swap3A_126, %swap3A_127], %swap3A_130 {strides = array<i32>} : memref<8x512xf32, #tpu.memory_space<vmem>>, vector<1x16xf32>,
      %add3A_131 = arith.constant 1 : i32
      %add3A_132 = vector.broadcast %add3A_131 : i32 to vector<16xi32>
      %add3A_133 = arith.addi %get3A_122, %add3A_132 : vector<16xi32>
      %convert_element_type3A = arith.sitofp %add3A_133 : vector<16xi32> to vector<16xf32>
      %jit3A_134 = arith.constant -1.000000e+03 : f32
      %broadcast_in_dim3A_135 = vector.broadcast %jit3A_134 : f32 to vector<16xf32>
      %select_n3A_136 = arith.select %lt3A_103, %convert_element_type3A, %broadcast_in_dim3A_135 : vector<16xi1>, vector<16xf32>
      %swap3A_137 = arith.constant 0 : i32
      %swap3A_138 = arith.index_cast %swap3A_137 : i32 to index
      %swap3A_139 = arith.index_cast %mul3A_100 : i32 to index
      %swap3A_140 = tpu.vector_load %arg11[%swap3A_138, %swap3A_139] {strides = array<i32>} : memref<8x512xf32, #tpu.memory_space<vmem>>, vector<1x16xf32>,
      %swap3A_141 = vector.shape_cast %swap3A_140 : vector<1x16xf32> to vector<16xf32>
      %swap3A_142 = vector.shape_cast %select_n3A_136 : vector<16xf32> to vector<1x16xf32>
      tpu.vector_store %arg11[%swap3A_138, %swap3A_139], %swap3A_142 {strides = array<i32>} : memref<8x512xf32, #tpu.memory_space<vmem>>, vector<1x16xf32>,
      %add3A_143 = arith.constant 1 : i32
      %add3A_144 = arith.addi %mul3A_100, %add3A_143 : i32
      %get3A_145 = arith.index_cast %add3A_144 : i32 to index
      %get3A_146 = tpu.vector_load %arg7[%get3A_145] {strides = array<i32>} : memref<520xf32, #tpu.memory_space<vmem>>, vector<16xf32>,
      %get3A_147 = vector.shape_cast %get3A_146 : vector<16xf32> to vector<16xf32>
      %add3A_148 = arith.constant 1 : i32
      %add3A_149 = arith.addi %mul3A_100, %add3A_148 : i32
      %add3A_150 = arith.constant 1 : i32
      %add3A_151 = arith.addi %add3A_149, %add3A_150 : i32
      %get3A_152 = arith.index_cast %add3A_151 : i32 to index
      %get3A_153 = tpu.vector_load %arg7[%get3A_152] {strides = array<i32>} : memref<520xf32, #tpu.memory_space<vmem>>, vector<16xf32>,
      %get3A_154 = vector.shape_cast %get3A_153 : vector<16xf32> to vector<16xf32>
      %add3A_155 = arith.constant 1 : i32
      %add3A_156 = arith.addi %mul3A_100, %add3A_155 : i32
      %add3A_157 = arith.constant 1 : i32
      %add3A_158 = arith.addi %add3A_156, %add3A_157 : i32
      %get3A_159 = arith.index_cast %add3A_158 : i32 to index
      %get3A_160 = tpu.vector_load %arg8[%get3A_159] {strides = array<i32>} : memref<520xi32, #tpu.memory_space<vmem>>, vector<16xi32>,
      %get3A_161 = vector.shape_cast %get3A_160 : vector<16xi32> to vector<16xi32>
      %sub3A_162 = arith.subf %get3A_154, %get3A_147 : vector<16xf32>
      %jit3A_163 = arith.constant 0.000000e+00 : f32
      %broadcast_in_dim3A_164 = vector.broadcast %jit3A_163 : f32 to vector<16xf32>
      %select_n3A_165 = arith.select %lt3A_103, %sub3A_162, %broadcast_in_dim3A_164 : vector<16xi1>, vector<16xf32>
      %swap3A_166 = arith.constant 1 : i32
      %swap3A_167 = arith.index_cast %swap3A_166 : i32 to index
      %swap3A_168 = arith.index_cast %mul3A_100 : i32 to index
      %swap3A_169 = tpu.vector_load %arg10[%swap3A_167, %swap3A_168] {strides = array<i32>} : memref<8x512xf32, #tpu.memory_space<vmem>>, vector<1x16xf32>,
      %swap3A_170 = vector.shape_cast %swap3A_169 : vector<1x16xf32> to vector<16xf32>
      %swap3A_171 = vector.shape_cast %select_n3A_165 : vector<16xf32> to vector<1x16xf32>
      tpu.vector_store %arg10[%swap3A_167, %swap3A_168], %swap3A_171 {strides = array<i32>} : memref<8x512xf32, #tpu.memory_space<vmem>>, vector<1x16xf32>,
      %add3A_172 = arith.constant 66 : i32
      %add3A_173 = vector.broadcast %add3A_172 : i32 to vector<16xi32>
      %add3A_174 = arith.addi %get3A_161, %add3A_173 : vector<16xi32>
      %convert_element_type3A_175 = arith.sitofp %add3A_174 : vector<16xi32> to vector<16xf32>
      %jit3A_176 = arith.constant -1.000000e+03 : f32
      %broadcast_in_dim3A_177 = vector.broadcast %jit3A_176 : f32 to vector<16xf32>
      %select_n3A_178 = arith.select %lt3A_103, %convert_element_type3A_175, %broadcast_in_dim3A_177 : vector<16xi1>, vector<16xf32>
      %swap3A_179 = arith.constant 1 : i32
      %swap3A_180 = arith.index_cast %swap3A_179 : i32 to index
      %swap3A_181 = arith.index_cast %mul3A_100 : i32 to index
      %swap3A_182 = tpu.vector_load %arg11[%swap3A_180, %swap3A_181] {strides = array<i32>} : memref<8x512xf32, #tpu.memory_space<vmem>>, vector<1x16xf32>,
      %swap3A_183 = vector.shape_cast %swap3A_182 : vector<1x16xf32> to vector<16xf32>
      %swap3A_184 = vector.shape_cast %select_n3A_178 : vector<16xf32> to vector<1x16xf32>
      tpu.vector_store %arg11[%swap3A_180, %swap3A_181], %swap3A_184 {strides = array<i32>} : memref<8x512xf32, #tpu.memory_space<vmem>>, vector<1x16xf32>,
      %add3A_185 = arith.constant 2 : i32
      %add3A_186 = arith.addi %mul3A_100, %add3A_185 : i32
      %get3A_187 = arith.index_cast %add3A_186 : i32 to index
      %get3A_188 = tpu.vector_load %arg7[%get3A_187] {strides = array<i32>} : memref<520xf32, #tpu.memory_space<vmem>>, vector<16xf32>,
      %get3A_189 = vector.shape_cast %get3A_188 : vector<16xf32> to vector<16xf32>
      %add3A_190 = arith.constant 2 : i32
      %add3A_191 = arith.addi %mul3A_100, %add3A_190 : i32
      %add3A_192 = arith.constant 1 : i32
      %add3A_193 = arith.addi %add3A_191, %add3A_192 : i32
      %get3A_194 = arith.index_cast %add3A_193 : i32 to index
      %get3A_195 = tpu.vector_load %arg7[%get3A_194] {strides = array<i32>} : memref<520xf32, #tpu.memory_space<vmem>>, vector<16xf32>,
      %get3A_196 = vector.shape_cast %get3A_195 : vector<16xf32> to vector<16xf32>
      %add3A_197 = arith.constant 2 : i32
      %add3A_198 = arith.addi %mul3A_100, %add3A_197 : i32
      %add3A_199 = arith.constant 1 : i32
      %add3A_200 = arith.addi %add3A_198, %add3A_199 : i32
      %get3A_201 = arith.index_cast %add3A_200 : i32 to index
      %get3A_202 = tpu.vector_load %arg8[%get3A_201] {strides = array<i32>} : memref<520xi32, #tpu.memory_space<vmem>>, vector<16xi32>,
      %get3A_203 = vector.shape_cast %get3A_202 : vector<16xi32> to vector<16xi32>
      %sub3A_204 = arith.subf %get3A_196, %get3A_189 : vector<16xf32>
      %jit3A_205 = arith.constant 0.000000e+00 : f32
      %broadcast_in_dim3A_206 = vector.broadcast %jit3A_205 : f32 to vector<16xf32>
      %select_n3A_207 = arith.select %lt3A_103, %sub3A_204, %broadcast_in_dim3A_206 : vector<16xi1>, vector<16xf32>
      %swap3A_208 = arith.constant 2 : i32
      %swap3A_209 = arith.index_cast %swap3A_208 : i32 to index
      %swap3A_210 = arith.index_cast %mul3A_100 : i32 to index
      %swap3A_211 = tpu.vector_load %arg10[%swap3A_209, %swap3A_210] {strides = array<i32>} : memref<8x512xf32, #tpu.memory_space<vmem>>, vector<1x16xf32>,
      %swap3A_212 = vector.shape_cast %swap3A_211 : vector<1x16xf32> to vector<16xf32>
      %swap3A_213 = vector.shape_cast %select_n3A_207 : vector<16xf32> to vector<1x16xf32>
      tpu.vector_store %arg10[%swap3A_209, %swap3A_210], %swap3A_213 {strides = array<i32>} : memref<8x512xf32, #tpu.memory_space<vmem>>, vector<1x16xf32>,
      %add3A_214 = arith.constant 131 : i32
      %add3A_215 = vector.broadcast %add3A_214 : i32 to vector<16xi32>
      %add3A_216 = arith.addi %get3A_203, %add3A_215 : vector<16xi32>
      %convert_element_type3A_217 = arith.sitofp %add3A_216 : vector<16xi32> to vector<16xf32>
      %jit3A_218 = arith.constant -1.000000e+03 : f32
      %broadcast_in_dim3A_219 = vector.broadcast %jit3A_218 : f32 to vector<16xf32>
      %select_n3A_220 = arith.select %lt3A_103, %convert_element_type3A_217, %broadcast_in_dim3A_219 : vector<16xi1>, vector<16xf32>
      %swap3A_221 = arith.constant 2 : i32
      %swap3A_222 = arith.index_cast %swap3A_221 : i32 to index
      %swap3A_223 = arith.index_cast %mul3A_100 : i32 to index
      %swap3A_224 = tpu.vector_load %arg11[%swap3A_222, %swap3A_223] {strides = array<i32>} : memref<8x512xf32, #tpu.memory_space<vmem>>, vector<1x16xf32>,
      %swap3A_225 = vector.shape_cast %swap3A_224 : vector<1x16xf32> to vector<16xf32>
      %swap3A_226 = vector.shape_cast %select_n3A_220 : vector<16xf32> to vector<1x16xf32>
      tpu.vector_store %arg11[%swap3A_222, %swap3A_223], %swap3A_226 {strides = array<i32>} : memref<8x512xf32, #tpu.memory_space<vmem>>, vector<1x16xf32>,
      %add3A_227 = arith.constant 3 : i32
      %add3A_228 = arith.addi %mul3A_100, %add3A_227 : i32
      %get3A_229 = arith.index_cast %add3A_228 : i32 to index
      %get3A_230 = tpu.vector_load %arg7[%get3A_229] {strides = array<i32>} : memref<520xf32, #tpu.memory_space<vmem>>, vector<16xf32>,
      %get3A_231 = vector.shape_cast %get3A_230 : vector<16xf32> to vector<16xf32>
      %add3A_232 = arith.constant 3 : i32
      %add3A_233 = arith.addi %mul3A_100, %add3A_232 : i32
      %add3A_234 = arith.constant 1 : i32
      %add3A_235 = arith.addi %add3A_233, %add3A_234 : i32
      %get3A_236 = arith.index_cast %add3A_235 : i32 to index
      %get3A_237 = tpu.vector_load %arg7[%get3A_236] {strides = array<i32>} : memref<520xf32, #tpu.memory_space<vmem>>, vector<16xf32>,
      %get3A_238 = vector.shape_cast %get3A_237 : vector<16xf32> to vector<16xf32>
      %add3A_239 = arith.constant 3 : i32
      %add3A_240 = arith.addi %mul3A_100, %add3A_239 : i32
      %add3A_241 = arith.constant 1 : i32
      %add3A_242 = arith.addi %add3A_240, %add3A_241 : i32
      %get3A_243 = arith.index_cast %add3A_242 : i32 to index
      %get3A_244 = tpu.vector_load %arg8[%get3A_243] {strides = array<i32>} : memref<520xi32, #tpu.memory_space<vmem>>, vector<16xi32>,
      %get3A_245 = vector.shape_cast %get3A_244 : vector<16xi32> to vector<16xi32>
      %sub3A_246 = arith.subf %get3A_238, %get3A_231 : vector<16xf32>
      %jit3A_247 = arith.constant 0.000000e+00 : f32
      %broadcast_in_dim3A_248 = vector.broadcast %jit3A_247 : f32 to vector<16xf32>
      %select_n3A_249 = arith.select %lt3A_103, %sub3A_246, %broadcast_in_dim3A_248 : vector<16xi1>, vector<16xf32>
      %swap3A_250 = arith.constant 3 : i32
      %swap3A_251 = arith.index_cast %swap3A_250 : i32 to index
      %swap3A_252 = arith.index_cast %mul3A_100 : i32 to index
      %swap3A_253 = tpu.vector_load %arg10[%swap3A_251, %swap3A_252] {strides = array<i32>} : memref<8x512xf32, #tpu.memory_space<vmem>>, vector<1x16xf32>,
      %swap3A_254 = vector.shape_cast %swap3A_253 : vector<1x16xf32> to vector<16xf32>
      %swap3A_255 = vector.shape_cast %select_n3A_249 : vector<16xf32> to vector<1x16xf32>
      tpu.vector_store %arg10[%swap3A_251, %swap3A_252], %swap3A_255 {strides = array<i32>} : memref<8x512xf32, #tpu.memory_space<vmem>>, vector<1x16xf32>,
      %add3A_256 = arith.constant 196 : i32
      %add3A_257 = vector.broadcast %add3A_256 : i32 to vector<16xi32>
      %add3A_258 = arith.addi %get3A_245, %add3A_257 : vector<16xi32>
      %convert_element_type3A_259 = arith.sitofp %add3A_258 : vector<16xi32> to vector<16xf32>
      %jit3A_260 = arith.constant -1.000000e+03 : f32
      %broadcast_in_dim3A_261 = vector.broadcast %jit3A_260 : f32 to vector<16xf32>
      %select_n3A_262 = arith.select %lt3A_103, %convert_element_type3A_259, %broadcast_in_dim3A_261 : vector<16xi1>, vector<16xf32>
      %swap3A_263 = arith.constant 3 : i32
      %swap3A_264 = arith.index_cast %swap3A_263 : i32 to index
      %swap3A_265 = arith.index_cast %mul3A_100 : i32 to index
      %swap3A_266 = tpu.vector_load %arg11[%swap3A_264, %swap3A_265] {strides = array<i32>} : memref<8x512xf32, #tpu.memory_space<vmem>>, vector<1x16xf32>,
      %swap3A_267 = vector.shape_cast %swap3A_266 : vector<1x16xf32> to vector<16xf32>
      %swap3A_268 = vector.shape_cast %select_n3A_262 : vector<16xf32> to vector<1x16xf32>
      tpu.vector_store %arg11[%swap3A_264, %swap3A_265], %swap3A_268 {strides = array<i32>} : memref<8x512xf32, #tpu.memory_space<vmem>>, vector<1x16xf32>,
      %add3A_269 = arith.constant 4 : i32
      %add3A_270 = arith.addi %mul3A_100, %add3A_269 : i32
      %get3A_271 = arith.index_cast %add3A_270 : i32 to index
      %get3A_272 = tpu.vector_load %arg7[%get3A_271] {strides = array<i32>} : memref<520xf32, #tpu.memory_space<vmem>>, vector<16xf32>,
      %get3A_273 = vector.shape_cast %get3A_272 : vector<16xf32> to vector<16xf32>
      %add3A_274 = arith.constant 4 : i32
      %add3A_275 = arith.addi %mul3A_100, %add3A_274 : i32
      %add3A_276 = arith.constant 1 : i32
      %add3A_277 = arith.addi %add3A_275, %add3A_276 : i32
      %get3A_278 = arith.index_cast %add3A_277 : i32 to index
      %get3A_279 = tpu.vector_load %arg7[%get3A_278] {strides = array<i32>} : memref<520xf32, #tpu.memory_space<vmem>>, vector<16xf32>,
      %get3A_280 = vector.shape_cast %get3A_279 : vector<16xf32> to vector<16xf32>
      %add3A_281 = arith.constant 4 : i32
      %add3A_282 = arith.addi %mul3A_100, %add3A_281 : i32
      %add3A_283 = arith.constant 1 : i32
      %add3A_284 = arith.addi %add3A_282, %add3A_283 : i32
      %get3A_285 = arith.index_cast %add3A_284 : i32 to index
      %get3A_286 = tpu.vector_load %arg8[%get3A_285] {strides = array<i32>} : memref<520xi32, #tpu.memory_space<vmem>>, vector<16xi32>,
      %get3A_287 = vector.shape_cast %get3A_286 : vector<16xi32> to vector<16xi32>
      %sub3A_288 = arith.subf %get3A_280, %get3A_273 : vector<16xf32>
      %jit3A_289 = arith.constant 0.000000e+00 : f32
      %broadcast_in_dim3A_290 = vector.broadcast %jit3A_289 : f32 to vector<16xf32>
      %select_n3A_291 = arith.select %lt3A_103, %sub3A_288, %broadcast_in_dim3A_290 : vector<16xi1>, vector<16xf32>
      %swap3A_292 = arith.constant 4 : i32
      %swap3A_293 = arith.index_cast %swap3A_292 : i32 to index
      %swap3A_294 = arith.index_cast %mul3A_100 : i32 to index
      %swap3A_295 = tpu.vector_load %arg10[%swap3A_293, %swap3A_294] {strides = array<i32>} : memref<8x512xf32, #tpu.memory_space<vmem>>, vector<1x16xf32>,
      %swap3A_296 = vector.shape_cast %swap3A_295 : vector<1x16xf32> to vector<16xf32>
      %swap3A_297 = vector.shape_cast %select_n3A_291 : vector<16xf32> to vector<1x16xf32>
      tpu.vector_store %arg10[%swap3A_293, %swap3A_294], %swap3A_297 {strides = array<i32>} : memref<8x512xf32, #tpu.memory_space<vmem>>, vector<1x16xf32>,
      %add3A_298 = arith.constant 261 : i32
      %add3A_299 = vector.broadcast %add3A_298 : i32 to vector<16xi32>
      %add3A_300 = arith.addi %get3A_287, %add3A_299 : vector<16xi32>
      %convert_element_type3A_301 = arith.sitofp %add3A_300 : vector<16xi32> to vector<16xf32>
      %jit3A_302 = arith.constant -1.000000e+03 : f32
      %broadcast_in_dim3A_303 = vector.broadcast %jit3A_302 : f32 to vector<16xf32>
      %select_n3A_304 = arith.select %lt3A_103, %convert_element_type3A_301, %broadcast_in_dim3A_303 : vector<16xi1>, vector<16xf32>
      %swap3A_305 = arith.constant 4 : i32
      %swap3A_306 = arith.index_cast %swap3A_305 : i32 to index
      %swap3A_307 = arith.index_cast %mul3A_100 : i32 to index
      %swap3A_308 = tpu.vector_load %arg11[%swap3A_306, %swap3A_307] {strides = array<i32>} : memref<8x512xf32, #tpu.memory_space<vmem>>, vector<1x16xf32>,
      %swap3A_309 = vector.shape_cast %swap3A_308 : vector<1x16xf32> to vector<16xf32>
      %swap3A_310 = vector.shape_cast %select_n3A_304 : vector<16xf32> to vector<1x16xf32>
      tpu.vector_store %arg11[%swap3A_306, %swap3A_307], %swap3A_310 {strides = array<i32>} : memref<8x512xf32, #tpu.memory_space<vmem>>, vector<1x16xf32>,
      %add3A_311 = arith.constant 5 : i32
      %add3A_312 = arith.addi %mul3A_100, %add3A_311 : i32
      %get3A_313 = arith.index_cast %add3A_312 : i32 to index
      %get3A_314 = tpu.vector_load %arg7[%get3A_313] {strides = array<i32>} : memref<520xf32, #tpu.memory_space<vmem>>, vector<16xf32>,
      %get3A_315 = vector.shape_cast %get3A_314 : vector<16xf32> to vector<16xf32>
      %add3A_316 = arith.constant 5 : i32
      %add3A_317 = arith.addi %mul3A_100, %add3A_316 : i32
      %add3A_318 = arith.constant 1 : i32
      %add3A_319 = arith.addi %add3A_317, %add3A_318 : i32
      %get3A_320 = arith.index_cast %add3A_319 : i32 to index
      %get3A_321 = tpu.vector_load %arg7[%get3A_320] {strides = array<i32>} : memref<520xf32, #tpu.memory_space<vmem>>, vector<16xf32>,
      %get3A_322 = vector.shape_cast %get3A_321 : vector<16xf32> to vector<16xf32>
      %add3A_323 = arith.constant 5 : i32
      %add3A_324 = arith.addi %mul3A_100, %add3A_323 : i32
      %add3A_325 = arith.constant 1 : i32
      %add3A_326 = arith.addi %add3A_324, %add3A_325 : i32
      %get3A_327 = arith.index_cast %add3A_326 : i32 to index
      %get3A_328 = tpu.vector_load %arg8[%get3A_327] {strides = array<i32>} : memref<520xi32, #tpu.memory_space<vmem>>, vector<16xi32>,
      %get3A_329 = vector.shape_cast %get3A_328 : vector<16xi32> to vector<16xi32>
      %sub3A_330 = arith.subf %get3A_322, %get3A_315 : vector<16xf32>
      %jit3A_331 = arith.constant 0.000000e+00 : f32
      %broadcast_in_dim3A_332 = vector.broadcast %jit3A_331 : f32 to vector<16xf32>
      %select_n3A_333 = arith.select %lt3A_103, %sub3A_330, %broadcast_in_dim3A_332 : vector<16xi1>, vector<16xf32>
      %swap3A_334 = arith.constant 5 : i32
      %swap3A_335 = arith.index_cast %swap3A_334 : i32 to index
      %swap3A_336 = arith.index_cast %mul3A_100 : i32 to index
      %swap3A_337 = tpu.vector_load %arg10[%swap3A_335, %swap3A_336] {strides = array<i32>} : memref<8x512xf32, #tpu.memory_space<vmem>>, vector<1x16xf32>,
      %swap3A_338 = vector.shape_cast %swap3A_337 : vector<1x16xf32> to vector<16xf32>
      %swap3A_339 = vector.shape_cast %select_n3A_333 : vector<16xf32> to vector<1x16xf32>
      tpu.vector_store %arg10[%swap3A_335, %swap3A_336], %swap3A_339 {strides = array<i32>} : memref<8x512xf32, #tpu.memory_space<vmem>>, vector<1x16xf32>,
      %add3A_340 = arith.constant 326 : i32
      %add3A_341 = vector.broadcast %add3A_340 : i32 to vector<16xi32>
      %add3A_342 = arith.addi %get3A_329, %add3A_341 : vector<16xi32>
      %convert_element_type3A_343 = arith.sitofp %add3A_342 : vector<16xi32> to vector<16xf32>
      %jit3A_344 = arith.constant -1.000000e+03 : f32
      %broadcast_in_dim3A_345 = vector.broadcast %jit3A_344 : f32 to vector<16xf32>
      %select_n3A_346 = arith.select %lt3A_103, %convert_element_type3A_343, %broadcast_in_dim3A_345 : vector<16xi1>, vector<16xf32>
      %swap3A_347 = arith.constant 5 : i32
      %swap3A_348 = arith.index_cast %swap3A_347 : i32 to index
      %swap3A_349 = arith.index_cast %mul3A_100 : i32 to index
      %swap3A_350 = tpu.vector_load %arg11[%swap3A_348, %swap3A_349] {strides = array<i32>} : memref<8x512xf32, #tpu.memory_space<vmem>>, vector<1x16xf32>,
      %swap3A_351 = vector.shape_cast %swap3A_350 : vector<1x16xf32> to vector<16xf32>
      %swap3A_352 = vector.shape_cast %select_n3A_346 : vector<16xf32> to vector<1x16xf32>
      tpu.vector_store %arg11[%swap3A_348, %swap3A_349], %swap3A_352 {strides = array<i32>} : memref<8x512xf32, #tpu.memory_space<vmem>>, vector<1x16xf32>,
      %add3A_353 = arith.constant 6 : i32
      %add3A_354 = arith.addi %mul3A_100, %add3A_353 : i32
      %get3A_355 = arith.index_cast %add3A_354 : i32 to index
      %get3A_356 = tpu.vector_load %arg7[%get3A_355] {strides = array<i32>} : memref<520xf32, #tpu.memory_space<vmem>>, vector<16xf32>,
      %get3A_357 = vector.shape_cast %get3A_356 : vector<16xf32> to vector<16xf32>
      %add3A_358 = arith.constant 6 : i32
      %add3A_359 = arith.addi %mul3A_100, %add3A_358 : i32
      %add3A_360 = arith.constant 1 : i32
      %add3A_361 = arith.addi %add3A_359, %add3A_360 : i32
      %get3A_362 = arith.index_cast %add3A_361 : i32 to index
      %get3A_363 = tpu.vector_load %arg7[%get3A_362] {strides = array<i32>} : memref<520xf32, #tpu.memory_space<vmem>>, vector<16xf32>,
      %get3A_364 = vector.shape_cast %get3A_363 : vector<16xf32> to vector<16xf32>
      %add3A_365 = arith.constant 6 : i32
      %add3A_366 = arith.addi %mul3A_100, %add3A_365 : i32
      %add3A_367 = arith.constant 1 : i32
      %add3A_368 = arith.addi %add3A_366, %add3A_367 : i32
      %get3A_369 = arith.index_cast %add3A_368 : i32 to index
      %get3A_370 = tpu.vector_load %arg8[%get3A_369] {strides = array<i32>} : memref<520xi32, #tpu.memory_space<vmem>>, vector<16xi32>,
      %get3A_371 = vector.shape_cast %get3A_370 : vector<16xi32> to vector<16xi32>
      %sub3A_372 = arith.subf %get3A_364, %get3A_357 : vector<16xf32>
      %jit3A_373 = arith.constant 0.000000e+00 : f32
      %broadcast_in_dim3A_374 = vector.broadcast %jit3A_373 : f32 to vector<16xf32>
      %select_n3A_375 = arith.select %lt3A_103, %sub3A_372, %broadcast_in_dim3A_374 : vector<16xi1>, vector<16xf32>
      %swap3A_376 = arith.constant 6 : i32
      %swap3A_377 = arith.index_cast %swap3A_376 : i32 to index
      %swap3A_378 = arith.index_cast %mul3A_100 : i32 to index
      %swap3A_379 = tpu.vector_load %arg10[%swap3A_377, %swap3A_378] {strides = array<i32>} : memref<8x512xf32, #tpu.memory_space<vmem>>, vector<1x16xf32>,
      %swap3A_380 = vector.shape_cast %swap3A_379 : vector<1x16xf32> to vector<16xf32>
      %swap3A_381 = vector.shape_cast %select_n3A_375 : vector<16xf32> to vector<1x16xf32>
      tpu.vector_store %arg10[%swap3A_377, %swap3A_378], %swap3A_381 {strides = array<i32>} : memref<8x512xf32, #tpu.memory_space<vmem>>, vector<1x16xf32>,
      %add3A_382 = arith.constant 391 : i32
      %add3A_383 = vector.broadcast %add3A_382 : i32 to vector<16xi32>
      %add3A_384 = arith.addi %get3A_371, %add3A_383 : vector<16xi32>
      %convert_element_type3A_385 = arith.sitofp %add3A_384 : vector<16xi32> to vector<16xf32>
      %jit3A_386 = arith.constant -1.000000e+03 : f32
      %broadcast_in_dim3A_387 = vector.broadcast %jit3A_386 : f32 to vector<16xf32>
      %select_n3A_388 = arith.select %lt3A_103, %convert_element_type3A_385, %broadcast_in_dim3A_387 : vector<16xi1>, vector<16xf32>
      %swap3A_389 = arith.constant 6 : i32
      %swap3A_390 = arith.index_cast %swap3A_389 : i32 to index
      %swap3A_391 = arith.index_cast %mul3A_100 : i32 to index
      %swap3A_392 = tpu.vector_load %arg11[%swap3A_390, %swap3A_391] {strides = array<i32>} : memref<8x512xf32, #tpu.memory_space<vmem>>, vector<1x16xf32>,
      %swap3A_393 = vector.shape_cast %swap3A_392 : vector<1x16xf32> to vector<16xf32>
      %swap3A_394 = vector.shape_cast %select_n3A_388 : vector<16xf32> to vector<1x16xf32>
      tpu.vector_store %arg11[%swap3A_390, %swap3A_391], %swap3A_394 {strides = array<i32>} : memref<8x512xf32, #tpu.memory_space<vmem>>, vector<1x16xf32>,
      %add3A_395 = arith.constant 7 : i32
      %add3A_396 = arith.addi %mul3A_100, %add3A_395 : i32
      %get3A_397 = arith.index_cast %add3A_396 : i32 to index
      %get3A_398 = tpu.vector_load %arg7[%get3A_397] {strides = array<i32>} : memref<520xf32, #tpu.memory_space<vmem>>, vector<16xf32>,
      %get3A_399 = vector.shape_cast %get3A_398 : vector<16xf32> to vector<16xf32>
      %add3A_400 = arith.constant 7 : i32
      %add3A_401 = arith.addi %mul3A_100, %add3A_400 : i32
      %add3A_402 = arith.constant 1 : i32
      %add3A_403 = arith.addi %add3A_401, %add3A_402 : i32
      %get3A_404 = arith.index_cast %add3A_403 : i32 to index
      %get3A_405 = tpu.vector_load %arg7[%get3A_404] {strides = array<i32>} : memref<520xf32, #tpu.memory_space<vmem>>, vector<16xf32>,
      %get3A_406 = vector.shape_cast %get3A_405 : vector<16xf32> to vector<16xf32>
      %add3A_407 = arith.constant 7 : i32
      %add3A_408 = arith.addi %mul3A_100, %add3A_407 : i32
      %add3A_409 = arith.constant 1 : i32
      %add3A_410 = arith.addi %add3A_408, %add3A_409 : i32
      %get3A_411 = arith.index_cast %add3A_410 : i32 to index
      %get3A_412 = tpu.vector_load %arg8[%get3A_411] {strides = array<i32>} : memref<520xi32, #tpu.memory_space<vmem>>, vector<16xi32>,
      %get3A_413 = vector.shape_cast %get3A_412 : vector<16xi32> to vector<16xi32>
      %sub3A_414 = arith.subf %get3A_406, %get3A_399 : vector<16xf32>
      %jit3A_415 = arith.constant 0.000000e+00 : f32
      %broadcast_in_dim3A_416 = vector.broadcast %jit3A_415 : f32 to vector<16xf32>
      %select_n3A_417 = arith.select %lt3A_103, %sub3A_414, %broadcast_in_dim3A_416 : vector<16xi1>, vector<16xf32>
      %swap3A_418 = arith.constant 7 : i32
      %swap3A_419 = arith.index_cast %swap3A_418 : i32 to index
      %swap3A_420 = arith.index_cast %mul3A_100 : i32 to index
      %swap3A_421 = tpu.vector_load %arg10[%swap3A_419, %swap3A_420] {strides = array<i32>} : memref<8x512xf32, #tpu.memory_space<vmem>>, vector<1x16xf32>,
      %swap3A_422 = vector.shape_cast %swap3A_421 : vector<1x16xf32> to vector<16xf32>
      %swap3A_423 = vector.shape_cast %select_n3A_417 : vector<16xf32> to vector<1x16xf32>
      tpu.vector_store %arg10[%swap3A_419, %swap3A_420], %swap3A_423 {strides = array<i32>} : memref<8x512xf32, #tpu.memory_space<vmem>>, vector<1x16xf32>,
      %add3A_424 = arith.constant 456 : i32
      %add3A_425 = vector.broadcast %add3A_424 : i32 to vector<16xi32>
      %add3A_426 = arith.addi %get3A_413, %add3A_425 : vector<16xi32>
      %convert_element_type3A_427 = arith.sitofp %add3A_426 : vector<16xi32> to vector<16xf32>
      %jit3A_428 = arith.constant -1.000000e+03 : f32
      %broadcast_in_dim3A_429 = vector.broadcast %jit3A_428 : f32 to vector<16xf32>
      %select_n3A_430 = arith.select %lt3A_103, %convert_element_type3A_427, %broadcast_in_dim3A_429 : vector<16xi1>, vector<16xf32>
      %swap3A_431 = arith.constant 7 : i32
      %swap3A_432 = arith.index_cast %swap3A_431 : i32 to index
      %swap3A_433 = arith.index_cast %mul3A_100 : i32 to index
      %swap3A_434 = tpu.vector_load %arg11[%swap3A_432, %swap3A_433] {strides = array<i32>} : memref<8x512xf32, #tpu.memory_space<vmem>>, vector<1x16xf32>,
      %swap3A_435 = vector.shape_cast %swap3A_434 : vector<1x16xf32> to vector<16xf32>
      %swap3A_436 = vector.shape_cast %select_n3A_430 : vector<16xf32> to vector<1x16xf32>
      tpu.vector_store %arg11[%swap3A_432, %swap3A_433], %swap3A_436 {strides = array<i32>} : memref<8x512xf32, #tpu.memory_space<vmem>>, vector<1x16xf32>,
    }
    %scan3A_47 = arith.constant 32 : i32
    "tpu.region"() ({
      %run_scoped3A = tpu.sem_alloc : memref<!tpu.dma_semaphore, #tpu.memory_space<semaphore_mem>>
      %dma_start3A = arith.constant 0 : i32
      %dma_start3A_98 = arith.constant 0 : i32
      %dma_start3A_99 = tpu.memref_slice %arg5[%add3A_26, %dma_start3A, %dma_start3A_98] : memref<128x8x512xf32, #tpu.memory_space<hbm>> -> memref<1x8x512xf32, #tpu.memory_space<hbm>>
      %dma_start3A_100 = tpu.memref_squeeze %dma_start3A_99 : memref<1x8x512xf32, #tpu.memory_space<hbm>> -> memref<8x512xf32, #tpu.memory_space<hbm>>
      %dma_start3A_101 = arith.constant 0 : i32
      %dma_start3A_102 = arith.constant 0 : i32
      %dma_start3A_103 = tpu.memref_slice %arg5[%add3A_26, %dma_start3A_101, %dma_start3A_102] : memref<128x8x512xf32, #tpu.memory_space<hbm>> -> memref<1x8x512xf32, #tpu.memory_space<hbm>>
      %dma_start3A_104 = tpu.memref_squeeze %dma_start3A_103 : memref<1x8x512xf32, #tpu.memory_space<hbm>> -> memref<8x512xf32, #tpu.memory_space<hbm>>
      tpu.enqueue_dma source(%arg10 : memref<8x512xf32, #tpu.memory_space<vmem>>) target(%dma_start3A_104 : memref<8x512xf32, #tpu.memory_space<hbm>>) target_semaphore(%run_scoped3A : memref<!tpu.dma_semaphore, #tpu.memory_space<semaphore_mem>>)
      %dma_wait3A = arith.constant 0 : i32
      %dma_wait3A_105 = arith.constant 0 : i32
      %dma_wait3A_106 = tpu.memref_slice %arg5[%add3A_26, %dma_wait3A, %dma_wait3A_105] : memref<128x8x512xf32, #tpu.memory_space<hbm>> -> memref<1x8x512xf32, #tpu.memory_space<hbm>>
      %dma_wait3A_107 = tpu.memref_squeeze %dma_wait3A_106 : memref<1x8x512xf32, #tpu.memory_space<hbm>> -> memref<8x512xf32, #tpu.memory_space<hbm>>
      %dma_wait3A_108 = arith.constant 0 : i32
      %dma_wait3A_109 = arith.constant 0 : i32
      %dma_wait3A_110 = tpu.memref_slice %arg5[%add3A_26, %dma_wait3A_108, %dma_wait3A_109] : memref<128x8x512xf32, #tpu.memory_space<hbm>> -> memref<1x8x512xf32, #tpu.memory_space<hbm>>
      %dma_wait3A_111 = tpu.memref_squeeze %dma_wait3A_110 : memref<1x8x512xf32, #tpu.memory_space<hbm>> -> memref<8x512xf32, #tpu.memory_space<hbm>>
      tpu.wait_dma2 semaphore(%run_scoped3A : memref<!tpu.dma_semaphore, #tpu.memory_space<semaphore_mem>>) src(%arg10 : memref<8x512xf32, #tpu.memory_space<vmem>>) dst(%dma_wait3A_111 : memref<8x512xf32, #tpu.memory_space<hbm>>)
      tpu.yield
    }) : () -> ()
    "tpu.region"() ({
      %run_scoped3A = tpu.sem_alloc : memref<!tpu.dma_semaphore, #tpu.memory_space<semaphore_mem>>
      %dma_start3A = arith.constant 0 : i32
      %dma_start3A_98 = arith.constant 0 : i32
      %dma_start3A_99 = tpu.memref_slice %arg6[%add3A_26, %dma_start3A, %dma_start3A_98] : memref<128x8x512xf32, #tpu.memory_space<hbm>> -> memref<1x8x512xf32, #tpu.memory_space<hbm>>
      %dma_start3A_100 = tpu.memref_squeeze %dma_start3A_99 : memref<1x8x512xf32, #tpu.memory_space<hbm>> -> memref<8x512xf32, #tpu.memory_space<hbm>>
      %dma_start3A_101 = arith.constant 0 : i32
      %dma_start3A_102 = arith.constant 0 : i32
      %dma_start3A_103 = tpu.memref_slice %arg6[%add3A_26, %dma_start3A_101, %dma_start3A_102] : memref<128x8x512xf32, #tpu.memory_space<hbm>> -> memref<1x8x512xf32, #tpu.memory_space<hbm>>
      %dma_start3A_104 = tpu.memref_squeeze %dma_start3A_103 : memref<1x8x512xf32, #tpu.memory_space<hbm>> -> memref<8x512xf32, #tpu.memory_space<hbm>>
      tpu.enqueue_dma source(%arg11 : memref<8x512xf32, #tpu.memory_space<vmem>>) target(%dma_start3A_104 : memref<8x512xf32, #tpu.memory_space<hbm>>) target_semaphore(%run_scoped3A : memref<!tpu.dma_semaphore, #tpu.memory_space<semaphore_mem>>)
      %dma_wait3A = arith.constant 0 : i32
      %dma_wait3A_105 = arith.constant 0 : i32
      %dma_wait3A_106 = tpu.memref_slice %arg6[%add3A_26, %dma_wait3A, %dma_wait3A_105] : memref<128x8x512xf32, #tpu.memory_space<hbm>> -> memref<1x8x512xf32, #tpu.memory_space<hbm>>
      %dma_wait3A_107 = tpu.memref_squeeze %dma_wait3A_106 : memref<1x8x512xf32, #tpu.memory_space<hbm>> -> memref<8x512xf32, #tpu.memory_space<hbm>>
      %dma_wait3A_108 = arith.constant 0 : i32
      %dma_wait3A_109 = arith.constant 0 : i32
      %dma_wait3A_110 = tpu.memref_slice %arg6[%add3A_26, %dma_wait3A_108, %dma_wait3A_109] : memref<128x8x512xf32, #tpu.memory_space<hbm>> -> memref<1x8x512xf32, #tpu.memory_space<hbm>>
      %dma_wait3A_111 = tpu.memref_squeeze %dma_wait3A_110 : memref<1x8x512xf32, #tpu.memory_space<hbm>> -> memref<8x512xf32, #tpu.memory_space<hbm>>
      tpu.wait_dma2 semaphore(%run_scoped3A : memref<!tpu.dma_semaphore, #tpu.memory_space<semaphore_mem>>) src(%arg11 : memref<8x512xf32, #tpu.memory_space<vmem>>) dst(%dma_wait3A_111 : memref<8x512xf32, #tpu.memory_space<hbm>>)
      tpu.yield
    }) : () -> ()
    %mul3A_48 = arith.constant 4 : i32
    %mul3A_49 = arith.muli %add3A, %mul3A_48 : i32
    %add3A_50 = arith.constant 2 : i32
    %add3A_51 = arith.addi %mul3A_49, %add3A_50 : i32
    %swap3A_52 = arith.constant 504 : index
    %swap3A_53 = tpu.vector_load %arg7[%swap3A_52] {strides = array<i32>} : memref<520xf32, #tpu.memory_space<vmem>>, vector<16xf32>,
    %swap3A_54 = vector.shape_cast %swap3A_53 : vector<16xf32> to vector<16xf32>
    %swap3A_55 = vector.shape_cast %broadcast_in_dim3A_1 : vector<16xf32> to vector<16xf32>
    tpu.vector_store %arg7[%swap3A_52], %swap3A_55 {strides = array<i32>} : memref<520xf32, #tpu.memory_space<vmem>>, vector<16xf32>,
    %swap3A_56 = arith.constant 504 : index
    %swap3A_57 = tpu.vector_load %arg8[%swap3A_56] {strides = array<i32>} : memref<520xi32, #tpu.memory_space<vmem>>, vector<16xi32>,
    %swap3A_58 = vector.shape_cast %swap3A_57 : vector<16xi32> to vector<16xi32>
    %swap3A_59 = vector.shape_cast %broadcast_in_dim3A_3 : vector<16xi32> to vector<16xi32>
    tpu.vector_store %arg8[%swap3A_56], %swap3A_59 {strides = array<i32>} : memref<520xi32, #tpu.memory_space<vmem>>, vector<16xi32>,
    "tpu.region"() ({
      %run_scoped3A = tpu.sem_alloc : memref<!tpu.dma_semaphore, #tpu.memory_space<semaphore_mem>>
      %dma_start3A = arith.constant 0 : i32
      %dma_start3A_98 = tpu.memref_slice %arg7[%dma_start3A] : memref<520xf32, #tpu.memory_space<vmem>> -> memref<512xf32, #tpu.memory_space<vmem>>
      %dma_start3A_99 = arith.constant 0 : i32
      %dma_start3A_100 = tpu.memref_slice %arg2[%add3A_51, %dma_start3A_99] : memref<128x512xf32, #tpu.memory_space<hbm>> -> memref<1x512xf32, #tpu.memory_space<hbm>>
      %dma_start3A_101 = tpu.memref_squeeze %dma_start3A_100 : memref<1x512xf32, #tpu.memory_space<hbm>> -> memref<512xf32, #tpu.memory_space<hbm>>
      %dma_start3A_102 = arith.constant 0 : i32
      %dma_start3A_103 = tpu.memref_slice %arg7[%dma_start3A_102] : memref<520xf32, #tpu.memory_space<vmem>> -> memref<512xf32, #tpu.memory_space<vmem>>
      %dma_start3A_104 = arith.constant 0 : i32
      %dma_start3A_105 = tpu.memref_slice %arg2[%add3A_51, %dma_start3A_104] : memref<128x512xf32, #tpu.memory_space<hbm>> -> memref<1x512xf32, #tpu.memory_space<hbm>>
      %dma_start3A_106 = tpu.memref_squeeze %dma_start3A_105 : memref<1x512xf32, #tpu.memory_space<hbm>> -> memref<512xf32, #tpu.memory_space<hbm>>
      tpu.enqueue_dma source(%dma_start3A_106 : memref<512xf32, #tpu.memory_space<hbm>>) target(%dma_start3A_103 : memref<512xf32, #tpu.memory_space<vmem>>) target_semaphore(%run_scoped3A : memref<!tpu.dma_semaphore, #tpu.memory_space<semaphore_mem>>)
      %dma_wait3A = arith.constant 0 : i32
      %dma_wait3A_107 = tpu.memref_slice %arg7[%dma_wait3A] : memref<520xf32, #tpu.memory_space<vmem>> -> memref<512xf32, #tpu.memory_space<vmem>>
      %dma_wait3A_108 = arith.constant 0 : i32
      %dma_wait3A_109 = tpu.memref_slice %arg2[%add3A_51, %dma_wait3A_108] : memref<128x512xf32, #tpu.memory_space<hbm>> -> memref<1x512xf32, #tpu.memory_space<hbm>>
      %dma_wait3A_110 = tpu.memref_squeeze %dma_wait3A_109 : memref<1x512xf32, #tpu.memory_space<hbm>> -> memref<512xf32, #tpu.memory_space<hbm>>
      %dma_wait3A_111 = arith.constant 0 : i32
      %dma_wait3A_112 = tpu.memref_slice %arg7[%dma_wait3A_111] : memref<520xf32, #tpu.memory_space<vmem>> -> memref<512xf32, #tpu.memory_space<vmem>>
      %dma_wait3A_113 = arith.constant 0 : i32
      %dma_wait3A_114 = tpu.memref_slice %arg2[%add3A_51, %dma_wait3A_113] : memref<128x512xf32, #tpu.memory_space<hbm>> -> memref<1x512xf32, #tpu.memory_space<hbm>>
      %dma_wait3A_115 = tpu.memref_squeeze %dma_wait3A_114 : memref<1x512xf32, #tpu.memory_space<hbm>> -> memref<512xf32, #tpu.memory_space<hbm>>
      tpu.wait_dma2 semaphore(%run_scoped3A : memref<!tpu.dma_semaphore, #tpu.memory_space<semaphore_mem>>) src(%dma_wait3A_115 : memref<512xf32, #tpu.memory_space<hbm>>) dst(%dma_wait3A_112 : memref<512xf32, #tpu.memory_space<vmem>>)
      tpu.yield
    }) : () -> ()
    "tpu.region"() ({
      %run_scoped3A = tpu.sem_alloc : memref<!tpu.dma_semaphore, #tpu.memory_space<semaphore_mem>>
      %dma_start3A = arith.constant 0 : i32
      %dma_start3A_98 = tpu.memref_slice %arg8[%dma_start3A] : memref<520xi32, #tpu.memory_space<vmem>> -> memref<512xi32, #tpu.memory_space<vmem>>
      %dma_start3A_99 = arith.constant 0 : i32
      %dma_start3A_100 = tpu.memref_slice %arg3[%add3A_51, %dma_start3A_99] : memref<128x512xi32, #tpu.memory_space<hbm>> -> memref<1x512xi32, #tpu.memory_space<hbm>>
      %dma_start3A_101 = tpu.memref_squeeze %dma_start3A_100 : memref<1x512xi32, #tpu.memory_space<hbm>> -> memref<512xi32, #tpu.memory_space<hbm>>
      %dma_start3A_102 = arith.constant 0 : i32
      %dma_start3A_103 = tpu.memref_slice %arg8[%dma_start3A_102] : memref<520xi32, #tpu.memory_space<vmem>> -> memref<512xi32, #tpu.memory_space<vmem>>
      %dma_start3A_104 = arith.constant 0 : i32
      %dma_start3A_105 = tpu.memref_slice %arg3[%add3A_51, %dma_start3A_104] : memref<128x512xi32, #tpu.memory_space<hbm>> -> memref<1x512xi32, #tpu.memory_space<hbm>>
      %dma_start3A_106 = tpu.memref_squeeze %dma_start3A_105 : memref<1x512xi32, #tpu.memory_space<hbm>> -> memref<512xi32, #tpu.memory_space<hbm>>
      tpu.enqueue_dma source(%dma_start3A_106 : memref<512xi32, #tpu.memory_space<hbm>>) target(%dma_start3A_103 : memref<512xi32, #tpu.memory_space<vmem>>) target_semaphore(%run_scoped3A : memref<!tpu.dma_semaphore, #tpu.memory_space<semaphore_mem>>)
      %dma_wait3A = arith.constant 0 : i32
      %dma_wait3A_107 = tpu.memref_slice %arg8[%dma_wait3A] : memref<520xi32, #tpu.memory_space<vmem>> -> memref<512xi32, #tpu.memory_space<vmem>>
      %dma_wait3A_108 = arith.constant 0 : i32
      %dma_wait3A_109 = tpu.memref_slice %arg3[%add3A_51, %dma_wait3A_108] : memref<128x512xi32, #tpu.memory_space<hbm>> -> memref<1x512xi32, #tpu.memory_space<hbm>>
      %dma_wait3A_110 = tpu.memref_squeeze %dma_wait3A_109 : memref<1x512xi32, #tpu.memory_space<hbm>> -> memref<512xi32, #tpu.memory_space<hbm>>
      %dma_wait3A_111 = arith.constant 0 : i32
      %dma_wait3A_112 = tpu.memref_slice %arg8[%dma_wait3A_111] : memref<520xi32, #tpu.memory_space<vmem>> -> memref<512xi32, #tpu.memory_space<vmem>>
      %dma_wait3A_113 = arith.constant 0 : i32
      %dma_wait3A_114 = tpu.memref_slice %arg3[%add3A_51, %dma_wait3A_113] : memref<128x512xi32, #tpu.memory_space<hbm>> -> memref<1x512xi32, #tpu.memory_space<hbm>>
      %dma_wait3A_115 = tpu.memref_squeeze %dma_wait3A_114 : memref<1x512xi32, #tpu.memory_space<hbm>> -> memref<512xi32, #tpu.memory_space<hbm>>
      tpu.wait_dma2 semaphore(%run_scoped3A : memref<!tpu.dma_semaphore, #tpu.memory_space<semaphore_mem>>) src(%dma_wait3A_115 : memref<512xi32, #tpu.memory_space<hbm>>) dst(%dma_wait3A_112 : memref<512xi32, #tpu.memory_space<vmem>>)
      tpu.yield
    }) : () -> ()
    %get3A_60 = arith.index_cast %add3A_51 : i32 to index
    %get3A_61 = tpu.vector_load %arg9[%get3A_60] {strides = array<i32>} : memref<144xi32, #tpu.memory_space<vmem>>, vector<16xi32>,
    %get3A_62 = vector.shape_cast %get3A_61 : vector<16xi32> to vector<16xi32>
    %slice3A_63 = vector.extract_strided_slice %get3A_62 {offsets = [0], sizes = [1], strides = [1]} : vector<16xi32> to vector<1xi32>
    %squeeze3A_64 = vector.extract %slice3A_63[0] : i32 from vector<1xi32>
    %sub3A_65 = arith.constant 8 : i32
    %sub3A_66 = arith.subi %squeeze3A_64, %sub3A_65 : i32
    %scan3A_67 = arith.constant 0 : i32
    %scan3A_68 = arith.constant 0 : i32
    %scan3A_69 = arith.constant 32 : i32
    %scan3A_70 = arith.addi %scan3A_68, %scan3A_69 : i32
    %scan3A_71 = arith.constant 1 : i32
    scf.for %scan3A_98 = %scan3A_68 to %scan3A_70 step %scan3A_71  : i32 {
      %mul3A_99 = arith.constant 16 : i32
      %mul3A_100 = arith.muli %scan3A_98, %mul3A_99 : i32
      %add3A_101 = vector.broadcast %mul3A_100 : i32 to vector<16xi32>
      %add3A_102 = arith.addi %add3A_101, %iota3A : vector<16xi32>
      %lt3A = vector.broadcast %sub3A_66 : i32 to vector<16xi32>
      %lt3A_103 = arith.cmpi slt, %add3A_102, %lt3A : vector<16xi32>
      %add3A_104 = arith.constant 0 : i32
      %add3A_105 = arith.addi %mul3A_100, %add3A_104 : i32
      %get3A_106 = arith.index_cast %add3A_105 : i32 to index
      %get3A_107 = tpu.vector_load %arg7[%get3A_106] {strides = array<i32>} : memref<520xf32, #tpu.memory_space<vmem>>, vector<16xf32>,
      %get3A_108 = vector.shape_cast %get3A_107 : vector<16xf32> to vector<16xf32>
      %add3A_109 = arith.constant 0 : i32
      %add3A_110 = arith.addi %mul3A_100, %add3A_109 : i32
      %add3A_111 = arith.constant 1 : i32
      %add3A_112 = arith.addi %add3A_110, %add3A_111 : i32
      %get3A_113 = arith.index_cast %add3A_112 : i32 to index
      %get3A_114 = tpu.vector_load %arg7[%get3A_113] {strides = array<i32>} : memref<520xf32, #tpu.memory_space<vmem>>, vector<16xf32>,
      %get3A_115 = vector.shape_cast %get3A_114 : vector<16xf32> to vector<16xf32>
      %add3A_116 = arith.constant 0 : i32
      %add3A_117 = arith.addi %mul3A_100, %add3A_116 : i32
      %add3A_118 = arith.constant 1 : i32
      %add3A_119 = arith.addi %add3A_117, %add3A_118 : i32
      %get3A_120 = arith.index_cast %add3A_119 : i32 to index
      %get3A_121 = tpu.vector_load %arg8[%get3A_120] {strides = array<i32>} : memref<520xi32, #tpu.memory_space<vmem>>, vector<16xi32>,
      %get3A_122 = vector.shape_cast %get3A_121 : vector<16xi32> to vector<16xi32>
      %sub3A_123 = arith.subf %get3A_115, %get3A_108 : vector<16xf32>
      %jit3A = arith.constant 0.000000e+00 : f32
      %broadcast_in_dim3A_124 = vector.broadcast %jit3A : f32 to vector<16xf32>
      %select_n3A = arith.select %lt3A_103, %sub3A_123, %broadcast_in_dim3A_124 : vector<16xi1>, vector<16xf32>
      %swap3A_125 = arith.constant 0 : i32
      %swap3A_126 = arith.index_cast %swap3A_125 : i32 to index
      %swap3A_127 = arith.index_cast %mul3A_100 : i32 to index
      %swap3A_128 = tpu.vector_load %arg10[%swap3A_126, %swap3A_127] {strides = array<i32>} : memref<8x512xf32, #tpu.memory_space<vmem>>, vector<1x16xf32>,
      %swap3A_129 = vector.shape_cast %swap3A_128 : vector<1x16xf32> to vector<16xf32>
      %swap3A_130 = vector.shape_cast %select_n3A : vector<16xf32> to vector<1x16xf32>
      tpu.vector_store %arg10[%swap3A_126, %swap3A_127], %swap3A_130 {strides = array<i32>} : memref<8x512xf32, #tpu.memory_space<vmem>>, vector<1x16xf32>,
      %add3A_131 = arith.constant 1 : i32
      %add3A_132 = vector.broadcast %add3A_131 : i32 to vector<16xi32>
      %add3A_133 = arith.addi %get3A_122, %add3A_132 : vector<16xi32>
      %convert_element_type3A = arith.sitofp %add3A_133 : vector<16xi32> to vector<16xf32>
      %jit3A_134 = arith.constant -1.000000e+03 : f32
      %broadcast_in_dim3A_135 = vector.broadcast %jit3A_134 : f32 to vector<16xf32>
      %select_n3A_136 = arith.select %lt3A_103, %convert_element_type3A, %broadcast_in_dim3A_135 : vector<16xi1>, vector<16xf32>
      %swap3A_137 = arith.constant 0 : i32
      %swap3A_138 = arith.index_cast %swap3A_137 : i32 to index
      %swap3A_139 = arith.index_cast %mul3A_100 : i32 to index
      %swap3A_140 = tpu.vector_load %arg11[%swap3A_138, %swap3A_139] {strides = array<i32>} : memref<8x512xf32, #tpu.memory_space<vmem>>, vector<1x16xf32>,
      %swap3A_141 = vector.shape_cast %swap3A_140 : vector<1x16xf32> to vector<16xf32>
      %swap3A_142 = vector.shape_cast %select_n3A_136 : vector<16xf32> to vector<1x16xf32>
      tpu.vector_store %arg11[%swap3A_138, %swap3A_139], %swap3A_142 {strides = array<i32>} : memref<8x512xf32, #tpu.memory_space<vmem>>, vector<1x16xf32>,
      %add3A_143 = arith.constant 1 : i32
      %add3A_144 = arith.addi %mul3A_100, %add3A_143 : i32
      %get3A_145 = arith.index_cast %add3A_144 : i32 to index
      %get3A_146 = tpu.vector_load %arg7[%get3A_145] {strides = array<i32>} : memref<520xf32, #tpu.memory_space<vmem>>, vector<16xf32>,
      %get3A_147 = vector.shape_cast %get3A_146 : vector<16xf32> to vector<16xf32>
      %add3A_148 = arith.constant 1 : i32
      %add3A_149 = arith.addi %mul3A_100, %add3A_148 : i32
      %add3A_150 = arith.constant 1 : i32
      %add3A_151 = arith.addi %add3A_149, %add3A_150 : i32
      %get3A_152 = arith.index_cast %add3A_151 : i32 to index
      %get3A_153 = tpu.vector_load %arg7[%get3A_152] {strides = array<i32>} : memref<520xf32, #tpu.memory_space<vmem>>, vector<16xf32>,
      %get3A_154 = vector.shape_cast %get3A_153 : vector<16xf32> to vector<16xf32>
      %add3A_155 = arith.constant 1 : i32
      %add3A_156 = arith.addi %mul3A_100, %add3A_155 : i32
      %add3A_157 = arith.constant 1 : i32
      %add3A_158 = arith.addi %add3A_156, %add3A_157 : i32
      %get3A_159 = arith.index_cast %add3A_158 : i32 to index
      %get3A_160 = tpu.vector_load %arg8[%get3A_159] {strides = array<i32>} : memref<520xi32, #tpu.memory_space<vmem>>, vector<16xi32>,
      %get3A_161 = vector.shape_cast %get3A_160 : vector<16xi32> to vector<16xi32>
      %sub3A_162 = arith.subf %get3A_154, %get3A_147 : vector<16xf32>
      %jit3A_163 = arith.constant 0.000000e+00 : f32
      %broadcast_in_dim3A_164 = vector.broadcast %jit3A_163 : f32 to vector<16xf32>
      %select_n3A_165 = arith.select %lt3A_103, %sub3A_162, %broadcast_in_dim3A_164 : vector<16xi1>, vector<16xf32>
      %swap3A_166 = arith.constant 1 : i32
      %swap3A_167 = arith.index_cast %swap3A_166 : i32 to index
      %swap3A_168 = arith.index_cast %mul3A_100 : i32 to index
      %swap3A_169 = tpu.vector_load %arg10[%swap3A_167, %swap3A_168] {strides = array<i32>} : memref<8x512xf32, #tpu.memory_space<vmem>>, vector<1x16xf32>,
      %swap3A_170 = vector.shape_cast %swap3A_169 : vector<1x16xf32> to vector<16xf32>
      %swap3A_171 = vector.shape_cast %select_n3A_165 : vector<16xf32> to vector<1x16xf32>
      tpu.vector_store %arg10[%swap3A_167, %swap3A_168], %swap3A_171 {strides = array<i32>} : memref<8x512xf32, #tpu.memory_space<vmem>>, vector<1x16xf32>,
      %add3A_172 = arith.constant 66 : i32
      %add3A_173 = vector.broadcast %add3A_172 : i32 to vector<16xi32>
      %add3A_174 = arith.addi %get3A_161, %add3A_173 : vector<16xi32>
      %convert_element_type3A_175 = arith.sitofp %add3A_174 : vector<16xi32> to vector<16xf32>
      %jit3A_176 = arith.constant -1.000000e+03 : f32
      %broadcast_in_dim3A_177 = vector.broadcast %jit3A_176 : f32 to vector<16xf32>
      %select_n3A_178 = arith.select %lt3A_103, %convert_element_type3A_175, %broadcast_in_dim3A_177 : vector<16xi1>, vector<16xf32>
      %swap3A_179 = arith.constant 1 : i32
      %swap3A_180 = arith.index_cast %swap3A_179 : i32 to index
      %swap3A_181 = arith.index_cast %mul3A_100 : i32 to index
      %swap3A_182 = tpu.vector_load %arg11[%swap3A_180, %swap3A_181] {strides = array<i32>} : memref<8x512xf32, #tpu.memory_space<vmem>>, vector<1x16xf32>,
      %swap3A_183 = vector.shape_cast %swap3A_182 : vector<1x16xf32> to vector<16xf32>
      %swap3A_184 = vector.shape_cast %select_n3A_178 : vector<16xf32> to vector<1x16xf32>
      tpu.vector_store %arg11[%swap3A_180, %swap3A_181], %swap3A_184 {strides = array<i32>} : memref<8x512xf32, #tpu.memory_space<vmem>>, vector<1x16xf32>,
      %add3A_185 = arith.constant 2 : i32
      %add3A_186 = arith.addi %mul3A_100, %add3A_185 : i32
      %get3A_187 = arith.index_cast %add3A_186 : i32 to index
      %get3A_188 = tpu.vector_load %arg7[%get3A_187] {strides = array<i32>} : memref<520xf32, #tpu.memory_space<vmem>>, vector<16xf32>,
      %get3A_189 = vector.shape_cast %get3A_188 : vector<16xf32> to vector<16xf32>
      %add3A_190 = arith.constant 2 : i32
      %add3A_191 = arith.addi %mul3A_100, %add3A_190 : i32
      %add3A_192 = arith.constant 1 : i32
      %add3A_193 = arith.addi %add3A_191, %add3A_192 : i32
      %get3A_194 = arith.index_cast %add3A_193 : i32 to index
      %get3A_195 = tpu.vector_load %arg7[%get3A_194] {strides = array<i32>} : memref<520xf32, #tpu.memory_space<vmem>>, vector<16xf32>,
      %get3A_196 = vector.shape_cast %get3A_195 : vector<16xf32> to vector<16xf32>
      %add3A_197 = arith.constant 2 : i32
      %add3A_198 = arith.addi %mul3A_100, %add3A_197 : i32
      %add3A_199 = arith.constant 1 : i32
      %add3A_200 = arith.addi %add3A_198, %add3A_199 : i32
      %get3A_201 = arith.index_cast %add3A_200 : i32 to index
      %get3A_202 = tpu.vector_load %arg8[%get3A_201] {strides = array<i32>} : memref<520xi32, #tpu.memory_space<vmem>>, vector<16xi32>,
      %get3A_203 = vector.shape_cast %get3A_202 : vector<16xi32> to vector<16xi32>
      %sub3A_204 = arith.subf %get3A_196, %get3A_189 : vector<16xf32>
      %jit3A_205 = arith.constant 0.000000e+00 : f32
      %broadcast_in_dim3A_206 = vector.broadcast %jit3A_205 : f32 to vector<16xf32>
      %select_n3A_207 = arith.select %lt3A_103, %sub3A_204, %broadcast_in_dim3A_206 : vector<16xi1>, vector<16xf32>
      %swap3A_208 = arith.constant 2 : i32
      %swap3A_209 = arith.index_cast %swap3A_208 : i32 to index
      %swap3A_210 = arith.index_cast %mul3A_100 : i32 to index
      %swap3A_211 = tpu.vector_load %arg10[%swap3A_209, %swap3A_210] {strides = array<i32>} : memref<8x512xf32, #tpu.memory_space<vmem>>, vector<1x16xf32>,
      %swap3A_212 = vector.shape_cast %swap3A_211 : vector<1x16xf32> to vector<16xf32>
      %swap3A_213 = vector.shape_cast %select_n3A_207 : vector<16xf32> to vector<1x16xf32>
      tpu.vector_store %arg10[%swap3A_209, %swap3A_210], %swap3A_213 {strides = array<i32>} : memref<8x512xf32, #tpu.memory_space<vmem>>, vector<1x16xf32>,
      %add3A_214 = arith.constant 131 : i32
      %add3A_215 = vector.broadcast %add3A_214 : i32 to vector<16xi32>
      %add3A_216 = arith.addi %get3A_203, %add3A_215 : vector<16xi32>
      %convert_element_type3A_217 = arith.sitofp %add3A_216 : vector<16xi32> to vector<16xf32>
      %jit3A_218 = arith.constant -1.000000e+03 : f32
      %broadcast_in_dim3A_219 = vector.broadcast %jit3A_218 : f32 to vector<16xf32>
      %select_n3A_220 = arith.select %lt3A_103, %convert_element_type3A_217, %broadcast_in_dim3A_219 : vector<16xi1>, vector<16xf32>
      %swap3A_221 = arith.constant 2 : i32
      %swap3A_222 = arith.index_cast %swap3A_221 : i32 to index
      %swap3A_223 = arith.index_cast %mul3A_100 : i32 to index
      %swap3A_224 = tpu.vector_load %arg11[%swap3A_222, %swap3A_223] {strides = array<i32>} : memref<8x512xf32, #tpu.memory_space<vmem>>, vector<1x16xf32>,
      %swap3A_225 = vector.shape_cast %swap3A_224 : vector<1x16xf32> to vector<16xf32>
      %swap3A_226 = vector.shape_cast %select_n3A_220 : vector<16xf32> to vector<1x16xf32>
      tpu.vector_store %arg11[%swap3A_222, %swap3A_223], %swap3A_226 {strides = array<i32>} : memref<8x512xf32, #tpu.memory_space<vmem>>, vector<1x16xf32>,
      %add3A_227 = arith.constant 3 : i32
      %add3A_228 = arith.addi %mul3A_100, %add3A_227 : i32
      %get3A_229 = arith.index_cast %add3A_228 : i32 to index
      %get3A_230 = tpu.vector_load %arg7[%get3A_229] {strides = array<i32>} : memref<520xf32, #tpu.memory_space<vmem>>, vector<16xf32>,
      %get3A_231 = vector.shape_cast %get3A_230 : vector<16xf32> to vector<16xf32>
      %add3A_232 = arith.constant 3 : i32
      %add3A_233 = arith.addi %mul3A_100, %add3A_232 : i32
      %add3A_234 = arith.constant 1 : i32
      %add3A_235 = arith.addi %add3A_233, %add3A_234 : i32
      %get3A_236 = arith.index_cast %add3A_235 : i32 to index
      %get3A_237 = tpu.vector_load %arg7[%get3A_236] {strides = array<i32>} : memref<520xf32, #tpu.memory_space<vmem>>, vector<16xf32>,
      %get3A_238 = vector.shape_cast %get3A_237 : vector<16xf32> to vector<16xf32>
      %add3A_239 = arith.constant 3 : i32
      %add3A_240 = arith.addi %mul3A_100, %add3A_239 : i32
      %add3A_241 = arith.constant 1 : i32
      %add3A_242 = arith.addi %add3A_240, %add3A_241 : i32
      %get3A_243 = arith.index_cast %add3A_242 : i32 to index
      %get3A_244 = tpu.vector_load %arg8[%get3A_243] {strides = array<i32>} : memref<520xi32, #tpu.memory_space<vmem>>, vector<16xi32>,
      %get3A_245 = vector.shape_cast %get3A_244 : vector<16xi32> to vector<16xi32>
      %sub3A_246 = arith.subf %get3A_238, %get3A_231 : vector<16xf32>
      %jit3A_247 = arith.constant 0.000000e+00 : f32
      %broadcast_in_dim3A_248 = vector.broadcast %jit3A_247 : f32 to vector<16xf32>
      %select_n3A_249 = arith.select %lt3A_103, %sub3A_246, %broadcast_in_dim3A_248 : vector<16xi1>, vector<16xf32>
      %swap3A_250 = arith.constant 3 : i32
      %swap3A_251 = arith.index_cast %swap3A_250 : i32 to index
      %swap3A_252 = arith.index_cast %mul3A_100 : i32 to index
      %swap3A_253 = tpu.vector_load %arg10[%swap3A_251, %swap3A_252] {strides = array<i32>} : memref<8x512xf32, #tpu.memory_space<vmem>>, vector<1x16xf32>,
      %swap3A_254 = vector.shape_cast %swap3A_253 : vector<1x16xf32> to vector<16xf32>
      %swap3A_255 = vector.shape_cast %select_n3A_249 : vector<16xf32> to vector<1x16xf32>
      tpu.vector_store %arg10[%swap3A_251, %swap3A_252], %swap3A_255 {strides = array<i32>} : memref<8x512xf32, #tpu.memory_space<vmem>>, vector<1x16xf32>,
      %add3A_256 = arith.constant 196 : i32
      %add3A_257 = vector.broadcast %add3A_256 : i32 to vector<16xi32>
      %add3A_258 = arith.addi %get3A_245, %add3A_257 : vector<16xi32>
      %convert_element_type3A_259 = arith.sitofp %add3A_258 : vector<16xi32> to vector<16xf32>
      %jit3A_260 = arith.constant -1.000000e+03 : f32
      %broadcast_in_dim3A_261 = vector.broadcast %jit3A_260 : f32 to vector<16xf32>
      %select_n3A_262 = arith.select %lt3A_103, %convert_element_type3A_259, %broadcast_in_dim3A_261 : vector<16xi1>, vector<16xf32>
      %swap3A_263 = arith.constant 3 : i32
      %swap3A_264 = arith.index_cast %swap3A_263 : i32 to index
      %swap3A_265 = arith.index_cast %mul3A_100 : i32 to index
      %swap3A_266 = tpu.vector_load %arg11[%swap3A_264, %swap3A_265] {strides = array<i32>} : memref<8x512xf32, #tpu.memory_space<vmem>>, vector<1x16xf32>,
      %swap3A_267 = vector.shape_cast %swap3A_266 : vector<1x16xf32> to vector<16xf32>
      %swap3A_268 = vector.shape_cast %select_n3A_262 : vector<16xf32> to vector<1x16xf32>
      tpu.vector_store %arg11[%swap3A_264, %swap3A_265], %swap3A_268 {strides = array<i32>} : memref<8x512xf32, #tpu.memory_space<vmem>>, vector<1x16xf32>,
      %add3A_269 = arith.constant 4 : i32
      %add3A_270 = arith.addi %mul3A_100, %add3A_269 : i32
      %get3A_271 = arith.index_cast %add3A_270 : i32 to index
      %get3A_272 = tpu.vector_load %arg7[%get3A_271] {strides = array<i32>} : memref<520xf32, #tpu.memory_space<vmem>>, vector<16xf32>,
      %get3A_273 = vector.shape_cast %get3A_272 : vector<16xf32> to vector<16xf32>
      %add3A_274 = arith.constant 4 : i32
      %add3A_275 = arith.addi %mul3A_100, %add3A_274 : i32
      %add3A_276 = arith.constant 1 : i32
      %add3A_277 = arith.addi %add3A_275, %add3A_276 : i32
      %get3A_278 = arith.index_cast %add3A_277 : i32 to index
      %get3A_279 = tpu.vector_load %arg7[%get3A_278] {strides = array<i32>} : memref<520xf32, #tpu.memory_space<vmem>>, vector<16xf32>,
      %get3A_280 = vector.shape_cast %get3A_279 : vector<16xf32> to vector<16xf32>
      %add3A_281 = arith.constant 4 : i32
      %add3A_282 = arith.addi %mul3A_100, %add3A_281 : i32
      %add3A_283 = arith.constant 1 : i32
      %add3A_284 = arith.addi %add3A_282, %add3A_283 : i32
      %get3A_285 = arith.index_cast %add3A_284 : i32 to index
      %get3A_286 = tpu.vector_load %arg8[%get3A_285] {strides = array<i32>} : memref<520xi32, #tpu.memory_space<vmem>>, vector<16xi32>,
      %get3A_287 = vector.shape_cast %get3A_286 : vector<16xi32> to vector<16xi32>
      %sub3A_288 = arith.subf %get3A_280, %get3A_273 : vector<16xf32>
      %jit3A_289 = arith.constant 0.000000e+00 : f32
      %broadcast_in_dim3A_290 = vector.broadcast %jit3A_289 : f32 to vector<16xf32>
      %select_n3A_291 = arith.select %lt3A_103, %sub3A_288, %broadcast_in_dim3A_290 : vector<16xi1>, vector<16xf32>
      %swap3A_292 = arith.constant 4 : i32
      %swap3A_293 = arith.index_cast %swap3A_292 : i32 to index
      %swap3A_294 = arith.index_cast %mul3A_100 : i32 to index
      %swap3A_295 = tpu.vector_load %arg10[%swap3A_293, %swap3A_294] {strides = array<i32>} : memref<8x512xf32, #tpu.memory_space<vmem>>, vector<1x16xf32>,
      %swap3A_296 = vector.shape_cast %swap3A_295 : vector<1x16xf32> to vector<16xf32>
      %swap3A_297 = vector.shape_cast %select_n3A_291 : vector<16xf32> to vector<1x16xf32>
      tpu.vector_store %arg10[%swap3A_293, %swap3A_294], %swap3A_297 {strides = array<i32>} : memref<8x512xf32, #tpu.memory_space<vmem>>, vector<1x16xf32>,
      %add3A_298 = arith.constant 261 : i32
      %add3A_299 = vector.broadcast %add3A_298 : i32 to vector<16xi32>
      %add3A_300 = arith.addi %get3A_287, %add3A_299 : vector<16xi32>
      %convert_element_type3A_301 = arith.sitofp %add3A_300 : vector<16xi32> to vector<16xf32>
      %jit3A_302 = arith.constant -1.000000e+03 : f32
      %broadcast_in_dim3A_303 = vector.broadcast %jit3A_302 : f32 to vector<16xf32>
      %select_n3A_304 = arith.select %lt3A_103, %convert_element_type3A_301, %broadcast_in_dim3A_303 : vector<16xi1>, vector<16xf32>
      %swap3A_305 = arith.constant 4 : i32
      %swap3A_306 = arith.index_cast %swap3A_305 : i32 to index
      %swap3A_307 = arith.index_cast %mul3A_100 : i32 to index
      %swap3A_308 = tpu.vector_load %arg11[%swap3A_306, %swap3A_307] {strides = array<i32>} : memref<8x512xf32, #tpu.memory_space<vmem>>, vector<1x16xf32>,
      %swap3A_309 = vector.shape_cast %swap3A_308 : vector<1x16xf32> to vector<16xf32>
      %swap3A_310 = vector.shape_cast %select_n3A_304 : vector<16xf32> to vector<1x16xf32>
      tpu.vector_store %arg11[%swap3A_306, %swap3A_307], %swap3A_310 {strides = array<i32>} : memref<8x512xf32, #tpu.memory_space<vmem>>, vector<1x16xf32>,
      %add3A_311 = arith.constant 5 : i32
      %add3A_312 = arith.addi %mul3A_100, %add3A_311 : i32
      %get3A_313 = arith.index_cast %add3A_312 : i32 to index
      %get3A_314 = tpu.vector_load %arg7[%get3A_313] {strides = array<i32>} : memref<520xf32, #tpu.memory_space<vmem>>, vector<16xf32>,
      %get3A_315 = vector.shape_cast %get3A_314 : vector<16xf32> to vector<16xf32>
      %add3A_316 = arith.constant 5 : i32
      %add3A_317 = arith.addi %mul3A_100, %add3A_316 : i32
      %add3A_318 = arith.constant 1 : i32
      %add3A_319 = arith.addi %add3A_317, %add3A_318 : i32
      %get3A_320 = arith.index_cast %add3A_319 : i32 to index
      %get3A_321 = tpu.vector_load %arg7[%get3A_320] {strides = array<i32>} : memref<520xf32, #tpu.memory_space<vmem>>, vector<16xf32>,
      %get3A_322 = vector.shape_cast %get3A_321 : vector<16xf32> to vector<16xf32>
      %add3A_323 = arith.constant 5 : i32
      %add3A_324 = arith.addi %mul3A_100, %add3A_323 : i32
      %add3A_325 = arith.constant 1 : i32
      %add3A_326 = arith.addi %add3A_324, %add3A_325 : i32
      %get3A_327 = arith.index_cast %add3A_326 : i32 to index
      %get3A_328 = tpu.vector_load %arg8[%get3A_327] {strides = array<i32>} : memref<520xi32, #tpu.memory_space<vmem>>, vector<16xi32>,
      %get3A_329 = vector.shape_cast %get3A_328 : vector<16xi32> to vector<16xi32>
      %sub3A_330 = arith.subf %get3A_322, %get3A_315 : vector<16xf32>
      %jit3A_331 = arith.constant 0.000000e+00 : f32
      %broadcast_in_dim3A_332 = vector.broadcast %jit3A_331 : f32 to vector<16xf32>
      %select_n3A_333 = arith.select %lt3A_103, %sub3A_330, %broadcast_in_dim3A_332 : vector<16xi1>, vector<16xf32>
      %swap3A_334 = arith.constant 5 : i32
      %swap3A_335 = arith.index_cast %swap3A_334 : i32 to index
      %swap3A_336 = arith.index_cast %mul3A_100 : i32 to index
      %swap3A_337 = tpu.vector_load %arg10[%swap3A_335, %swap3A_336] {strides = array<i32>} : memref<8x512xf32, #tpu.memory_space<vmem>>, vector<1x16xf32>,
      %swap3A_338 = vector.shape_cast %swap3A_337 : vector<1x16xf32> to vector<16xf32>
      %swap3A_339 = vector.shape_cast %select_n3A_333 : vector<16xf32> to vector<1x16xf32>
      tpu.vector_store %arg10[%swap3A_335, %swap3A_336], %swap3A_339 {strides = array<i32>} : memref<8x512xf32, #tpu.memory_space<vmem>>, vector<1x16xf32>,
      %add3A_340 = arith.constant 326 : i32
      %add3A_341 = vector.broadcast %add3A_340 : i32 to vector<16xi32>
      %add3A_342 = arith.addi %get3A_329, %add3A_341 : vector<16xi32>
      %convert_element_type3A_343 = arith.sitofp %add3A_342 : vector<16xi32> to vector<16xf32>
      %jit3A_344 = arith.constant -1.000000e+03 : f32
      %broadcast_in_dim3A_345 = vector.broadcast %jit3A_344 : f32 to vector<16xf32>
      %select_n3A_346 = arith.select %lt3A_103, %convert_element_type3A_343, %broadcast_in_dim3A_345 : vector<16xi1>, vector<16xf32>
      %swap3A_347 = arith.constant 5 : i32
      %swap3A_348 = arith.index_cast %swap3A_347 : i32 to index
      %swap3A_349 = arith.index_cast %mul3A_100 : i32 to index
      %swap3A_350 = tpu.vector_load %arg11[%swap3A_348, %swap3A_349] {strides = array<i32>} : memref<8x512xf32, #tpu.memory_space<vmem>>, vector<1x16xf32>,
      %swap3A_351 = vector.shape_cast %swap3A_350 : vector<1x16xf32> to vector<16xf32>
      %swap3A_352 = vector.shape_cast %select_n3A_346 : vector<16xf32> to vector<1x16xf32>
      tpu.vector_store %arg11[%swap3A_348, %swap3A_349], %swap3A_352 {strides = array<i32>} : memref<8x512xf32, #tpu.memory_space<vmem>>, vector<1x16xf32>,
      %add3A_353 = arith.constant 6 : i32
      %add3A_354 = arith.addi %mul3A_100, %add3A_353 : i32
      %get3A_355 = arith.index_cast %add3A_354 : i32 to index
      %get3A_356 = tpu.vector_load %arg7[%get3A_355] {strides = array<i32>} : memref<520xf32, #tpu.memory_space<vmem>>, vector<16xf32>,
      %get3A_357 = vector.shape_cast %get3A_356 : vector<16xf32> to vector<16xf32>
      %add3A_358 = arith.constant 6 : i32
      %add3A_359 = arith.addi %mul3A_100, %add3A_358 : i32
      %add3A_360 = arith.constant 1 : i32
      %add3A_361 = arith.addi %add3A_359, %add3A_360 : i32
      %get3A_362 = arith.index_cast %add3A_361 : i32 to index
      %get3A_363 = tpu.vector_load %arg7[%get3A_362] {strides = array<i32>} : memref<520xf32, #tpu.memory_space<vmem>>, vector<16xf32>,
      %get3A_364 = vector.shape_cast %get3A_363 : vector<16xf32> to vector<16xf32>
      %add3A_365 = arith.constant 6 : i32
      %add3A_366 = arith.addi %mul3A_100, %add3A_365 : i32
      %add3A_367 = arith.constant 1 : i32
      %add3A_368 = arith.addi %add3A_366, %add3A_367 : i32
      %get3A_369 = arith.index_cast %add3A_368 : i32 to index
      %get3A_370 = tpu.vector_load %arg8[%get3A_369] {strides = array<i32>} : memref<520xi32, #tpu.memory_space<vmem>>, vector<16xi32>,
      %get3A_371 = vector.shape_cast %get3A_370 : vector<16xi32> to vector<16xi32>
      %sub3A_372 = arith.subf %get3A_364, %get3A_357 : vector<16xf32>
      %jit3A_373 = arith.constant 0.000000e+00 : f32
      %broadcast_in_dim3A_374 = vector.broadcast %jit3A_373 : f32 to vector<16xf32>
      %select_n3A_375 = arith.select %lt3A_103, %sub3A_372, %broadcast_in_dim3A_374 : vector<16xi1>, vector<16xf32>
      %swap3A_376 = arith.constant 6 : i32
      %swap3A_377 = arith.index_cast %swap3A_376 : i32 to index
      %swap3A_378 = arith.index_cast %mul3A_100 : i32 to index
      %swap3A_379 = tpu.vector_load %arg10[%swap3A_377, %swap3A_378] {strides = array<i32>} : memref<8x512xf32, #tpu.memory_space<vmem>>, vector<1x16xf32>,
      %swap3A_380 = vector.shape_cast %swap3A_379 : vector<1x16xf32> to vector<16xf32>
      %swap3A_381 = vector.shape_cast %select_n3A_375 : vector<16xf32> to vector<1x16xf32>
      tpu.vector_store %arg10[%swap3A_377, %swap3A_378], %swap3A_381 {strides = array<i32>} : memref<8x512xf32, #tpu.memory_space<vmem>>, vector<1x16xf32>,
      %add3A_382 = arith.constant 391 : i32
      %add3A_383 = vector.broadcast %add3A_382 : i32 to vector<16xi32>
      %add3A_384 = arith.addi %get3A_371, %add3A_383 : vector<16xi32>
      %convert_element_type3A_385 = arith.sitofp %add3A_384 : vector<16xi32> to vector<16xf32>
      %jit3A_386 = arith.constant -1.000000e+03 : f32
      %broadcast_in_dim3A_387 = vector.broadcast %jit3A_386 : f32 to vector<16xf32>
      %select_n3A_388 = arith.select %lt3A_103, %convert_element_type3A_385, %broadcast_in_dim3A_387 : vector<16xi1>, vector<16xf32>
      %swap3A_389 = arith.constant 6 : i32
      %swap3A_390 = arith.index_cast %swap3A_389 : i32 to index
      %swap3A_391 = arith.index_cast %mul3A_100 : i32 to index
      %swap3A_392 = tpu.vector_load %arg11[%swap3A_390, %swap3A_391] {strides = array<i32>} : memref<8x512xf32, #tpu.memory_space<vmem>>, vector<1x16xf32>,
      %swap3A_393 = vector.shape_cast %swap3A_392 : vector<1x16xf32> to vector<16xf32>
      %swap3A_394 = vector.shape_cast %select_n3A_388 : vector<16xf32> to vector<1x16xf32>
      tpu.vector_store %arg11[%swap3A_390, %swap3A_391], %swap3A_394 {strides = array<i32>} : memref<8x512xf32, #tpu.memory_space<vmem>>, vector<1x16xf32>,
      %add3A_395 = arith.constant 7 : i32
      %add3A_396 = arith.addi %mul3A_100, %add3A_395 : i32
      %get3A_397 = arith.index_cast %add3A_396 : i32 to index
      %get3A_398 = tpu.vector_load %arg7[%get3A_397] {strides = array<i32>} : memref<520xf32, #tpu.memory_space<vmem>>, vector<16xf32>,
      %get3A_399 = vector.shape_cast %get3A_398 : vector<16xf32> to vector<16xf32>
      %add3A_400 = arith.constant 7 : i32
      %add3A_401 = arith.addi %mul3A_100, %add3A_400 : i32
      %add3A_402 = arith.constant 1 : i32
      %add3A_403 = arith.addi %add3A_401, %add3A_402 : i32
      %get3A_404 = arith.index_cast %add3A_403 : i32 to index
      %get3A_405 = tpu.vector_load %arg7[%get3A_404] {strides = array<i32>} : memref<520xf32, #tpu.memory_space<vmem>>, vector<16xf32>,
      %get3A_406 = vector.shape_cast %get3A_405 : vector<16xf32> to vector<16xf32>
      %add3A_407 = arith.constant 7 : i32
      %add3A_408 = arith.addi %mul3A_100, %add3A_407 : i32
      %add3A_409 = arith.constant 1 : i32
      %add3A_410 = arith.addi %add3A_408, %add3A_409 : i32
      %get3A_411 = arith.index_cast %add3A_410 : i32 to index
      %get3A_412 = tpu.vector_load %arg8[%get3A_411] {strides = array<i32>} : memref<520xi32, #tpu.memory_space<vmem>>, vector<16xi32>,
      %get3A_413 = vector.shape_cast %get3A_412 : vector<16xi32> to vector<16xi32>
      %sub3A_414 = arith.subf %get3A_406, %get3A_399 : vector<16xf32>
      %jit3A_415 = arith.constant 0.000000e+00 : f32
      %broadcast_in_dim3A_416 = vector.broadcast %jit3A_415 : f32 to vector<16xf32>
      %select_n3A_417 = arith.select %lt3A_103, %sub3A_414, %broadcast_in_dim3A_416 : vector<16xi1>, vector<16xf32>
      %swap3A_418 = arith.constant 7 : i32
      %swap3A_419 = arith.index_cast %swap3A_418 : i32 to index
      %swap3A_420 = arith.index_cast %mul3A_100 : i32 to index
      %swap3A_421 = tpu.vector_load %arg10[%swap3A_419, %swap3A_420] {strides = array<i32>} : memref<8x512xf32, #tpu.memory_space<vmem>>, vector<1x16xf32>,
      %swap3A_422 = vector.shape_cast %swap3A_421 : vector<1x16xf32> to vector<16xf32>
      %swap3A_423 = vector.shape_cast %select_n3A_417 : vector<16xf32> to vector<1x16xf32>
      tpu.vector_store %arg10[%swap3A_419, %swap3A_420], %swap3A_423 {strides = array<i32>} : memref<8x512xf32, #tpu.memory_space<vmem>>, vector<1x16xf32>,
      %add3A_424 = arith.constant 456 : i32
      %add3A_425 = vector.broadcast %add3A_424 : i32 to vector<16xi32>
      %add3A_426 = arith.addi %get3A_413, %add3A_425 : vector<16xi32>
      %convert_element_type3A_427 = arith.sitofp %add3A_426 : vector<16xi32> to vector<16xf32>
      %jit3A_428 = arith.constant -1.000000e+03 : f32
      %broadcast_in_dim3A_429 = vector.broadcast %jit3A_428 : f32 to vector<16xf32>
      %select_n3A_430 = arith.select %lt3A_103, %convert_element_type3A_427, %broadcast_in_dim3A_429 : vector<16xi1>, vector<16xf32>
      %swap3A_431 = arith.constant 7 : i32
      %swap3A_432 = arith.index_cast %swap3A_431 : i32 to index
      %swap3A_433 = arith.index_cast %mul3A_100 : i32 to index
      %swap3A_434 = tpu.vector_load %arg11[%swap3A_432, %swap3A_433] {strides = array<i32>} : memref<8x512xf32, #tpu.memory_space<vmem>>, vector<1x16xf32>,
      %swap3A_435 = vector.shape_cast %swap3A_434 : vector<1x16xf32> to vector<16xf32>
      %swap3A_436 = vector.shape_cast %select_n3A_430 : vector<16xf32> to vector<1x16xf32>
      tpu.vector_store %arg11[%swap3A_432, %swap3A_433], %swap3A_436 {strides = array<i32>} : memref<8x512xf32, #tpu.memory_space<vmem>>, vector<1x16xf32>,
    }
    %scan3A_72 = arith.constant 32 : i32
    "tpu.region"() ({
      %run_scoped3A = tpu.sem_alloc : memref<!tpu.dma_semaphore, #tpu.memory_space<semaphore_mem>>
      %dma_start3A = arith.constant 0 : i32
      %dma_start3A_98 = arith.constant 0 : i32
      %dma_start3A_99 = tpu.memref_slice %arg5[%add3A_51, %dma_start3A, %dma_start3A_98] : memref<128x8x512xf32, #tpu.memory_space<hbm>> -> memref<1x8x512xf32, #tpu.memory_space<hbm>>
      %dma_start3A_100 = tpu.memref_squeeze %dma_start3A_99 : memref<1x8x512xf32, #tpu.memory_space<hbm>> -> memref<8x512xf32, #tpu.memory_space<hbm>>
      %dma_start3A_101 = arith.constant 0 : i32
      %dma_start3A_102 = arith.constant 0 : i32
      %dma_start3A_103 = tpu.memref_slice %arg5[%add3A_51, %dma_start3A_101, %dma_start3A_102] : memref<128x8x512xf32, #tpu.memory_space<hbm>> -> memref<1x8x512xf32, #tpu.memory_space<hbm>>
      %dma_start3A_104 = tpu.memref_squeeze %dma_start3A_103 : memref<1x8x512xf32, #tpu.memory_space<hbm>> -> memref<8x512xf32, #tpu.memory_space<hbm>>
      tpu.enqueue_dma source(%arg10 : memref<8x512xf32, #tpu.memory_space<vmem>>) target(%dma_start3A_104 : memref<8x512xf32, #tpu.memory_space<hbm>>) target_semaphore(%run_scoped3A : memref<!tpu.dma_semaphore, #tpu.memory_space<semaphore_mem>>)
      %dma_wait3A = arith.constant 0 : i32
      %dma_wait3A_105 = arith.constant 0 : i32
      %dma_wait3A_106 = tpu.memref_slice %arg5[%add3A_51, %dma_wait3A, %dma_wait3A_105] : memref<128x8x512xf32, #tpu.memory_space<hbm>> -> memref<1x8x512xf32, #tpu.memory_space<hbm>>
      %dma_wait3A_107 = tpu.memref_squeeze %dma_wait3A_106 : memref<1x8x512xf32, #tpu.memory_space<hbm>> -> memref<8x512xf32, #tpu.memory_space<hbm>>
      %dma_wait3A_108 = arith.constant 0 : i32
      %dma_wait3A_109 = arith.constant 0 : i32
      %dma_wait3A_110 = tpu.memref_slice %arg5[%add3A_51, %dma_wait3A_108, %dma_wait3A_109] : memref<128x8x512xf32, #tpu.memory_space<hbm>> -> memref<1x8x512xf32, #tpu.memory_space<hbm>>
      %dma_wait3A_111 = tpu.memref_squeeze %dma_wait3A_110 : memref<1x8x512xf32, #tpu.memory_space<hbm>> -> memref<8x512xf32, #tpu.memory_space<hbm>>
      tpu.wait_dma2 semaphore(%run_scoped3A : memref<!tpu.dma_semaphore, #tpu.memory_space<semaphore_mem>>) src(%arg10 : memref<8x512xf32, #tpu.memory_space<vmem>>) dst(%dma_wait3A_111 : memref<8x512xf32, #tpu.memory_space<hbm>>)
      tpu.yield
    }) : () -> ()
    "tpu.region"() ({
      %run_scoped3A = tpu.sem_alloc : memref<!tpu.dma_semaphore, #tpu.memory_space<semaphore_mem>>
      %dma_start3A = arith.constant 0 : i32
      %dma_start3A_98 = arith.constant 0 : i32
      %dma_start3A_99 = tpu.memref_slice %arg6[%add3A_51, %dma_start3A, %dma_start3A_98] : memref<128x8x512xf32, #tpu.memory_space<hbm>> -> memref<1x8x512xf32, #tpu.memory_space<hbm>>
      %dma_start3A_100 = tpu.memref_squeeze %dma_start3A_99 : memref<1x8x512xf32, #tpu.memory_space<hbm>> -> memref<8x512xf32, #tpu.memory_space<hbm>>
      %dma_start3A_101 = arith.constant 0 : i32
      %dma_start3A_102 = arith.constant 0 : i32
      %dma_start3A_103 = tpu.memref_slice %arg6[%add3A_51, %dma_start3A_101, %dma_start3A_102] : memref<128x8x512xf32, #tpu.memory_space<hbm>> -> memref<1x8x512xf32, #tpu.memory_space<hbm>>
      %dma_start3A_104 = tpu.memref_squeeze %dma_start3A_103 : memref<1x8x512xf32, #tpu.memory_space<hbm>> -> memref<8x512xf32, #tpu.memory_space<hbm>>
      tpu.enqueue_dma source(%arg11 : memref<8x512xf32, #tpu.memory_space<vmem>>) target(%dma_start3A_104 : memref<8x512xf32, #tpu.memory_space<hbm>>) target_semaphore(%run_scoped3A : memref<!tpu.dma_semaphore, #tpu.memory_space<semaphore_mem>>)
      %dma_wait3A = arith.constant 0 : i32
      %dma_wait3A_105 = arith.constant 0 : i32
      %dma_wait3A_106 = tpu.memref_slice %arg6[%add3A_51, %dma_wait3A, %dma_wait3A_105] : memref<128x8x512xf32, #tpu.memory_space<hbm>> -> memref<1x8x512xf32, #tpu.memory_space<hbm>>
      %dma_wait3A_107 = tpu.memref_squeeze %dma_wait3A_106 : memref<1x8x512xf32, #tpu.memory_space<hbm>> -> memref<8x512xf32, #tpu.memory_space<hbm>>
      %dma_wait3A_108 = arith.constant 0 : i32
      %dma_wait3A_109 = arith.constant 0 : i32
      %dma_wait3A_110 = tpu.memref_slice %arg6[%add3A_51, %dma_wait3A_108, %dma_wait3A_109] : memref<128x8x512xf32, #tpu.memory_space<hbm>> -> memref<1x8x512xf32, #tpu.memory_space<hbm>>
      %dma_wait3A_111 = tpu.memref_squeeze %dma_wait3A_110 : memref<1x8x512xf32, #tpu.memory_space<hbm>> -> memref<8x512xf32, #tpu.memory_space<hbm>>
      tpu.wait_dma2 semaphore(%run_scoped3A : memref<!tpu.dma_semaphore, #tpu.memory_space<semaphore_mem>>) src(%arg11 : memref<8x512xf32, #tpu.memory_space<vmem>>) dst(%dma_wait3A_111 : memref<8x512xf32, #tpu.memory_space<hbm>>)
      tpu.yield
    }) : () -> ()
    %mul3A_73 = arith.constant 4 : i32
    %mul3A_74 = arith.muli %add3A, %mul3A_73 : i32
    %add3A_75 = arith.constant 3 : i32
    %add3A_76 = arith.addi %mul3A_74, %add3A_75 : i32
    %swap3A_77 = arith.constant 504 : index
    %swap3A_78 = tpu.vector_load %arg7[%swap3A_77] {strides = array<i32>} : memref<520xf32, #tpu.memory_space<vmem>>, vector<16xf32>,
    %swap3A_79 = vector.shape_cast %swap3A_78 : vector<16xf32> to vector<16xf32>
    %swap3A_80 = vector.shape_cast %broadcast_in_dim3A_1 : vector<16xf32> to vector<16xf32>
    tpu.vector_store %arg7[%swap3A_77], %swap3A_80 {strides = array<i32>} : memref<520xf32, #tpu.memory_space<vmem>>, vector<16xf32>,
    %swap3A_81 = arith.constant 504 : index
    %swap3A_82 = tpu.vector_load %arg8[%swap3A_81] {strides = array<i32>} : memref<520xi32, #tpu.memory_space<vmem>>, vector<16xi32>,
    %swap3A_83 = vector.shape_cast %swap3A_82 : vector<16xi32> to vector<16xi32>
    %swap3A_84 = vector.shape_cast %broadcast_in_dim3A_3 : vector<16xi32> to vector<16xi32>
    tpu.vector_store %arg8[%swap3A_81], %swap3A_84 {strides = array<i32>} : memref<520xi32, #tpu.memory_space<vmem>>, vector<16xi32>,
    "tpu.region"() ({
      %run_scoped3A = tpu.sem_alloc : memref<!tpu.dma_semaphore, #tpu.memory_space<semaphore_mem>>
      %dma_start3A = arith.constant 0 : i32
      %dma_start3A_98 = tpu.memref_slice %arg7[%dma_start3A] : memref<520xf32, #tpu.memory_space<vmem>> -> memref<512xf32, #tpu.memory_space<vmem>>
      %dma_start3A_99 = arith.constant 0 : i32
      %dma_start3A_100 = tpu.memref_slice %arg2[%add3A_76, %dma_start3A_99] : memref<128x512xf32, #tpu.memory_space<hbm>> -> memref<1x512xf32, #tpu.memory_space<hbm>>
      %dma_start3A_101 = tpu.memref_squeeze %dma_start3A_100 : memref<1x512xf32, #tpu.memory_space<hbm>> -> memref<512xf32, #tpu.memory_space<hbm>>
      %dma_start3A_102 = arith.constant 0 : i32
      %dma_start3A_103 = tpu.memref_slice %arg7[%dma_start3A_102] : memref<520xf32, #tpu.memory_space<vmem>> -> memref<512xf32, #tpu.memory_space<vmem>>
      %dma_start3A_104 = arith.constant 0 : i32
      %dma_start3A_105 = tpu.memref_slice %arg2[%add3A_76, %dma_start3A_104] : memref<128x512xf32, #tpu.memory_space<hbm>> -> memref<1x512xf32, #tpu.memory_space<hbm>>
      %dma_start3A_106 = tpu.memref_squeeze %dma_start3A_105 : memref<1x512xf32, #tpu.memory_space<hbm>> -> memref<512xf32, #tpu.memory_space<hbm>>
      tpu.enqueue_dma source(%dma_start3A_106 : memref<512xf32, #tpu.memory_space<hbm>>) target(%dma_start3A_103 : memref<512xf32, #tpu.memory_space<vmem>>) target_semaphore(%run_scoped3A : memref<!tpu.dma_semaphore, #tpu.memory_space<semaphore_mem>>)
      %dma_wait3A = arith.constant 0 : i32
      %dma_wait3A_107 = tpu.memref_slice %arg7[%dma_wait3A] : memref<520xf32, #tpu.memory_space<vmem>> -> memref<512xf32, #tpu.memory_space<vmem>>
      %dma_wait3A_108 = arith.constant 0 : i32
      %dma_wait3A_109 = tpu.memref_slice %arg2[%add3A_76, %dma_wait3A_108] : memref<128x512xf32, #tpu.memory_space<hbm>> -> memref<1x512xf32, #tpu.memory_space<hbm>>
      %dma_wait3A_110 = tpu.memref_squeeze %dma_wait3A_109 : memref<1x512xf32, #tpu.memory_space<hbm>> -> memref<512xf32, #tpu.memory_space<hbm>>
      %dma_wait3A_111 = arith.constant 0 : i32
      %dma_wait3A_112 = tpu.memref_slice %arg7[%dma_wait3A_111] : memref<520xf32, #tpu.memory_space<vmem>> -> memref<512xf32, #tpu.memory_space<vmem>>
      %dma_wait3A_113 = arith.constant 0 : i32
      %dma_wait3A_114 = tpu.memref_slice %arg2[%add3A_76, %dma_wait3A_113] : memref<128x512xf32, #tpu.memory_space<hbm>> -> memref<1x512xf32, #tpu.memory_space<hbm>>
      %dma_wait3A_115 = tpu.memref_squeeze %dma_wait3A_114 : memref<1x512xf32, #tpu.memory_space<hbm>> -> memref<512xf32, #tpu.memory_space<hbm>>
      tpu.wait_dma2 semaphore(%run_scoped3A : memref<!tpu.dma_semaphore, #tpu.memory_space<semaphore_mem>>) src(%dma_wait3A_115 : memref<512xf32, #tpu.memory_space<hbm>>) dst(%dma_wait3A_112 : memref<512xf32, #tpu.memory_space<vmem>>)
      tpu.yield
    }) : () -> ()
    "tpu.region"() ({
      %run_scoped3A = tpu.sem_alloc : memref<!tpu.dma_semaphore, #tpu.memory_space<semaphore_mem>>
      %dma_start3A = arith.constant 0 : i32
      %dma_start3A_98 = tpu.memref_slice %arg8[%dma_start3A] : memref<520xi32, #tpu.memory_space<vmem>> -> memref<512xi32, #tpu.memory_space<vmem>>
      %dma_start3A_99 = arith.constant 0 : i32
      %dma_start3A_100 = tpu.memref_slice %arg3[%add3A_76, %dma_start3A_99] : memref<128x512xi32, #tpu.memory_space<hbm>> -> memref<1x512xi32, #tpu.memory_space<hbm>>
      %dma_start3A_101 = tpu.memref_squeeze %dma_start3A_100 : memref<1x512xi32, #tpu.memory_space<hbm>> -> memref<512xi32, #tpu.memory_space<hbm>>
      %dma_start3A_102 = arith.constant 0 : i32
      %dma_start3A_103 = tpu.memref_slice %arg8[%dma_start3A_102] : memref<520xi32, #tpu.memory_space<vmem>> -> memref<512xi32, #tpu.memory_space<vmem>>
      %dma_start3A_104 = arith.constant 0 : i32
      %dma_start3A_105 = tpu.memref_slice %arg3[%add3A_76, %dma_start3A_104] : memref<128x512xi32, #tpu.memory_space<hbm>> -> memref<1x512xi32, #tpu.memory_space<hbm>>
      %dma_start3A_106 = tpu.memref_squeeze %dma_start3A_105 : memref<1x512xi32, #tpu.memory_space<hbm>> -> memref<512xi32, #tpu.memory_space<hbm>>
      tpu.enqueue_dma source(%dma_start3A_106 : memref<512xi32, #tpu.memory_space<hbm>>) target(%dma_start3A_103 : memref<512xi32, #tpu.memory_space<vmem>>) target_semaphore(%run_scoped3A : memref<!tpu.dma_semaphore, #tpu.memory_space<semaphore_mem>>)
      %dma_wait3A = arith.constant 0 : i32
      %dma_wait3A_107 = tpu.memref_slice %arg8[%dma_wait3A] : memref<520xi32, #tpu.memory_space<vmem>> -> memref<512xi32, #tpu.memory_space<vmem>>
      %dma_wait3A_108 = arith.constant 0 : i32
      %dma_wait3A_109 = tpu.memref_slice %arg3[%add3A_76, %dma_wait3A_108] : memref<128x512xi32, #tpu.memory_space<hbm>> -> memref<1x512xi32, #tpu.memory_space<hbm>>
      %dma_wait3A_110 = tpu.memref_squeeze %dma_wait3A_109 : memref<1x512xi32, #tpu.memory_space<hbm>> -> memref<512xi32, #tpu.memory_space<hbm>>
      %dma_wait3A_111 = arith.constant 0 : i32
      %dma_wait3A_112 = tpu.memref_slice %arg8[%dma_wait3A_111] : memref<520xi32, #tpu.memory_space<vmem>> -> memref<512xi32, #tpu.memory_space<vmem>>
      %dma_wait3A_113 = arith.constant 0 : i32
      %dma_wait3A_114 = tpu.memref_slice %arg3[%add3A_76, %dma_wait3A_113] : memref<128x512xi32, #tpu.memory_space<hbm>> -> memref<1x512xi32, #tpu.memory_space<hbm>>
      %dma_wait3A_115 = tpu.memref_squeeze %dma_wait3A_114 : memref<1x512xi32, #tpu.memory_space<hbm>> -> memref<512xi32, #tpu.memory_space<hbm>>
      tpu.wait_dma2 semaphore(%run_scoped3A : memref<!tpu.dma_semaphore, #tpu.memory_space<semaphore_mem>>) src(%dma_wait3A_115 : memref<512xi32, #tpu.memory_space<hbm>>) dst(%dma_wait3A_112 : memref<512xi32, #tpu.memory_space<vmem>>)
      tpu.yield
    }) : () -> ()
    %get3A_85 = arith.index_cast %add3A_76 : i32 to index
    %get3A_86 = tpu.vector_load %arg9[%get3A_85] {strides = array<i32>} : memref<144xi32, #tpu.memory_space<vmem>>, vector<16xi32>,
    %get3A_87 = vector.shape_cast %get3A_86 : vector<16xi32> to vector<16xi32>
    %slice3A_88 = vector.extract_strided_slice %get3A_87 {offsets = [0], sizes = [1], strides = [1]} : vector<16xi32> to vector<1xi32>
    %squeeze3A_89 = vector.extract %slice3A_88[0] : i32 from vector<1xi32>
    %sub3A_90 = arith.constant 8 : i32
    %sub3A_91 = arith.subi %squeeze3A_89, %sub3A_90 : i32
    %scan3A_92 = arith.constant 0 : i32
    %scan3A_93 = arith.constant 0 : i32
    %scan3A_94 = arith.constant 32 : i32
    %scan3A_95 = arith.addi %scan3A_93, %scan3A_94 : i32
    %scan3A_96 = arith.constant 1 : i32
    scf.for %scan3A_98 = %scan3A_93 to %scan3A_95 step %scan3A_96  : i32 {
      %mul3A_99 = arith.constant 16 : i32
      %mul3A_100 = arith.muli %scan3A_98, %mul3A_99 : i32
      %add3A_101 = vector.broadcast %mul3A_100 : i32 to vector<16xi32>
      %add3A_102 = arith.addi %add3A_101, %iota3A : vector<16xi32>
      %lt3A = vector.broadcast %sub3A_91 : i32 to vector<16xi32>
      %lt3A_103 = arith.cmpi slt, %add3A_102, %lt3A : vector<16xi32>
      %add3A_104 = arith.constant 0 : i32
      %add3A_105 = arith.addi %mul3A_100, %add3A_104 : i32
      %get3A_106 = arith.index_cast %add3A_105 : i32 to index
      %get3A_107 = tpu.vector_load %arg7[%get3A_106] {strides = array<i32>} : memref<520xf32, #tpu.memory_space<vmem>>, vector<16xf32>,
      %get3A_108 = vector.shape_cast %get3A_107 : vector<16xf32> to vector<16xf32>
      %add3A_109 = arith.constant 0 : i32
      %add3A_110 = arith.addi %mul3A_100, %add3A_109 : i32
      %add3A_111 = arith.constant 1 : i32
      %add3A_112 = arith.addi %add3A_110, %add3A_111 : i32
      %get3A_113 = arith.index_cast %add3A_112 : i32 to index
      %get3A_114 = tpu.vector_load %arg7[%get3A_113] {strides = array<i32>} : memref<520xf32, #tpu.memory_space<vmem>>, vector<16xf32>,
      %get3A_115 = vector.shape_cast %get3A_114 : vector<16xf32> to vector<16xf32>
      %add3A_116 = arith.constant 0 : i32
      %add3A_117 = arith.addi %mul3A_100, %add3A_116 : i32
      %add3A_118 = arith.constant 1 : i32
      %add3A_119 = arith.addi %add3A_117, %add3A_118 : i32
      %get3A_120 = arith.index_cast %add3A_119 : i32 to index
      %get3A_121 = tpu.vector_load %arg8[%get3A_120] {strides = array<i32>} : memref<520xi32, #tpu.memory_space<vmem>>, vector<16xi32>,
      %get3A_122 = vector.shape_cast %get3A_121 : vector<16xi32> to vector<16xi32>
      %sub3A_123 = arith.subf %get3A_115, %get3A_108 : vector<16xf32>
      %jit3A = arith.constant 0.000000e+00 : f32
      %broadcast_in_dim3A_124 = vector.broadcast %jit3A : f32 to vector<16xf32>
      %select_n3A = arith.select %lt3A_103, %sub3A_123, %broadcast_in_dim3A_124 : vector<16xi1>, vector<16xf32>
      %swap3A_125 = arith.constant 0 : i32
      %swap3A_126 = arith.index_cast %swap3A_125 : i32 to index
      %swap3A_127 = arith.index_cast %mul3A_100 : i32 to index
      %swap3A_128 = tpu.vector_load %arg10[%swap3A_126, %swap3A_127] {strides = array<i32>} : memref<8x512xf32, #tpu.memory_space<vmem>>, vector<1x16xf32>,
      %swap3A_129 = vector.shape_cast %swap3A_128 : vector<1x16xf32> to vector<16xf32>
      %swap3A_130 = vector.shape_cast %select_n3A : vector<16xf32> to vector<1x16xf32>
      tpu.vector_store %arg10[%swap3A_126, %swap3A_127], %swap3A_130 {strides = array<i32>} : memref<8x512xf32, #tpu.memory_space<vmem>>, vector<1x16xf32>,
      %add3A_131 = arith.constant 1 : i32
      %add3A_132 = vector.broadcast %add3A_131 : i32 to vector<16xi32>
      %add3A_133 = arith.addi %get3A_122, %add3A_132 : vector<16xi32>
      %convert_element_type3A = arith.sitofp %add3A_133 : vector<16xi32> to vector<16xf32>
      %jit3A_134 = arith.constant -1.000000e+03 : f32
      %broadcast_in_dim3A_135 = vector.broadcast %jit3A_134 : f32 to vector<16xf32>
      %select_n3A_136 = arith.select %lt3A_103, %convert_element_type3A, %broadcast_in_dim3A_135 : vector<16xi1>, vector<16xf32>
      %swap3A_137 = arith.constant 0 : i32
      %swap3A_138 = arith.index_cast %swap3A_137 : i32 to index
      %swap3A_139 = arith.index_cast %mul3A_100 : i32 to index
      %swap3A_140 = tpu.vector_load %arg11[%swap3A_138, %swap3A_139] {strides = array<i32>} : memref<8x512xf32, #tpu.memory_space<vmem>>, vector<1x16xf32>,
      %swap3A_141 = vector.shape_cast %swap3A_140 : vector<1x16xf32> to vector<16xf32>
      %swap3A_142 = vector.shape_cast %select_n3A_136 : vector<16xf32> to vector<1x16xf32>
      tpu.vector_store %arg11[%swap3A_138, %swap3A_139], %swap3A_142 {strides = array<i32>} : memref<8x512xf32, #tpu.memory_space<vmem>>, vector<1x16xf32>,
      %add3A_143 = arith.constant 1 : i32
      %add3A_144 = arith.addi %mul3A_100, %add3A_143 : i32
      %get3A_145 = arith.index_cast %add3A_144 : i32 to index
      %get3A_146 = tpu.vector_load %arg7[%get3A_145] {strides = array<i32>} : memref<520xf32, #tpu.memory_space<vmem>>, vector<16xf32>,
      %get3A_147 = vector.shape_cast %get3A_146 : vector<16xf32> to vector<16xf32>
      %add3A_148 = arith.constant 1 : i32
      %add3A_149 = arith.addi %mul3A_100, %add3A_148 : i32
      %add3A_150 = arith.constant 1 : i32
      %add3A_151 = arith.addi %add3A_149, %add3A_150 : i32
      %get3A_152 = arith.index_cast %add3A_151 : i32 to index
      %get3A_153 = tpu.vector_load %arg7[%get3A_152] {strides = array<i32>} : memref<520xf32, #tpu.memory_space<vmem>>, vector<16xf32>,
      %get3A_154 = vector.shape_cast %get3A_153 : vector<16xf32> to vector<16xf32>
      %add3A_155 = arith.constant 1 : i32
      %add3A_156 = arith.addi %mul3A_100, %add3A_155 : i32
      %add3A_157 = arith.constant 1 : i32
      %add3A_158 = arith.addi %add3A_156, %add3A_157 : i32
      %get3A_159 = arith.index_cast %add3A_158 : i32 to index
      %get3A_160 = tpu.vector_load %arg8[%get3A_159] {strides = array<i32>} : memref<520xi32, #tpu.memory_space<vmem>>, vector<16xi32>,
      %get3A_161 = vector.shape_cast %get3A_160 : vector<16xi32> to vector<16xi32>
      %sub3A_162 = arith.subf %get3A_154, %get3A_147 : vector<16xf32>
      %jit3A_163 = arith.constant 0.000000e+00 : f32
      %broadcast_in_dim3A_164 = vector.broadcast %jit3A_163 : f32 to vector<16xf32>
      %select_n3A_165 = arith.select %lt3A_103, %sub3A_162, %broadcast_in_dim3A_164 : vector<16xi1>, vector<16xf32>
      %swap3A_166 = arith.constant 1 : i32
      %swap3A_167 = arith.index_cast %swap3A_166 : i32 to index
      %swap3A_168 = arith.index_cast %mul3A_100 : i32 to index
      %swap3A_169 = tpu.vector_load %arg10[%swap3A_167, %swap3A_168] {strides = array<i32>} : memref<8x512xf32, #tpu.memory_space<vmem>>, vector<1x16xf32>,
      %swap3A_170 = vector.shape_cast %swap3A_169 : vector<1x16xf32> to vector<16xf32>
      %swap3A_171 = vector.shape_cast %select_n3A_165 : vector<16xf32> to vector<1x16xf32>
      tpu.vector_store %arg10[%swap3A_167, %swap3A_168], %swap3A_171 {strides = array<i32>} : memref<8x512xf32, #tpu.memory_space<vmem>>, vector<1x16xf32>,
      %add3A_172 = arith.constant 66 : i32
      %add3A_173 = vector.broadcast %add3A_172 : i32 to vector<16xi32>
      %add3A_174 = arith.addi %get3A_161, %add3A_173 : vector<16xi32>
      %convert_element_type3A_175 = arith.sitofp %add3A_174 : vector<16xi32> to vector<16xf32>
      %jit3A_176 = arith.constant -1.000000e+03 : f32
      %broadcast_in_dim3A_177 = vector.broadcast %jit3A_176 : f32 to vector<16xf32>
      %select_n3A_178 = arith.select %lt3A_103, %convert_element_type3A_175, %broadcast_in_dim3A_177 : vector<16xi1>, vector<16xf32>
      %swap3A_179 = arith.constant 1 : i32
      %swap3A_180 = arith.index_cast %swap3A_179 : i32 to index
      %swap3A_181 = arith.index_cast %mul3A_100 : i32 to index
      %swap3A_182 = tpu.vector_load %arg11[%swap3A_180, %swap3A_181] {strides = array<i32>} : memref<8x512xf32, #tpu.memory_space<vmem>>, vector<1x16xf32>,
      %swap3A_183 = vector.shape_cast %swap3A_182 : vector<1x16xf32> to vector<16xf32>
      %swap3A_184 = vector.shape_cast %select_n3A_178 : vector<16xf32> to vector<1x16xf32>
      tpu.vector_store %arg11[%swap3A_180, %swap3A_181], %swap3A_184 {strides = array<i32>} : memref<8x512xf32, #tpu.memory_space<vmem>>, vector<1x16xf32>,
      %add3A_185 = arith.constant 2 : i32
      %add3A_186 = arith.addi %mul3A_100, %add3A_185 : i32
      %get3A_187 = arith.index_cast %add3A_186 : i32 to index
      %get3A_188 = tpu.vector_load %arg7[%get3A_187] {strides = array<i32>} : memref<520xf32, #tpu.memory_space<vmem>>, vector<16xf32>,
      %get3A_189 = vector.shape_cast %get3A_188 : vector<16xf32> to vector<16xf32>
      %add3A_190 = arith.constant 2 : i32
      %add3A_191 = arith.addi %mul3A_100, %add3A_190 : i32
      %add3A_192 = arith.constant 1 : i32
      %add3A_193 = arith.addi %add3A_191, %add3A_192 : i32
      %get3A_194 = arith.index_cast %add3A_193 : i32 to index
      %get3A_195 = tpu.vector_load %arg7[%get3A_194] {strides = array<i32>} : memref<520xf32, #tpu.memory_space<vmem>>, vector<16xf32>,
      %get3A_196 = vector.shape_cast %get3A_195 : vector<16xf32> to vector<16xf32>
      %add3A_197 = arith.constant 2 : i32
      %add3A_198 = arith.addi %mul3A_100, %add3A_197 : i32
      %add3A_199 = arith.constant 1 : i32
      %add3A_200 = arith.addi %add3A_198, %add3A_199 : i32
      %get3A_201 = arith.index_cast %add3A_200 : i32 to index
      %get3A_202 = tpu.vector_load %arg8[%get3A_201] {strides = array<i32>} : memref<520xi32, #tpu.memory_space<vmem>>, vector<16xi32>,
      %get3A_203 = vector.shape_cast %get3A_202 : vector<16xi32> to vector<16xi32>
      %sub3A_204 = arith.subf %get3A_196, %get3A_189 : vector<16xf32>
      %jit3A_205 = arith.constant 0.000000e+00 : f32
      %broadcast_in_dim3A_206 = vector.broadcast %jit3A_205 : f32 to vector<16xf32>
      %select_n3A_207 = arith.select %lt3A_103, %sub3A_204, %broadcast_in_dim3A_206 : vector<16xi1>, vector<16xf32>
      %swap3A_208 = arith.constant 2 : i32
      %swap3A_209 = arith.index_cast %swap3A_208 : i32 to index
      %swap3A_210 = arith.index_cast %mul3A_100 : i32 to index
      %swap3A_211 = tpu.vector_load %arg10[%swap3A_209, %swap3A_210] {strides = array<i32>} : memref<8x512xf32, #tpu.memory_space<vmem>>, vector<1x16xf32>,
      %swap3A_212 = vector.shape_cast %swap3A_211 : vector<1x16xf32> to vector<16xf32>
      %swap3A_213 = vector.shape_cast %select_n3A_207 : vector<16xf32> to vector<1x16xf32>
      tpu.vector_store %arg10[%swap3A_209, %swap3A_210], %swap3A_213 {strides = array<i32>} : memref<8x512xf32, #tpu.memory_space<vmem>>, vector<1x16xf32>,
      %add3A_214 = arith.constant 131 : i32
      %add3A_215 = vector.broadcast %add3A_214 : i32 to vector<16xi32>
      %add3A_216 = arith.addi %get3A_203, %add3A_215 : vector<16xi32>
      %convert_element_type3A_217 = arith.sitofp %add3A_216 : vector<16xi32> to vector<16xf32>
      %jit3A_218 = arith.constant -1.000000e+03 : f32
      %broadcast_in_dim3A_219 = vector.broadcast %jit3A_218 : f32 to vector<16xf32>
      %select_n3A_220 = arith.select %lt3A_103, %convert_element_type3A_217, %broadcast_in_dim3A_219 : vector<16xi1>, vector<16xf32>
      %swap3A_221 = arith.constant 2 : i32
      %swap3A_222 = arith.index_cast %swap3A_221 : i32 to index
      %swap3A_223 = arith.index_cast %mul3A_100 : i32 to index
      %swap3A_224 = tpu.vector_load %arg11[%swap3A_222, %swap3A_223] {strides = array<i32>} : memref<8x512xf32, #tpu.memory_space<vmem>>, vector<1x16xf32>,
      %swap3A_225 = vector.shape_cast %swap3A_224 : vector<1x16xf32> to vector<16xf32>
      %swap3A_226 = vector.shape_cast %select_n3A_220 : vector<16xf32> to vector<1x16xf32>
      tpu.vector_store %arg11[%swap3A_222, %swap3A_223], %swap3A_226 {strides = array<i32>} : memref<8x512xf32, #tpu.memory_space<vmem>>, vector<1x16xf32>,
      %add3A_227 = arith.constant 3 : i32
      %add3A_228 = arith.addi %mul3A_100, %add3A_227 : i32
      %get3A_229 = arith.index_cast %add3A_228 : i32 to index
      %get3A_230 = tpu.vector_load %arg7[%get3A_229] {strides = array<i32>} : memref<520xf32, #tpu.memory_space<vmem>>, vector<16xf32>,
      %get3A_231 = vector.shape_cast %get3A_230 : vector<16xf32> to vector<16xf32>
      %add3A_232 = arith.constant 3 : i32
      %add3A_233 = arith.addi %mul3A_100, %add3A_232 : i32
      %add3A_234 = arith.constant 1 : i32
      %add3A_235 = arith.addi %add3A_233, %add3A_234 : i32
      %get3A_236 = arith.index_cast %add3A_235 : i32 to index
      %get3A_237 = tpu.vector_load %arg7[%get3A_236] {strides = array<i32>} : memref<520xf32, #tpu.memory_space<vmem>>, vector<16xf32>,
      %get3A_238 = vector.shape_cast %get3A_237 : vector<16xf32> to vector<16xf32>
      %add3A_239 = arith.constant 3 : i32
      %add3A_240 = arith.addi %mul3A_100, %add3A_239 : i32
      %add3A_241 = arith.constant 1 : i32
      %add3A_242 = arith.addi %add3A_240, %add3A_241 : i32
      %get3A_243 = arith.index_cast %add3A_242 : i32 to index
      %get3A_244 = tpu.vector_load %arg8[%get3A_243] {strides = array<i32>} : memref<520xi32, #tpu.memory_space<vmem>>, vector<16xi32>,
      %get3A_245 = vector.shape_cast %get3A_244 : vector<16xi32> to vector<16xi32>
      %sub3A_246 = arith.subf %get3A_238, %get3A_231 : vector<16xf32>
      %jit3A_247 = arith.constant 0.000000e+00 : f32
      %broadcast_in_dim3A_248 = vector.broadcast %jit3A_247 : f32 to vector<16xf32>
      %select_n3A_249 = arith.select %lt3A_103, %sub3A_246, %broadcast_in_dim3A_248 : vector<16xi1>, vector<16xf32>
      %swap3A_250 = arith.constant 3 : i32
      %swap3A_251 = arith.index_cast %swap3A_250 : i32 to index
      %swap3A_252 = arith.index_cast %mul3A_100 : i32 to index
      %swap3A_253 = tpu.vector_load %arg10[%swap3A_251, %swap3A_252] {strides = array<i32>} : memref<8x512xf32, #tpu.memory_space<vmem>>, vector<1x16xf32>,
      %swap3A_254 = vector.shape_cast %swap3A_253 : vector<1x16xf32> to vector<16xf32>
      %swap3A_255 = vector.shape_cast %select_n3A_249 : vector<16xf32> to vector<1x16xf32>
      tpu.vector_store %arg10[%swap3A_251, %swap3A_252], %swap3A_255 {strides = array<i32>} : memref<8x512xf32, #tpu.memory_space<vmem>>, vector<1x16xf32>,
      %add3A_256 = arith.constant 196 : i32
      %add3A_257 = vector.broadcast %add3A_256 : i32 to vector<16xi32>
      %add3A_258 = arith.addi %get3A_245, %add3A_257 : vector<16xi32>
      %convert_element_type3A_259 = arith.sitofp %add3A_258 : vector<16xi32> to vector<16xf32>
      %jit3A_260 = arith.constant -1.000000e+03 : f32
      %broadcast_in_dim3A_261 = vector.broadcast %jit3A_260 : f32 to vector<16xf32>
      %select_n3A_262 = arith.select %lt3A_103, %convert_element_type3A_259, %broadcast_in_dim3A_261 : vector<16xi1>, vector<16xf32>
      %swap3A_263 = arith.constant 3 : i32
      %swap3A_264 = arith.index_cast %swap3A_263 : i32 to index
      %swap3A_265 = arith.index_cast %mul3A_100 : i32 to index
      %swap3A_266 = tpu.vector_load %arg11[%swap3A_264, %swap3A_265] {strides = array<i32>} : memref<8x512xf32, #tpu.memory_space<vmem>>, vector<1x16xf32>,
      %swap3A_267 = vector.shape_cast %swap3A_266 : vector<1x16xf32> to vector<16xf32>
      %swap3A_268 = vector.shape_cast %select_n3A_262 : vector<16xf32> to vector<1x16xf32>
      tpu.vector_store %arg11[%swap3A_264, %swap3A_265], %swap3A_268 {strides = array<i32>} : memref<8x512xf32, #tpu.memory_space<vmem>>, vector<1x16xf32>,
      %add3A_269 = arith.constant 4 : i32
      %add3A_270 = arith.addi %mul3A_100, %add3A_269 : i32
      %get3A_271 = arith.index_cast %add3A_270 : i32 to index
      %get3A_272 = tpu.vector_load %arg7[%get3A_271] {strides = array<i32>} : memref<520xf32, #tpu.memory_space<vmem>>, vector<16xf32>,
      %get3A_273 = vector.shape_cast %get3A_272 : vector<16xf32> to vector<16xf32>
      %add3A_274 = arith.constant 4 : i32
      %add3A_275 = arith.addi %mul3A_100, %add3A_274 : i32
      %add3A_276 = arith.constant 1 : i32
      %add3A_277 = arith.addi %add3A_275, %add3A_276 : i32
      %get3A_278 = arith.index_cast %add3A_277 : i32 to index
      %get3A_279 = tpu.vector_load %arg7[%get3A_278] {strides = array<i32>} : memref<520xf32, #tpu.memory_space<vmem>>, vector<16xf32>,
      %get3A_280 = vector.shape_cast %get3A_279 : vector<16xf32> to vector<16xf32>
      %add3A_281 = arith.constant 4 : i32
      %add3A_282 = arith.addi %mul3A_100, %add3A_281 : i32
      %add3A_283 = arith.constant 1 : i32
      %add3A_284 = arith.addi %add3A_282, %add3A_283 : i32
      %get3A_285 = arith.index_cast %add3A_284 : i32 to index
      %get3A_286 = tpu.vector_load %arg8[%get3A_285] {strides = array<i32>} : memref<520xi32, #tpu.memory_space<vmem>>, vector<16xi32>,
      %get3A_287 = vector.shape_cast %get3A_286 : vector<16xi32> to vector<16xi32>
      %sub3A_288 = arith.subf %get3A_280, %get3A_273 : vector<16xf32>
      %jit3A_289 = arith.constant 0.000000e+00 : f32
      %broadcast_in_dim3A_290 = vector.broadcast %jit3A_289 : f32 to vector<16xf32>
      %select_n3A_291 = arith.select %lt3A_103, %sub3A_288, %broadcast_in_dim3A_290 : vector<16xi1>, vector<16xf32>
      %swap3A_292 = arith.constant 4 : i32
      %swap3A_293 = arith.index_cast %swap3A_292 : i32 to index
      %swap3A_294 = arith.index_cast %mul3A_100 : i32 to index
      %swap3A_295 = tpu.vector_load %arg10[%swap3A_293, %swap3A_294] {strides = array<i32>} : memref<8x512xf32, #tpu.memory_space<vmem>>, vector<1x16xf32>,
      %swap3A_296 = vector.shape_cast %swap3A_295 : vector<1x16xf32> to vector<16xf32>
      %swap3A_297 = vector.shape_cast %select_n3A_291 : vector<16xf32> to vector<1x16xf32>
      tpu.vector_store %arg10[%swap3A_293, %swap3A_294], %swap3A_297 {strides = array<i32>} : memref<8x512xf32, #tpu.memory_space<vmem>>, vector<1x16xf32>,
      %add3A_298 = arith.constant 261 : i32
      %add3A_299 = vector.broadcast %add3A_298 : i32 to vector<16xi32>
      %add3A_300 = arith.addi %get3A_287, %add3A_299 : vector<16xi32>
      %convert_element_type3A_301 = arith.sitofp %add3A_300 : vector<16xi32> to vector<16xf32>
      %jit3A_302 = arith.constant -1.000000e+03 : f32
      %broadcast_in_dim3A_303 = vector.broadcast %jit3A_302 : f32 to vector<16xf32>
      %select_n3A_304 = arith.select %lt3A_103, %convert_element_type3A_301, %broadcast_in_dim3A_303 : vector<16xi1>, vector<16xf32>
      %swap3A_305 = arith.constant 4 : i32
      %swap3A_306 = arith.index_cast %swap3A_305 : i32 to index
      %swap3A_307 = arith.index_cast %mul3A_100 : i32 to index
      %swap3A_308 = tpu.vector_load %arg11[%swap3A_306, %swap3A_307] {strides = array<i32>} : memref<8x512xf32, #tpu.memory_space<vmem>>, vector<1x16xf32>,
      %swap3A_309 = vector.shape_cast %swap3A_308 : vector<1x16xf32> to vector<16xf32>
      %swap3A_310 = vector.shape_cast %select_n3A_304 : vector<16xf32> to vector<1x16xf32>
      tpu.vector_store %arg11[%swap3A_306, %swap3A_307], %swap3A_310 {strides = array<i32>} : memref<8x512xf32, #tpu.memory_space<vmem>>, vector<1x16xf32>,
      %add3A_311 = arith.constant 5 : i32
      %add3A_312 = arith.addi %mul3A_100, %add3A_311 : i32
      %get3A_313 = arith.index_cast %add3A_312 : i32 to index
      %get3A_314 = tpu.vector_load %arg7[%get3A_313] {strides = array<i32>} : memref<520xf32, #tpu.memory_space<vmem>>, vector<16xf32>,
      %get3A_315 = vector.shape_cast %get3A_314 : vector<16xf32> to vector<16xf32>
      %add3A_316 = arith.constant 5 : i32
      %add3A_317 = arith.addi %mul3A_100, %add3A_316 : i32
      %add3A_318 = arith.constant 1 : i32
      %add3A_319 = arith.addi %add3A_317, %add3A_318 : i32
      %get3A_320 = arith.index_cast %add3A_319 : i32 to index
      %get3A_321 = tpu.vector_load %arg7[%get3A_320] {strides = array<i32>} : memref<520xf32, #tpu.memory_space<vmem>>, vector<16xf32>,
      %get3A_322 = vector.shape_cast %get3A_321 : vector<16xf32> to vector<16xf32>
      %add3A_323 = arith.constant 5 : i32
      %add3A_324 = arith.addi %mul3A_100, %add3A_323 : i32
      %add3A_325 = arith.constant 1 : i32
      %add3A_326 = arith.addi %add3A_324, %add3A_325 : i32
      %get3A_327 = arith.index_cast %add3A_326 : i32 to index
      %get3A_328 = tpu.vector_load %arg8[%get3A_327] {strides = array<i32>} : memref<520xi32, #tpu.memory_space<vmem>>, vector<16xi32>,
      %get3A_329 = vector.shape_cast %get3A_328 : vector<16xi32> to vector<16xi32>
      %sub3A_330 = arith.subf %get3A_322, %get3A_315 : vector<16xf32>
      %jit3A_331 = arith.constant 0.000000e+00 : f32
      %broadcast_in_dim3A_332 = vector.broadcast %jit3A_331 : f32 to vector<16xf32>
      %select_n3A_333 = arith.select %lt3A_103, %sub3A_330, %broadcast_in_dim3A_332 : vector<16xi1>, vector<16xf32>
      %swap3A_334 = arith.constant 5 : i32
      %swap3A_335 = arith.index_cast %swap3A_334 : i32 to index
      %swap3A_336 = arith.index_cast %mul3A_100 : i32 to index
      %swap3A_337 = tpu.vector_load %arg10[%swap3A_335, %swap3A_336] {strides = array<i32>} : memref<8x512xf32, #tpu.memory_space<vmem>>, vector<1x16xf32>,
      %swap3A_338 = vector.shape_cast %swap3A_337 : vector<1x16xf32> to vector<16xf32>
      %swap3A_339 = vector.shape_cast %select_n3A_333 : vector<16xf32> to vector<1x16xf32>
      tpu.vector_store %arg10[%swap3A_335, %swap3A_336], %swap3A_339 {strides = array<i32>} : memref<8x512xf32, #tpu.memory_space<vmem>>, vector<1x16xf32>,
      %add3A_340 = arith.constant 326 : i32
      %add3A_341 = vector.broadcast %add3A_340 : i32 to vector<16xi32>
      %add3A_342 = arith.addi %get3A_329, %add3A_341 : vector<16xi32>
      %convert_element_type3A_343 = arith.sitofp %add3A_342 : vector<16xi32> to vector<16xf32>
      %jit3A_344 = arith.constant -1.000000e+03 : f32
      %broadcast_in_dim3A_345 = vector.broadcast %jit3A_344 : f32 to vector<16xf32>
      %select_n3A_346 = arith.select %lt3A_103, %convert_element_type3A_343, %broadcast_in_dim3A_345 : vector<16xi1>, vector<16xf32>
      %swap3A_347 = arith.constant 5 : i32
      %swap3A_348 = arith.index_cast %swap3A_347 : i32 to index
      %swap3A_349 = arith.index_cast %mul3A_100 : i32 to index
      %swap3A_350 = tpu.vector_load %arg11[%swap3A_348, %swap3A_349] {strides = array<i32>} : memref<8x512xf32, #tpu.memory_space<vmem>>, vector<1x16xf32>,
      %swap3A_351 = vector.shape_cast %swap3A_350 : vector<1x16xf32> to vector<16xf32>
      %swap3A_352 = vector.shape_cast %select_n3A_346 : vector<16xf32> to vector<1x16xf32>
      tpu.vector_store %arg11[%swap3A_348, %swap3A_349], %swap3A_352 {strides = array<i32>} : memref<8x512xf32, #tpu.memory_space<vmem>>, vector<1x16xf32>,
      %add3A_353 = arith.constant 6 : i32
      %add3A_354 = arith.addi %mul3A_100, %add3A_353 : i32
      %get3A_355 = arith.index_cast %add3A_354 : i32 to index
      %get3A_356 = tpu.vector_load %arg7[%get3A_355] {strides = array<i32>} : memref<520xf32, #tpu.memory_space<vmem>>, vector<16xf32>,
      %get3A_357 = vector.shape_cast %get3A_356 : vector<16xf32> to vector<16xf32>
      %add3A_358 = arith.constant 6 : i32
      %add3A_359 = arith.addi %mul3A_100, %add3A_358 : i32
      %add3A_360 = arith.constant 1 : i32
      %add3A_361 = arith.addi %add3A_359, %add3A_360 : i32
      %get3A_362 = arith.index_cast %add3A_361 : i32 to index
      %get3A_363 = tpu.vector_load %arg7[%get3A_362] {strides = array<i32>} : memref<520xf32, #tpu.memory_space<vmem>>, vector<16xf32>,
      %get3A_364 = vector.shape_cast %get3A_363 : vector<16xf32> to vector<16xf32>
      %add3A_365 = arith.constant 6 : i32
      %add3A_366 = arith.addi %mul3A_100, %add3A_365 : i32
      %add3A_367 = arith.constant 1 : i32
      %add3A_368 = arith.addi %add3A_366, %add3A_367 : i32
      %get3A_369 = arith.index_cast %add3A_368 : i32 to index
      %get3A_370 = tpu.vector_load %arg8[%get3A_369] {strides = array<i32>} : memref<520xi32, #tpu.memory_space<vmem>>, vector<16xi32>,
      %get3A_371 = vector.shape_cast %get3A_370 : vector<16xi32> to vector<16xi32>
      %sub3A_372 = arith.subf %get3A_364, %get3A_357 : vector<16xf32>
      %jit3A_373 = arith.constant 0.000000e+00 : f32
      %broadcast_in_dim3A_374 = vector.broadcast %jit3A_373 : f32 to vector<16xf32>
      %select_n3A_375 = arith.select %lt3A_103, %sub3A_372, %broadcast_in_dim3A_374 : vector<16xi1>, vector<16xf32>
      %swap3A_376 = arith.constant 6 : i32
      %swap3A_377 = arith.index_cast %swap3A_376 : i32 to index
      %swap3A_378 = arith.index_cast %mul3A_100 : i32 to index
      %swap3A_379 = tpu.vector_load %arg10[%swap3A_377, %swap3A_378] {strides = array<i32>} : memref<8x512xf32, #tpu.memory_space<vmem>>, vector<1x16xf32>,
      %swap3A_380 = vector.shape_cast %swap3A_379 : vector<1x16xf32> to vector<16xf32>
      %swap3A_381 = vector.shape_cast %select_n3A_375 : vector<16xf32> to vector<1x16xf32>
      tpu.vector_store %arg10[%swap3A_377, %swap3A_378], %swap3A_381 {strides = array<i32>} : memref<8x512xf32, #tpu.memory_space<vmem>>, vector<1x16xf32>,
      %add3A_382 = arith.constant 391 : i32
      %add3A_383 = vector.broadcast %add3A_382 : i32 to vector<16xi32>
      %add3A_384 = arith.addi %get3A_371, %add3A_383 : vector<16xi32>
      %convert_element_type3A_385 = arith.sitofp %add3A_384 : vector<16xi32> to vector<16xf32>
      %jit3A_386 = arith.constant -1.000000e+03 : f32
      %broadcast_in_dim3A_387 = vector.broadcast %jit3A_386 : f32 to vector<16xf32>
      %select_n3A_388 = arith.select %lt3A_103, %convert_element_type3A_385, %broadcast_in_dim3A_387 : vector<16xi1>, vector<16xf32>
      %swap3A_389 = arith.constant 6 : i32
      %swap3A_390 = arith.index_cast %swap3A_389 : i32 to index
      %swap3A_391 = arith.index_cast %mul3A_100 : i32 to index
      %swap3A_392 = tpu.vector_load %arg11[%swap3A_390, %swap3A_391] {strides = array<i32>} : memref<8x512xf32, #tpu.memory_space<vmem>>, vector<1x16xf32>,
      %swap3A_393 = vector.shape_cast %swap3A_392 : vector<1x16xf32> to vector<16xf32>
      %swap3A_394 = vector.shape_cast %select_n3A_388 : vector<16xf32> to vector<1x16xf32>
      tpu.vector_store %arg11[%swap3A_390, %swap3A_391], %swap3A_394 {strides = array<i32>} : memref<8x512xf32, #tpu.memory_space<vmem>>, vector<1x16xf32>,
      %add3A_395 = arith.constant 7 : i32
      %add3A_396 = arith.addi %mul3A_100, %add3A_395 : i32
      %get3A_397 = arith.index_cast %add3A_396 : i32 to index
      %get3A_398 = tpu.vector_load %arg7[%get3A_397] {strides = array<i32>} : memref<520xf32, #tpu.memory_space<vmem>>, vector<16xf32>,
      %get3A_399 = vector.shape_cast %get3A_398 : vector<16xf32> to vector<16xf32>
      %add3A_400 = arith.constant 7 : i32
      %add3A_401 = arith.addi %mul3A_100, %add3A_400 : i32
      %add3A_402 = arith.constant 1 : i32
      %add3A_403 = arith.addi %add3A_401, %add3A_402 : i32
      %get3A_404 = arith.index_cast %add3A_403 : i32 to index
      %get3A_405 = tpu.vector_load %arg7[%get3A_404] {strides = array<i32>} : memref<520xf32, #tpu.memory_space<vmem>>, vector<16xf32>,
      %get3A_406 = vector.shape_cast %get3A_405 : vector<16xf32> to vector<16xf32>
      %add3A_407 = arith.constant 7 : i32
      %add3A_408 = arith.addi %mul3A_100, %add3A_407 : i32
      %add3A_409 = arith.constant 1 : i32
      %add3A_410 = arith.addi %add3A_408, %add3A_409 : i32
      %get3A_411 = arith.index_cast %add3A_410 : i32 to index
      %get3A_412 = tpu.vector_load %arg8[%get3A_411] {strides = array<i32>} : memref<520xi32, #tpu.memory_space<vmem>>, vector<16xi32>,
      %get3A_413 = vector.shape_cast %get3A_412 : vector<16xi32> to vector<16xi32>
      %sub3A_414 = arith.subf %get3A_406, %get3A_399 : vector<16xf32>
      %jit3A_415 = arith.constant 0.000000e+00 : f32
      %broadcast_in_dim3A_416 = vector.broadcast %jit3A_415 : f32 to vector<16xf32>
      %select_n3A_417 = arith.select %lt3A_103, %sub3A_414, %broadcast_in_dim3A_416 : vector<16xi1>, vector<16xf32>
      %swap3A_418 = arith.constant 7 : i32
      %swap3A_419 = arith.index_cast %swap3A_418 : i32 to index
      %swap3A_420 = arith.index_cast %mul3A_100 : i32 to index
      %swap3A_421 = tpu.vector_load %arg10[%swap3A_419, %swap3A_420] {strides = array<i32>} : memref<8x512xf32, #tpu.memory_space<vmem>>, vector<1x16xf32>,
      %swap3A_422 = vector.shape_cast %swap3A_421 : vector<1x16xf32> to vector<16xf32>
      %swap3A_423 = vector.shape_cast %select_n3A_417 : vector<16xf32> to vector<1x16xf32>
      tpu.vector_store %arg10[%swap3A_419, %swap3A_420], %swap3A_423 {strides = array<i32>} : memref<8x512xf32, #tpu.memory_space<vmem>>, vector<1x16xf32>,
      %add3A_424 = arith.constant 456 : i32
      %add3A_425 = vector.broadcast %add3A_424 : i32 to vector<16xi32>
      %add3A_426 = arith.addi %get3A_413, %add3A_425 : vector<16xi32>
      %convert_element_type3A_427 = arith.sitofp %add3A_426 : vector<16xi32> to vector<16xf32>
      %jit3A_428 = arith.constant -1.000000e+03 : f32
      %broadcast_in_dim3A_429 = vector.broadcast %jit3A_428 : f32 to vector<16xf32>
      %select_n3A_430 = arith.select %lt3A_103, %convert_element_type3A_427, %broadcast_in_dim3A_429 : vector<16xi1>, vector<16xf32>
      %swap3A_431 = arith.constant 7 : i32
      %swap3A_432 = arith.index_cast %swap3A_431 : i32 to index
      %swap3A_433 = arith.index_cast %mul3A_100 : i32 to index
      %swap3A_434 = tpu.vector_load %arg11[%swap3A_432, %swap3A_433] {strides = array<i32>} : memref<8x512xf32, #tpu.memory_space<vmem>>, vector<1x16xf32>,
      %swap3A_435 = vector.shape_cast %swap3A_434 : vector<1x16xf32> to vector<16xf32>
      %swap3A_436 = vector.shape_cast %select_n3A_430 : vector<16xf32> to vector<1x16xf32>
      tpu.vector_store %arg11[%swap3A_432, %swap3A_433], %swap3A_436 {strides = array<i32>} : memref<8x512xf32, #tpu.memory_space<vmem>>, vector<1x16xf32>,
    }
    %scan3A_97 = arith.constant 32 : i32
    "tpu.region"() ({
      %run_scoped3A = tpu.sem_alloc : memref<!tpu.dma_semaphore, #tpu.memory_space<semaphore_mem>>
      %dma_start3A = arith.constant 0 : i32
      %dma_start3A_98 = arith.constant 0 : i32
      %dma_start3A_99 = tpu.memref_slice %arg5[%add3A_76, %dma_start3A, %dma_start3A_98] : memref<128x8x512xf32, #tpu.memory_space<hbm>> -> memref<1x8x512xf32, #tpu.memory_space<hbm>>
      %dma_start3A_100 = tpu.memref_squeeze %dma_start3A_99 : memref<1x8x512xf32, #tpu.memory_space<hbm>> -> memref<8x512xf32, #tpu.memory_space<hbm>>
      %dma_start3A_101 = arith.constant 0 : i32
      %dma_start3A_102 = arith.constant 0 : i32
      %dma_start3A_103 = tpu.memref_slice %arg5[%add3A_76, %dma_start3A_101, %dma_start3A_102] : memref<128x8x512xf32, #tpu.memory_space<hbm>> -> memref<1x8x512xf32, #tpu.memory_space<hbm>>
      %dma_start3A_104 = tpu.memref_squeeze %dma_start3A_103 : memref<1x8x512xf32, #tpu.memory_space<hbm>> -> memref<8x512xf32, #tpu.memory_space<hbm>>
      tpu.enqueue_dma source(%arg10 : memref<8x512xf32, #tpu.memory_space<vmem>>) target(%dma_start3A_104 : memref<8x512xf32, #tpu.memory_space<hbm>>) target_semaphore(%run_scoped3A : memref<!tpu.dma_semaphore, #tpu.memory_space<semaphore_mem>>)
      %dma_wait3A = arith.constant 0 : i32
      %dma_wait3A_105 = arith.constant 0 : i32
      %dma_wait3A_106 = tpu.memref_slice %arg5[%add3A_76, %dma_wait3A, %dma_wait3A_105] : memref<128x8x512xf32, #tpu.memory_space<hbm>> -> memref<1x8x512xf32, #tpu.memory_space<hbm>>
      %dma_wait3A_107 = tpu.memref_squeeze %dma_wait3A_106 : memref<1x8x512xf32, #tpu.memory_space<hbm>> -> memref<8x512xf32, #tpu.memory_space<hbm>>
      %dma_wait3A_108 = arith.constant 0 : i32
      %dma_wait3A_109 = arith.constant 0 : i32
      %dma_wait3A_110 = tpu.memref_slice %arg5[%add3A_76, %dma_wait3A_108, %dma_wait3A_109] : memref<128x8x512xf32, #tpu.memory_space<hbm>> -> memref<1x8x512xf32, #tpu.memory_space<hbm>>
      %dma_wait3A_111 = tpu.memref_squeeze %dma_wait3A_110 : memref<1x8x512xf32, #tpu.memory_space<hbm>> -> memref<8x512xf32, #tpu.memory_space<hbm>>
      tpu.wait_dma2 semaphore(%run_scoped3A : memref<!tpu.dma_semaphore, #tpu.memory_space<semaphore_mem>>) src(%arg10 : memref<8x512xf32, #tpu.memory_space<vmem>>) dst(%dma_wait3A_111 : memref<8x512xf32, #tpu.memory_space<hbm>>)
      tpu.yield
    }) : () -> ()
    "tpu.region"() ({
      %run_scoped3A = tpu.sem_alloc : memref<!tpu.dma_semaphore, #tpu.memory_space<semaphore_mem>>
      %dma_start3A = arith.constant 0 : i32
      %dma_start3A_98 = arith.constant 0 : i32
      %dma_start3A_99 = tpu.memref_slice %arg6[%add3A_76, %dma_start3A, %dma_start3A_98] : memref<128x8x512xf32, #tpu.memory_space<hbm>> -> memref<1x8x512xf32, #tpu.memory_space<hbm>>
      %dma_start3A_100 = tpu.memref_squeeze %dma_start3A_99 : memref<1x8x512xf32, #tpu.memory_space<hbm>> -> memref<8x512xf32, #tpu.memory_space<hbm>>
      %dma_start3A_101 = arith.constant 0 : i32
      %dma_start3A_102 = arith.constant 0 : i32
      %dma_start3A_103 = tpu.memref_slice %arg6[%add3A_76, %dma_start3A_101, %dma_start3A_102] : memref<128x8x512xf32, #tpu.memory_space<hbm>> -> memref<1x8x512xf32, #tpu.memory_space<hbm>>
      %dma_start3A_104 = tpu.memref_squeeze %dma_start3A_103 : memref<1x8x512xf32, #tpu.memory_space<hbm>> -> memref<8x512xf32, #tpu.memory_space<hbm>>
      tpu.enqueue_dma source(%arg11 : memref<8x512xf32, #tpu.memory_space<vmem>>) target(%dma_start3A_104 : memref<8x512xf32, #tpu.memory_space<hbm>>) target_semaphore(%run_scoped3A : memref<!tpu.dma_semaphore, #tpu.memory_space<semaphore_mem>>)
      %dma_wait3A = arith.constant 0 : i32
      %dma_wait3A_105 = arith.constant 0 : i32
      %dma_wait3A_106 = tpu.memref_slice %arg6[%add3A_76, %dma_wait3A, %dma_wait3A_105] : memref<128x8x512xf32, #tpu.memory_space<hbm>> -> memref<1x8x512xf32, #tpu.memory_space<hbm>>
      %dma_wait3A_107 = tpu.memref_squeeze %dma_wait3A_106 : memref<1x8x512xf32, #tpu.memory_space<hbm>> -> memref<8x512xf32, #tpu.memory_space<hbm>>
      %dma_wait3A_108 = arith.constant 0 : i32
      %dma_wait3A_109 = arith.constant 0 : i32
      %dma_wait3A_110 = tpu.memref_slice %arg6[%add3A_76, %dma_wait3A_108, %dma_wait3A_109] : memref<128x8x512xf32, #tpu.memory_space<hbm>> -> memref<1x8x512xf32, #tpu.memory_space<hbm>>
      %dma_wait3A_111 = tpu.memref_squeeze %dma_wait3A_110 : memref<1x8x512xf32, #tpu.memory_space<hbm>> -> memref<8x512xf32, #tpu.memory_space<hbm>>
      tpu.wait_dma2 semaphore(%run_scoped3A : memref<!tpu.dma_semaphore, #tpu.memory_space<semaphore_mem>>) src(%arg11 : memref<8x512xf32, #tpu.memory_space<vmem>>) dst(%dma_wait3A_111 : memref<8x512xf32, #tpu.memory_space<hbm>>)
      tpu.yield
    }) : () -> ()
    return
  }
}

module attributes {stable_mosaic.version = 14 : i64} {
  func.func @_tc_body(%arg0: i32, %arg1: memref<128xi32, #tpu.memory_space<smem>>, %arg2: memref<8x512x520xf32, #tpu.memory_space<vmem>>, %arg3: memref<8x8x512xf32, #tpu.memory_space<vmem>>, %arg4: memref<8x8x512xf32, #tpu.memory_space<vmem>>, %arg5: memref<8x520xf32, #tpu.memory_space<vmem>>, %arg6: memref<8x520xf32, #tpu.memory_space<vmem>>, %arg7: memref<8x520xf32, #tpu.memory_space<vmem>>, %arg8: memref<4x520xf32, #tpu.memory_space<vmem>>) attributes {dimension_semantics = [#tpu.dimension_semantics<arbitrary>], iteration_bounds = array<i64: 16>, scalar_prefetch = 0 : i64, scratch_operands = 0 : i64, tpu.core_type = #tpu.core_type<tc>, window_params = [{transform_indices = @transform_0, window_bounds = array<i64: 128>}, {transform_indices = @transform_1, window_bounds = array<i64: 8, 512, 520>}, {transform_indices = @transform_2, window_bounds = array<i64: 8, 8, 512>}, {transform_indices = @transform_3, window_bounds = array<i64: 8, 8, 512>}, {pipeline_mode = #tpu.pipeline_mode<synchronous>, transform_indices = @transform_4, window_bounds = array<i64: 8, 520>}, {pipeline_mode = #tpu.pipeline_mode<synchronous>, transform_indices = @transform_5, window_bounds = array<i64: 8, 520>}, {pipeline_mode = #tpu.pipeline_mode<synchronous>, transform_indices = @transform_6, window_bounds = array<i64: 8, 520>}, {pipeline_mode = #tpu.pipeline_mode<synchronous>, transform_indices = @transform_7, window_bounds = array<i64: 4, 520>}]} {
    %eq3A = arith.constant 0 : i32
    %eq3A_0 = arith.cmpi eq, %arg0, %eq3A : i32
    %convert_element_type3A = arith.extui %eq3A_0 : i1 to i32
    %cond3A = arith.constant 0 : i32
    %cond3A_1 = arith.cmpi ne, %convert_element_type3A, %cond3A : i32
    scf.if %cond3A_1 {
      %broadcast_in_dim3A_850 = arith.constant 0.000000e+00 : f32
      %broadcast_in_dim3A_851 = vector.broadcast %broadcast_in_dim3A_850 : f32 to vector<4x520xf32>
      %swap3A_852 = arith.constant 0 : index
      %swap3A_853 = arith.constant 0 : index
      %swap3A_854 = vector.load %arg8[%swap3A_852, %swap3A_853] : memref<4x520xf32, #tpu.memory_space<vmem>>, vector<4x520xf32>
      tpu.vector_store %arg8[%swap3A_852, %swap3A_853], %broadcast_in_dim3A_851 {strides = array<i32>} : memref<4x520xf32, #tpu.memory_space<vmem>>, vector<4x520xf32>,
    } else {
    }
    %mul3A = arith.constant 8 : i32
    %mul3A_2 = arith.muli %arg0, %mul3A : i32
    %add3A = arith.constant 0 : i32
    %add3A_3 = arith.addi %mul3A_2, %add3A : i32
    %get3A = arith.index_cast %add3A_3 : i32 to index
    %get3A_4 = memref.load %arg1[%get3A] : memref<128xi32, #tpu.memory_space<smem>>
    %sub3A = arith.constant 8 : i32
    %sub3A_5 = arith.subi %get3A_4, %sub3A : i32
    %max3A = arith.constant 0 : i32
    %max3A_6 = arith.maxsi %sub3A_5, %max3A : i32
    %get3A_7 = arith.constant 0 : index
    %get3A_8 = arith.constant 0 : index
    %get3A_9 = arith.constant 0 : index
    %get3A_10 = vector.load %arg2[%get3A_7, %get3A_8, %get3A_9] : memref<8x512x520xf32, #tpu.memory_space<vmem>>, vector<1x512x520xf32>
    %get3A_11 = vector.shape_cast %get3A_10 : vector<1x512x520xf32> to vector<512x520xf32>
    %get3A_12 = arith.constant 0 : index
    %get3A_13 = arith.constant 0 : index
    %get3A_14 = arith.constant 0 : index
    %get3A_15 = vector.load %arg3[%get3A_12, %get3A_13, %get3A_14] : memref<8x8x512xf32, #tpu.memory_space<vmem>>, vector<1x8x512xf32>
    %get3A_16 = vector.shape_cast %get3A_15 : vector<1x8x512xf32> to vector<8x512xf32>
    %get3A_17 = arith.constant 0 : index
    %get3A_18 = arith.constant 0 : index
    %get3A_19 = arith.constant 0 : index
    %get3A_20 = vector.load %arg4[%get3A_17, %get3A_18, %get3A_19] : memref<8x8x512xf32, #tpu.memory_space<vmem>>, vector<1x8x512xf32>
    %get3A_21 = vector.shape_cast %get3A_20 : vector<1x8x512xf32> to vector<8x512xf32>
    %iota3A = tpu.iota {dimensions = array<i32: 1>} : vector<1x512xi32>
    %lt3A = vector.broadcast %max3A_6 : i32 to vector<1x512xi32>
    %lt3A_22 = arith.cmpi slt, %iota3A, %lt3A : vector<1x512xi32>
    %convert_element_type3A_23 = arith.extui %lt3A_22 : vector<1x512xi1> to vector<1x512xi32>
    %convert_element_type3A_24 = arith.sitofp %convert_element_type3A_23 : vector<1x512xi32> to vector<1x512xf32>
    %exp3A = math.exp %get3A_11 : vector<512x520xf32>
    %get3A_25 = arith.constant 0 : index
    %get3A_26 = arith.constant 0 : index
    %get3A_27 = vector.load %arg5[%get3A_25, %get3A_26] : memref<8x520xf32, #tpu.memory_space<vmem>>, vector<8x520xf32>
    %dot_general3A = arith.constant dense<0.000000e+00> : vector<8x512xf32>
    %dot_general3A_28 = tpu.matmul %get3A_27, %exp3A, %dot_general3A {dimension_numbers = #tpu.dot_dimension_numbers<[1], [1], [0], [0], [0, 0, 1, 0], [], []>, transpose_lhs_hint = false} : vector<8x520xf32>, vector<512x520xf32>, vector<8x512xf32> -> vector<8x512xf32>
    %log3A = math.log %dot_general3A_28 : vector<8x512xf32>
    %iota3A_29 = tpu.iota {dimensions = array<i32: 1>} : vector<8x512xi32>
    %lt3A_30 = vector.broadcast %max3A_6 : i32 to vector<8x512xi32>
    %lt3A_31 = arith.cmpi slt, %iota3A_29, %lt3A_30 : vector<8x512xi32>
    %jit3A = arith.constant 0.000000e+00 : f32
    %broadcast_in_dim3A = vector.broadcast %jit3A : f32 to vector<8x512xf32>
    %select_n3A = arith.select %lt3A_31, %log3A, %broadcast_in_dim3A : vector<8x512xi1>, vector<8x512xf32>
    %reduce_sum3A = arith.constant dense<0.000000e+00> : vector<512xf32>
    %reduce_sum3A_32 = vector.multi_reduction <add>, %select_n3A, %reduce_sum3A [0] : vector<8x512xf32> to vector<512xf32>
    %broadcast_in_dim3A_33 = vector.shape_cast %reduce_sum3A_32 : vector<512xf32> to vector<1x512xf32>
    %get3A_34 = arith.constant 0 : index
    %get3A_35 = arith.constant 0 : index
    %get3A_36 = vector.load %arg6[%get3A_34, %get3A_35] : memref<8x520xf32, #tpu.memory_space<vmem>>, vector<8x520xf32>
    %dot_general3A_37 = arith.constant dense<0.000000e+00> : vector<512x520xf32>
    %dot_general3A_38 = tpu.matmul %get3A_21, %get3A_36, %dot_general3A_37 {dimension_numbers = #tpu.dot_dimension_numbers<[0], [0], [1], [1], [0, 1, 1, 1], [], []>, transpose_lhs_hint = false} : vector<8x512xf32>, vector<8x520xf32>, vector<512x520xf32> -> vector<512x520xf32>
    %iota3A_39 = tpu.iota {dimensions = array<i32: 1>} : vector<512x520xi32>
    %convert_element_type3A_40 = arith.sitofp %iota3A_39 : vector<512x520xi32> to vector<512x520xf32>
    %eq3A_41 = arith.cmpf oeq, %dot_general3A_38, %convert_element_type3A_40 : vector<512x520xf32>
    %jit3A_42 = arith.constant 0.000000e+00 : f32
    %broadcast_in_dim3A_43 = vector.broadcast %jit3A_42 : f32 to vector<512x520xf32>
    %select_n3A_44 = arith.select %eq3A_41, %get3A_11, %broadcast_in_dim3A_43 : vector<512x520xi1>, vector<512x520xf32>
    %broadcast_in_dim3A_45 = arith.constant 0.000000e+00 : f32
    %broadcast_in_dim3A_46 = vector.broadcast %broadcast_in_dim3A_45 : f32 to vector<1x512xf32>
    %add3A_47 = arith.constant 1.000000e+00 : f32
    %add3A_48 = vector.broadcast %add3A_47 : f32 to vector<1x512xf32>
    %add3A_49 = arith.addf %broadcast_in_dim3A_46, %add3A_48 : vector<1x512xf32>
    %dot_general3A_50 = arith.constant dense<0.000000e+00> : vector<1x520xf32>
    %dot_general3A_51 = tpu.matmul %add3A_49, %select_n3A_44, %dot_general3A_50 {dimension_numbers = #tpu.dot_dimension_numbers<[1], [0], [0], [1], [0, 0, 1, 1], [], []>, transpose_lhs_hint = false} : vector<1x512xf32>, vector<512x520xf32>, vector<1x520xf32> -> vector<1x520xf32>
    %get3A_52 = arith.constant 0 : index
    %get3A_53 = arith.constant 0 : index
    %get3A_54 = vector.load %arg7[%get3A_52, %get3A_53] : memref<8x520xf32, #tpu.memory_space<vmem>>, vector<8x520xf32>
    %dot_general3A_55 = arith.constant dense<0.000000e+00> : vector<512x520xf32>
    %dot_general3A_56 = tpu.matmul %get3A_16, %get3A_54, %dot_general3A_55 {dimension_numbers = #tpu.dot_dimension_numbers<[0], [0], [1], [1], [0, 1, 1, 1], [], []>, transpose_lhs_hint = false} : vector<8x512xf32>, vector<8x520xf32>, vector<512x520xf32> -> vector<512x520xf32>
    %sub3A_57 = arith.subf %get3A_11, %dot_general3A_56 : vector<512x520xf32>
    %integer_pow3A = arith.mulf %sub3A_57, %sub3A_57 : vector<512x520xf32>
    %dot_general3A_58 = arith.constant dense<0.000000e+00> : vector<1x520xf32>
    %dot_general3A_59 = tpu.matmul %convert_element_type3A_24, %integer_pow3A, %dot_general3A_58 {dimension_numbers = #tpu.dot_dimension_numbers<[1], [0], [0], [1], [0, 0, 1, 1], [], []>, transpose_lhs_hint = false} : vector<1x512xf32>, vector<512x520xf32>, vector<1x520xf32> -> vector<1x520xf32>
    %get3A_60 = arith.constant 0 : index
    %get3A_61 = arith.constant 0 : index
    %get3A_62 = vector.load %arg7[%get3A_60, %get3A_61] : memref<8x520xf32, #tpu.memory_space<vmem>>, vector<8x520xf32>
    %reduce_sum3A_63 = arith.constant dense<0.000000e+00> : vector<520xf32>
    %reduce_sum3A_64 = vector.multi_reduction <add>, %get3A_62, %reduce_sum3A_63 [0] : vector<8x520xf32> to vector<520xf32>
    %broadcast_in_dim3A_65 = vector.shape_cast %reduce_sum3A_64 : vector<520xf32> to vector<1x520xf32>
    %get3A_66 = arith.constant 0 : index
    %get3A_67 = arith.constant 0 : index
    %get3A_68 = vector.load %arg8[%get3A_66, %get3A_67] : memref<4x520xf32, #tpu.memory_space<vmem>>, vector<1x520xf32>
    %mul3A_69 = arith.mulf %dot_general3A_59, %broadcast_in_dim3A_65 : vector<1x520xf32>
    %add3A_70 = arith.addf %get3A_68, %mul3A_69 : vector<1x520xf32>
    %swap3A = arith.constant 0 : index
    %swap3A_71 = arith.constant 0 : index
    %swap3A_72 = vector.load %arg8[%swap3A, %swap3A_71] : memref<4x520xf32, #tpu.memory_space<vmem>>, vector<1x520xf32>
    tpu.vector_store %arg8[%swap3A, %swap3A_71], %add3A_70 {strides = array<i32>} : memref<4x520xf32, #tpu.memory_space<vmem>>, vector<1x520xf32>,
    %get3A_73 = arith.constant 1 : index
    %get3A_74 = arith.constant 0 : index
    %get3A_75 = vector.load %arg8[%get3A_73, %get3A_74] : memref<4x520xf32, #tpu.memory_space<vmem>>, vector<1x512xf32>
    %add3A_76 = arith.addf %get3A_75, %broadcast_in_dim3A_33 : vector<1x512xf32>
    %swap3A_77 = arith.constant 1 : index
    %swap3A_78 = arith.constant 0 : index
    %swap3A_79 = vector.load %arg8[%swap3A_77, %swap3A_78] : memref<4x520xf32, #tpu.memory_space<vmem>>, vector<1x512xf32>
    tpu.vector_store %arg8[%swap3A_77, %swap3A_78], %add3A_76 {strides = array<i32>} : memref<4x520xf32, #tpu.memory_space<vmem>>, vector<1x512xf32>,
    %get3A_80 = arith.constant 2 : index
    %get3A_81 = arith.constant 0 : index
    %get3A_82 = vector.load %arg8[%get3A_80, %get3A_81] : memref<4x520xf32, #tpu.memory_space<vmem>>, vector<1x520xf32>
    %add3A_83 = arith.addf %get3A_82, %dot_general3A_51 : vector<1x520xf32>
    %swap3A_84 = arith.constant 2 : index
    %swap3A_85 = arith.constant 0 : index
    %swap3A_86 = vector.load %arg8[%swap3A_84, %swap3A_85] : memref<4x520xf32, #tpu.memory_space<vmem>>, vector<1x520xf32>
    tpu.vector_store %arg8[%swap3A_84, %swap3A_85], %add3A_83 {strides = array<i32>} : memref<4x520xf32, #tpu.memory_space<vmem>>, vector<1x520xf32>,
    %get3A_87 = arith.constant 3 : index
    %get3A_88 = arith.constant 0 : index
    %get3A_89 = vector.load %arg8[%get3A_87, %get3A_88] : memref<4x520xf32, #tpu.memory_space<vmem>>, vector<1x512xf32>
    %add3A_90 = arith.addf %get3A_89, %convert_element_type3A_24 : vector<1x512xf32>
    %swap3A_91 = arith.constant 3 : index
    %swap3A_92 = arith.constant 0 : index
    %swap3A_93 = vector.load %arg8[%swap3A_91, %swap3A_92] : memref<4x520xf32, #tpu.memory_space<vmem>>, vector<1x512xf32>
    tpu.vector_store %arg8[%swap3A_91, %swap3A_92], %add3A_90 {strides = array<i32>} : memref<4x520xf32, #tpu.memory_space<vmem>>, vector<1x512xf32>,
    %mul3A_94 = arith.constant 8 : i32
    %mul3A_95 = arith.muli %arg0, %mul3A_94 : i32
    %add3A_96 = arith.constant 1 : i32
    %add3A_97 = arith.addi %mul3A_95, %add3A_96 : i32
    %get3A_98 = arith.index_cast %add3A_97 : i32 to index
    %get3A_99 = memref.load %arg1[%get3A_98] : memref<128xi32, #tpu.memory_space<smem>>
    %sub3A_100 = arith.constant 8 : i32
    %sub3A_101 = arith.subi %get3A_99, %sub3A_100 : i32
    %max3A_102 = arith.constant 0 : i32
    %max3A_103 = arith.maxsi %sub3A_101, %max3A_102 : i32
    %get3A_104 = arith.constant 1 : index
    %get3A_105 = arith.constant 0 : index
    %get3A_106 = arith.constant 0 : index
    %get3A_107 = vector.load %arg2[%get3A_104, %get3A_105, %get3A_106] : memref<8x512x520xf32, #tpu.memory_space<vmem>>, vector<1x512x520xf32>
    %get3A_108 = vector.shape_cast %get3A_107 : vector<1x512x520xf32> to vector<512x520xf32>
    %get3A_109 = arith.constant 1 : index
    %get3A_110 = arith.constant 0 : index
    %get3A_111 = arith.constant 0 : index
    %get3A_112 = vector.load %arg3[%get3A_109, %get3A_110, %get3A_111] : memref<8x8x512xf32, #tpu.memory_space<vmem>>, vector<1x8x512xf32>
    %get3A_113 = vector.shape_cast %get3A_112 : vector<1x8x512xf32> to vector<8x512xf32>
    %get3A_114 = arith.constant 1 : index
    %get3A_115 = arith.constant 0 : index
    %get3A_116 = arith.constant 0 : index
    %get3A_117 = vector.load %arg4[%get3A_114, %get3A_115, %get3A_116] : memref<8x8x512xf32, #tpu.memory_space<vmem>>, vector<1x8x512xf32>
    %get3A_118 = vector.shape_cast %get3A_117 : vector<1x8x512xf32> to vector<8x512xf32>
    %iota3A_119 = tpu.iota {dimensions = array<i32: 1>} : vector<1x512xi32>
    %lt3A_120 = vector.broadcast %max3A_103 : i32 to vector<1x512xi32>
    %lt3A_121 = arith.cmpi slt, %iota3A_119, %lt3A_120 : vector<1x512xi32>
    %convert_element_type3A_122 = arith.extui %lt3A_121 : vector<1x512xi1> to vector<1x512xi32>
    %convert_element_type3A_123 = arith.sitofp %convert_element_type3A_122 : vector<1x512xi32> to vector<1x512xf32>
    %exp3A_124 = math.exp %get3A_108 : vector<512x520xf32>
    %get3A_125 = arith.constant 0 : index
    %get3A_126 = arith.constant 0 : index
    %get3A_127 = vector.load %arg5[%get3A_125, %get3A_126] : memref<8x520xf32, #tpu.memory_space<vmem>>, vector<8x520xf32>
    %dot_general3A_128 = arith.constant dense<0.000000e+00> : vector<8x512xf32>
    %dot_general3A_129 = tpu.matmul %get3A_127, %exp3A_124, %dot_general3A_128 {dimension_numbers = #tpu.dot_dimension_numbers<[1], [1], [0], [0], [0, 0, 1, 0], [], []>, transpose_lhs_hint = false} : vector<8x520xf32>, vector<512x520xf32>, vector<8x512xf32> -> vector<8x512xf32>
    %log3A_130 = math.log %dot_general3A_129 : vector<8x512xf32>
    %iota3A_131 = tpu.iota {dimensions = array<i32: 1>} : vector<8x512xi32>
    %lt3A_132 = vector.broadcast %max3A_103 : i32 to vector<8x512xi32>
    %lt3A_133 = arith.cmpi slt, %iota3A_131, %lt3A_132 : vector<8x512xi32>
    %jit3A_134 = arith.constant 0.000000e+00 : f32
    %broadcast_in_dim3A_135 = vector.broadcast %jit3A_134 : f32 to vector<8x512xf32>
    %select_n3A_136 = arith.select %lt3A_133, %log3A_130, %broadcast_in_dim3A_135 : vector<8x512xi1>, vector<8x512xf32>
    %reduce_sum3A_137 = arith.constant dense<0.000000e+00> : vector<512xf32>
    %reduce_sum3A_138 = vector.multi_reduction <add>, %select_n3A_136, %reduce_sum3A_137 [0] : vector<8x512xf32> to vector<512xf32>
    %broadcast_in_dim3A_139 = vector.shape_cast %reduce_sum3A_138 : vector<512xf32> to vector<1x512xf32>
    %get3A_140 = arith.constant 0 : index
    %get3A_141 = arith.constant 0 : index
    %get3A_142 = vector.load %arg6[%get3A_140, %get3A_141] : memref<8x520xf32, #tpu.memory_space<vmem>>, vector<8x520xf32>
    %dot_general3A_143 = arith.constant dense<0.000000e+00> : vector<512x520xf32>
    %dot_general3A_144 = tpu.matmul %get3A_118, %get3A_142, %dot_general3A_143 {dimension_numbers = #tpu.dot_dimension_numbers<[0], [0], [1], [1], [0, 1, 1, 1], [], []>, transpose_lhs_hint = false} : vector<8x512xf32>, vector<8x520xf32>, vector<512x520xf32> -> vector<512x520xf32>
    %iota3A_145 = tpu.iota {dimensions = array<i32: 1>} : vector<512x520xi32>
    %convert_element_type3A_146 = arith.sitofp %iota3A_145 : vector<512x520xi32> to vector<512x520xf32>
    %eq3A_147 = arith.cmpf oeq, %dot_general3A_144, %convert_element_type3A_146 : vector<512x520xf32>
    %jit3A_148 = arith.constant 0.000000e+00 : f32
    %broadcast_in_dim3A_149 = vector.broadcast %jit3A_148 : f32 to vector<512x520xf32>
    %select_n3A_150 = arith.select %eq3A_147, %get3A_108, %broadcast_in_dim3A_149 : vector<512x520xi1>, vector<512x520xf32>
    %broadcast_in_dim3A_151 = arith.constant 0.000000e+00 : f32
    %broadcast_in_dim3A_152 = vector.broadcast %broadcast_in_dim3A_151 : f32 to vector<1x512xf32>
    %add3A_153 = arith.constant 1.000000e+00 : f32
    %add3A_154 = vector.broadcast %add3A_153 : f32 to vector<1x512xf32>
    %add3A_155 = arith.addf %broadcast_in_dim3A_152, %add3A_154 : vector<1x512xf32>
    %dot_general3A_156 = arith.constant dense<0.000000e+00> : vector<1x520xf32>
    %dot_general3A_157 = tpu.matmul %add3A_155, %select_n3A_150, %dot_general3A_156 {dimension_numbers = #tpu.dot_dimension_numbers<[1], [0], [0], [1], [0, 0, 1, 1], [], []>, transpose_lhs_hint = false} : vector<1x512xf32>, vector<512x520xf32>, vector<1x520xf32> -> vector<1x520xf32>
    %get3A_158 = arith.constant 0 : index
    %get3A_159 = arith.constant 0 : index
    %get3A_160 = vector.load %arg7[%get3A_158, %get3A_159] : memref<8x520xf32, #tpu.memory_space<vmem>>, vector<8x520xf32>
    %dot_general3A_161 = arith.constant dense<0.000000e+00> : vector<512x520xf32>
    %dot_general3A_162 = tpu.matmul %get3A_113, %get3A_160, %dot_general3A_161 {dimension_numbers = #tpu.dot_dimension_numbers<[0], [0], [1], [1], [0, 1, 1, 1], [], []>, transpose_lhs_hint = false} : vector<8x512xf32>, vector<8x520xf32>, vector<512x520xf32> -> vector<512x520xf32>
    %sub3A_163 = arith.subf %get3A_108, %dot_general3A_162 : vector<512x520xf32>
    %integer_pow3A_164 = arith.mulf %sub3A_163, %sub3A_163 : vector<512x520xf32>
    %dot_general3A_165 = arith.constant dense<0.000000e+00> : vector<1x520xf32>
    %dot_general3A_166 = tpu.matmul %convert_element_type3A_123, %integer_pow3A_164, %dot_general3A_165 {dimension_numbers = #tpu.dot_dimension_numbers<[1], [0], [0], [1], [0, 0, 1, 1], [], []>, transpose_lhs_hint = false} : vector<1x512xf32>, vector<512x520xf32>, vector<1x520xf32> -> vector<1x520xf32>
    %get3A_167 = arith.constant 0 : index
    %get3A_168 = arith.constant 0 : index
    %get3A_169 = vector.load %arg7[%get3A_167, %get3A_168] : memref<8x520xf32, #tpu.memory_space<vmem>>, vector<8x520xf32>
    %reduce_sum3A_170 = arith.constant dense<0.000000e+00> : vector<520xf32>
    %reduce_sum3A_171 = vector.multi_reduction <add>, %get3A_169, %reduce_sum3A_170 [0] : vector<8x520xf32> to vector<520xf32>
    %broadcast_in_dim3A_172 = vector.shape_cast %reduce_sum3A_171 : vector<520xf32> to vector<1x520xf32>
    %get3A_173 = arith.constant 0 : index
    %get3A_174 = arith.constant 0 : index
    %get3A_175 = vector.load %arg8[%get3A_173, %get3A_174] : memref<4x520xf32, #tpu.memory_space<vmem>>, vector<1x520xf32>
    %mul3A_176 = arith.mulf %dot_general3A_166, %broadcast_in_dim3A_172 : vector<1x520xf32>
    %add3A_177 = arith.addf %get3A_175, %mul3A_176 : vector<1x520xf32>
    %swap3A_178 = arith.constant 0 : index
    %swap3A_179 = arith.constant 0 : index
    %swap3A_180 = vector.load %arg8[%swap3A_178, %swap3A_179] : memref<4x520xf32, #tpu.memory_space<vmem>>, vector<1x520xf32>
    tpu.vector_store %arg8[%swap3A_178, %swap3A_179], %add3A_177 {strides = array<i32>} : memref<4x520xf32, #tpu.memory_space<vmem>>, vector<1x520xf32>,
    %get3A_181 = arith.constant 1 : index
    %get3A_182 = arith.constant 0 : index
    %get3A_183 = vector.load %arg8[%get3A_181, %get3A_182] : memref<4x520xf32, #tpu.memory_space<vmem>>, vector<1x512xf32>
    %add3A_184 = arith.addf %get3A_183, %broadcast_in_dim3A_139 : vector<1x512xf32>
    %swap3A_185 = arith.constant 1 : index
    %swap3A_186 = arith.constant 0 : index
    %swap3A_187 = vector.load %arg8[%swap3A_185, %swap3A_186] : memref<4x520xf32, #tpu.memory_space<vmem>>, vector<1x512xf32>
    tpu.vector_store %arg8[%swap3A_185, %swap3A_186], %add3A_184 {strides = array<i32>} : memref<4x520xf32, #tpu.memory_space<vmem>>, vector<1x512xf32>,
    %get3A_188 = arith.constant 2 : index
    %get3A_189 = arith.constant 0 : index
    %get3A_190 = vector.load %arg8[%get3A_188, %get3A_189] : memref<4x520xf32, #tpu.memory_space<vmem>>, vector<1x520xf32>
    %add3A_191 = arith.addf %get3A_190, %dot_general3A_157 : vector<1x520xf32>
    %swap3A_192 = arith.constant 2 : index
    %swap3A_193 = arith.constant 0 : index
    %swap3A_194 = vector.load %arg8[%swap3A_192, %swap3A_193] : memref<4x520xf32, #tpu.memory_space<vmem>>, vector<1x520xf32>
    tpu.vector_store %arg8[%swap3A_192, %swap3A_193], %add3A_191 {strides = array<i32>} : memref<4x520xf32, #tpu.memory_space<vmem>>, vector<1x520xf32>,
    %get3A_195 = arith.constant 3 : index
    %get3A_196 = arith.constant 0 : index
    %get3A_197 = vector.load %arg8[%get3A_195, %get3A_196] : memref<4x520xf32, #tpu.memory_space<vmem>>, vector<1x512xf32>
    %add3A_198 = arith.addf %get3A_197, %convert_element_type3A_123 : vector<1x512xf32>
    %swap3A_199 = arith.constant 3 : index
    %swap3A_200 = arith.constant 0 : index
    %swap3A_201 = vector.load %arg8[%swap3A_199, %swap3A_200] : memref<4x520xf32, #tpu.memory_space<vmem>>, vector<1x512xf32>
    tpu.vector_store %arg8[%swap3A_199, %swap3A_200], %add3A_198 {strides = array<i32>} : memref<4x520xf32, #tpu.memory_space<vmem>>, vector<1x512xf32>,
    %mul3A_202 = arith.constant 8 : i32
    %mul3A_203 = arith.muli %arg0, %mul3A_202 : i32
    %add3A_204 = arith.constant 2 : i32
    %add3A_205 = arith.addi %mul3A_203, %add3A_204 : i32
    %get3A_206 = arith.index_cast %add3A_205 : i32 to index
    %get3A_207 = memref.load %arg1[%get3A_206] : memref<128xi32, #tpu.memory_space<smem>>
    %sub3A_208 = arith.constant 8 : i32
    %sub3A_209 = arith.subi %get3A_207, %sub3A_208 : i32
    %max3A_210 = arith.constant 0 : i32
    %max3A_211 = arith.maxsi %sub3A_209, %max3A_210 : i32
    %get3A_212 = arith.constant 2 : index
    %get3A_213 = arith.constant 0 : index
    %get3A_214 = arith.constant 0 : index
    %get3A_215 = vector.load %arg2[%get3A_212, %get3A_213, %get3A_214] : memref<8x512x520xf32, #tpu.memory_space<vmem>>, vector<1x512x520xf32>
    %get3A_216 = vector.shape_cast %get3A_215 : vector<1x512x520xf32> to vector<512x520xf32>
    %get3A_217 = arith.constant 2 : index
    %get3A_218 = arith.constant 0 : index
    %get3A_219 = arith.constant 0 : index
    %get3A_220 = vector.load %arg3[%get3A_217, %get3A_218, %get3A_219] : memref<8x8x512xf32, #tpu.memory_space<vmem>>, vector<1x8x512xf32>
    %get3A_221 = vector.shape_cast %get3A_220 : vector<1x8x512xf32> to vector<8x512xf32>
    %get3A_222 = arith.constant 2 : index
    %get3A_223 = arith.constant 0 : index
    %get3A_224 = arith.constant 0 : index
    %get3A_225 = vector.load %arg4[%get3A_222, %get3A_223, %get3A_224] : memref<8x8x512xf32, #tpu.memory_space<vmem>>, vector<1x8x512xf32>
    %get3A_226 = vector.shape_cast %get3A_225 : vector<1x8x512xf32> to vector<8x512xf32>
    %iota3A_227 = tpu.iota {dimensions = array<i32: 1>} : vector<1x512xi32>
    %lt3A_228 = vector.broadcast %max3A_211 : i32 to vector<1x512xi32>
    %lt3A_229 = arith.cmpi slt, %iota3A_227, %lt3A_228 : vector<1x512xi32>
    %convert_element_type3A_230 = arith.extui %lt3A_229 : vector<1x512xi1> to vector<1x512xi32>
    %convert_element_type3A_231 = arith.sitofp %convert_element_type3A_230 : vector<1x512xi32> to vector<1x512xf32>
    %exp3A_232 = math.exp %get3A_216 : vector<512x520xf32>
    %get3A_233 = arith.constant 0 : index
    %get3A_234 = arith.constant 0 : index
    %get3A_235 = vector.load %arg5[%get3A_233, %get3A_234] : memref<8x520xf32, #tpu.memory_space<vmem>>, vector<8x520xf32>
    %dot_general3A_236 = arith.constant dense<0.000000e+00> : vector<8x512xf32>
    %dot_general3A_237 = tpu.matmul %get3A_235, %exp3A_232, %dot_general3A_236 {dimension_numbers = #tpu.dot_dimension_numbers<[1], [1], [0], [0], [0, 0, 1, 0], [], []>, transpose_lhs_hint = false} : vector<8x520xf32>, vector<512x520xf32>, vector<8x512xf32> -> vector<8x512xf32>
    %log3A_238 = math.log %dot_general3A_237 : vector<8x512xf32>
    %iota3A_239 = tpu.iota {dimensions = array<i32: 1>} : vector<8x512xi32>
    %lt3A_240 = vector.broadcast %max3A_211 : i32 to vector<8x512xi32>
    %lt3A_241 = arith.cmpi slt, %iota3A_239, %lt3A_240 : vector<8x512xi32>
    %jit3A_242 = arith.constant 0.000000e+00 : f32
    %broadcast_in_dim3A_243 = vector.broadcast %jit3A_242 : f32 to vector<8x512xf32>
    %select_n3A_244 = arith.select %lt3A_241, %log3A_238, %broadcast_in_dim3A_243 : vector<8x512xi1>, vector<8x512xf32>
    %reduce_sum3A_245 = arith.constant dense<0.000000e+00> : vector<512xf32>
    %reduce_sum3A_246 = vector.multi_reduction <add>, %select_n3A_244, %reduce_sum3A_245 [0] : vector<8x512xf32> to vector<512xf32>
    %broadcast_in_dim3A_247 = vector.shape_cast %reduce_sum3A_246 : vector<512xf32> to vector<1x512xf32>
    %get3A_248 = arith.constant 0 : index
    %get3A_249 = arith.constant 0 : index
    %get3A_250 = vector.load %arg6[%get3A_248, %get3A_249] : memref<8x520xf32, #tpu.memory_space<vmem>>, vector<8x520xf32>
    %dot_general3A_251 = arith.constant dense<0.000000e+00> : vector<512x520xf32>
    %dot_general3A_252 = tpu.matmul %get3A_226, %get3A_250, %dot_general3A_251 {dimension_numbers = #tpu.dot_dimension_numbers<[0], [0], [1], [1], [0, 1, 1, 1], [], []>, transpose_lhs_hint = false} : vector<8x512xf32>, vector<8x520xf32>, vector<512x520xf32> -> vector<512x520xf32>
    %iota3A_253 = tpu.iota {dimensions = array<i32: 1>} : vector<512x520xi32>
    %convert_element_type3A_254 = arith.sitofp %iota3A_253 : vector<512x520xi32> to vector<512x520xf32>
    %eq3A_255 = arith.cmpf oeq, %dot_general3A_252, %convert_element_type3A_254 : vector<512x520xf32>
    %jit3A_256 = arith.constant 0.000000e+00 : f32
    %broadcast_in_dim3A_257 = vector.broadcast %jit3A_256 : f32 to vector<512x520xf32>
    %select_n3A_258 = arith.select %eq3A_255, %get3A_216, %broadcast_in_dim3A_257 : vector<512x520xi1>, vector<512x520xf32>
    %broadcast_in_dim3A_259 = arith.constant 0.000000e+00 : f32
    %broadcast_in_dim3A_260 = vector.broadcast %broadcast_in_dim3A_259 : f32 to vector<1x512xf32>
    %add3A_261 = arith.constant 1.000000e+00 : f32
    %add3A_262 = vector.broadcast %add3A_261 : f32 to vector<1x512xf32>
    %add3A_263 = arith.addf %broadcast_in_dim3A_260, %add3A_262 : vector<1x512xf32>
    %dot_general3A_264 = arith.constant dense<0.000000e+00> : vector<1x520xf32>
    %dot_general3A_265 = tpu.matmul %add3A_263, %select_n3A_258, %dot_general3A_264 {dimension_numbers = #tpu.dot_dimension_numbers<[1], [0], [0], [1], [0, 0, 1, 1], [], []>, transpose_lhs_hint = false} : vector<1x512xf32>, vector<512x520xf32>, vector<1x520xf32> -> vector<1x520xf32>
    %get3A_266 = arith.constant 0 : index
    %get3A_267 = arith.constant 0 : index
    %get3A_268 = vector.load %arg7[%get3A_266, %get3A_267] : memref<8x520xf32, #tpu.memory_space<vmem>>, vector<8x520xf32>
    %dot_general3A_269 = arith.constant dense<0.000000e+00> : vector<512x520xf32>
    %dot_general3A_270 = tpu.matmul %get3A_221, %get3A_268, %dot_general3A_269 {dimension_numbers = #tpu.dot_dimension_numbers<[0], [0], [1], [1], [0, 1, 1, 1], [], []>, transpose_lhs_hint = false} : vector<8x512xf32>, vector<8x520xf32>, vector<512x520xf32> -> vector<512x520xf32>
    %sub3A_271 = arith.subf %get3A_216, %dot_general3A_270 : vector<512x520xf32>
    %integer_pow3A_272 = arith.mulf %sub3A_271, %sub3A_271 : vector<512x520xf32>
    %dot_general3A_273 = arith.constant dense<0.000000e+00> : vector<1x520xf32>
    %dot_general3A_274 = tpu.matmul %convert_element_type3A_231, %integer_pow3A_272, %dot_general3A_273 {dimension_numbers = #tpu.dot_dimension_numbers<[1], [0], [0], [1], [0, 0, 1, 1], [], []>, transpose_lhs_hint = false} : vector<1x512xf32>, vector<512x520xf32>, vector<1x520xf32> -> vector<1x520xf32>
    %get3A_275 = arith.constant 0 : index
    %get3A_276 = arith.constant 0 : index
    %get3A_277 = vector.load %arg7[%get3A_275, %get3A_276] : memref<8x520xf32, #tpu.memory_space<vmem>>, vector<8x520xf32>
    %reduce_sum3A_278 = arith.constant dense<0.000000e+00> : vector<520xf32>
    %reduce_sum3A_279 = vector.multi_reduction <add>, %get3A_277, %reduce_sum3A_278 [0] : vector<8x520xf32> to vector<520xf32>
    %broadcast_in_dim3A_280 = vector.shape_cast %reduce_sum3A_279 : vector<520xf32> to vector<1x520xf32>
    %get3A_281 = arith.constant 0 : index
    %get3A_282 = arith.constant 0 : index
    %get3A_283 = vector.load %arg8[%get3A_281, %get3A_282] : memref<4x520xf32, #tpu.memory_space<vmem>>, vector<1x520xf32>
    %mul3A_284 = arith.mulf %dot_general3A_274, %broadcast_in_dim3A_280 : vector<1x520xf32>
    %add3A_285 = arith.addf %get3A_283, %mul3A_284 : vector<1x520xf32>
    %swap3A_286 = arith.constant 0 : index
    %swap3A_287 = arith.constant 0 : index
    %swap3A_288 = vector.load %arg8[%swap3A_286, %swap3A_287] : memref<4x520xf32, #tpu.memory_space<vmem>>, vector<1x520xf32>
    tpu.vector_store %arg8[%swap3A_286, %swap3A_287], %add3A_285 {strides = array<i32>} : memref<4x520xf32, #tpu.memory_space<vmem>>, vector<1x520xf32>,
    %get3A_289 = arith.constant 1 : index
    %get3A_290 = arith.constant 0 : index
    %get3A_291 = vector.load %arg8[%get3A_289, %get3A_290] : memref<4x520xf32, #tpu.memory_space<vmem>>, vector<1x512xf32>
    %add3A_292 = arith.addf %get3A_291, %broadcast_in_dim3A_247 : vector<1x512xf32>
    %swap3A_293 = arith.constant 1 : index
    %swap3A_294 = arith.constant 0 : index
    %swap3A_295 = vector.load %arg8[%swap3A_293, %swap3A_294] : memref<4x520xf32, #tpu.memory_space<vmem>>, vector<1x512xf32>
    tpu.vector_store %arg8[%swap3A_293, %swap3A_294], %add3A_292 {strides = array<i32>} : memref<4x520xf32, #tpu.memory_space<vmem>>, vector<1x512xf32>,
    %get3A_296 = arith.constant 2 : index
    %get3A_297 = arith.constant 0 : index
    %get3A_298 = vector.load %arg8[%get3A_296, %get3A_297] : memref<4x520xf32, #tpu.memory_space<vmem>>, vector<1x520xf32>
    %add3A_299 = arith.addf %get3A_298, %dot_general3A_265 : vector<1x520xf32>
    %swap3A_300 = arith.constant 2 : index
    %swap3A_301 = arith.constant 0 : index
    %swap3A_302 = vector.load %arg8[%swap3A_300, %swap3A_301] : memref<4x520xf32, #tpu.memory_space<vmem>>, vector<1x520xf32>
    tpu.vector_store %arg8[%swap3A_300, %swap3A_301], %add3A_299 {strides = array<i32>} : memref<4x520xf32, #tpu.memory_space<vmem>>, vector<1x520xf32>,
    %get3A_303 = arith.constant 3 : index
    %get3A_304 = arith.constant 0 : index
    %get3A_305 = vector.load %arg8[%get3A_303, %get3A_304] : memref<4x520xf32, #tpu.memory_space<vmem>>, vector<1x512xf32>
    %add3A_306 = arith.addf %get3A_305, %convert_element_type3A_231 : vector<1x512xf32>
    %swap3A_307 = arith.constant 3 : index
    %swap3A_308 = arith.constant 0 : index
    %swap3A_309 = vector.load %arg8[%swap3A_307, %swap3A_308] : memref<4x520xf32, #tpu.memory_space<vmem>>, vector<1x512xf32>
    tpu.vector_store %arg8[%swap3A_307, %swap3A_308], %add3A_306 {strides = array<i32>} : memref<4x520xf32, #tpu.memory_space<vmem>>, vector<1x512xf32>,
    %mul3A_310 = arith.constant 8 : i32
    %mul3A_311 = arith.muli %arg0, %mul3A_310 : i32
    %add3A_312 = arith.constant 3 : i32
    %add3A_313 = arith.addi %mul3A_311, %add3A_312 : i32
    %get3A_314 = arith.index_cast %add3A_313 : i32 to index
    %get3A_315 = memref.load %arg1[%get3A_314] : memref<128xi32, #tpu.memory_space<smem>>
    %sub3A_316 = arith.constant 8 : i32
    %sub3A_317 = arith.subi %get3A_315, %sub3A_316 : i32
    %max3A_318 = arith.constant 0 : i32
    %max3A_319 = arith.maxsi %sub3A_317, %max3A_318 : i32
    %get3A_320 = arith.constant 3 : index
    %get3A_321 = arith.constant 0 : index
    %get3A_322 = arith.constant 0 : index
    %get3A_323 = vector.load %arg2[%get3A_320, %get3A_321, %get3A_322] : memref<8x512x520xf32, #tpu.memory_space<vmem>>, vector<1x512x520xf32>
    %get3A_324 = vector.shape_cast %get3A_323 : vector<1x512x520xf32> to vector<512x520xf32>
    %get3A_325 = arith.constant 3 : index
    %get3A_326 = arith.constant 0 : index
    %get3A_327 = arith.constant 0 : index
    %get3A_328 = vector.load %arg3[%get3A_325, %get3A_326, %get3A_327] : memref<8x8x512xf32, #tpu.memory_space<vmem>>, vector<1x8x512xf32>
    %get3A_329 = vector.shape_cast %get3A_328 : vector<1x8x512xf32> to vector<8x512xf32>
    %get3A_330 = arith.constant 3 : index
    %get3A_331 = arith.constant 0 : index
    %get3A_332 = arith.constant 0 : index
    %get3A_333 = vector.load %arg4[%get3A_330, %get3A_331, %get3A_332] : memref<8x8x512xf32, #tpu.memory_space<vmem>>, vector<1x8x512xf32>
    %get3A_334 = vector.shape_cast %get3A_333 : vector<1x8x512xf32> to vector<8x512xf32>
    %iota3A_335 = tpu.iota {dimensions = array<i32: 1>} : vector<1x512xi32>
    %lt3A_336 = vector.broadcast %max3A_319 : i32 to vector<1x512xi32>
    %lt3A_337 = arith.cmpi slt, %iota3A_335, %lt3A_336 : vector<1x512xi32>
    %convert_element_type3A_338 = arith.extui %lt3A_337 : vector<1x512xi1> to vector<1x512xi32>
    %convert_element_type3A_339 = arith.sitofp %convert_element_type3A_338 : vector<1x512xi32> to vector<1x512xf32>
    %exp3A_340 = math.exp %get3A_324 : vector<512x520xf32>
    %get3A_341 = arith.constant 0 : index
    %get3A_342 = arith.constant 0 : index
    %get3A_343 = vector.load %arg5[%get3A_341, %get3A_342] : memref<8x520xf32, #tpu.memory_space<vmem>>, vector<8x520xf32>
    %dot_general3A_344 = arith.constant dense<0.000000e+00> : vector<8x512xf32>
    %dot_general3A_345 = tpu.matmul %get3A_343, %exp3A_340, %dot_general3A_344 {dimension_numbers = #tpu.dot_dimension_numbers<[1], [1], [0], [0], [0, 0, 1, 0], [], []>, transpose_lhs_hint = false} : vector<8x520xf32>, vector<512x520xf32>, vector<8x512xf32> -> vector<8x512xf32>
    %log3A_346 = math.log %dot_general3A_345 : vector<8x512xf32>
    %iota3A_347 = tpu.iota {dimensions = array<i32: 1>} : vector<8x512xi32>
    %lt3A_348 = vector.broadcast %max3A_319 : i32 to vector<8x512xi32>
    %lt3A_349 = arith.cmpi slt, %iota3A_347, %lt3A_348 : vector<8x512xi32>
    %jit3A_350 = arith.constant 0.000000e+00 : f32
    %broadcast_in_dim3A_351 = vector.broadcast %jit3A_350 : f32 to vector<8x512xf32>
    %select_n3A_352 = arith.select %lt3A_349, %log3A_346, %broadcast_in_dim3A_351 : vector<8x512xi1>, vector<8x512xf32>
    %reduce_sum3A_353 = arith.constant dense<0.000000e+00> : vector<512xf32>
    %reduce_sum3A_354 = vector.multi_reduction <add>, %select_n3A_352, %reduce_sum3A_353 [0] : vector<8x512xf32> to vector<512xf32>
    %broadcast_in_dim3A_355 = vector.shape_cast %reduce_sum3A_354 : vector<512xf32> to vector<1x512xf32>
    %get3A_356 = arith.constant 0 : index
    %get3A_357 = arith.constant 0 : index
    %get3A_358 = vector.load %arg6[%get3A_356, %get3A_357] : memref<8x520xf32, #tpu.memory_space<vmem>>, vector<8x520xf32>
    %dot_general3A_359 = arith.constant dense<0.000000e+00> : vector<512x520xf32>
    %dot_general3A_360 = tpu.matmul %get3A_334, %get3A_358, %dot_general3A_359 {dimension_numbers = #tpu.dot_dimension_numbers<[0], [0], [1], [1], [0, 1, 1, 1], [], []>, transpose_lhs_hint = false} : vector<8x512xf32>, vector<8x520xf32>, vector<512x520xf32> -> vector<512x520xf32>
    %iota3A_361 = tpu.iota {dimensions = array<i32: 1>} : vector<512x520xi32>
    %convert_element_type3A_362 = arith.sitofp %iota3A_361 : vector<512x520xi32> to vector<512x520xf32>
    %eq3A_363 = arith.cmpf oeq, %dot_general3A_360, %convert_element_type3A_362 : vector<512x520xf32>
    %jit3A_364 = arith.constant 0.000000e+00 : f32
    %broadcast_in_dim3A_365 = vector.broadcast %jit3A_364 : f32 to vector<512x520xf32>
    %select_n3A_366 = arith.select %eq3A_363, %get3A_324, %broadcast_in_dim3A_365 : vector<512x520xi1>, vector<512x520xf32>
    %broadcast_in_dim3A_367 = arith.constant 0.000000e+00 : f32
    %broadcast_in_dim3A_368 = vector.broadcast %broadcast_in_dim3A_367 : f32 to vector<1x512xf32>
    %add3A_369 = arith.constant 1.000000e+00 : f32
    %add3A_370 = vector.broadcast %add3A_369 : f32 to vector<1x512xf32>
    %add3A_371 = arith.addf %broadcast_in_dim3A_368, %add3A_370 : vector<1x512xf32>
    %dot_general3A_372 = arith.constant dense<0.000000e+00> : vector<1x520xf32>
    %dot_general3A_373 = tpu.matmul %add3A_371, %select_n3A_366, %dot_general3A_372 {dimension_numbers = #tpu.dot_dimension_numbers<[1], [0], [0], [1], [0, 0, 1, 1], [], []>, transpose_lhs_hint = false} : vector<1x512xf32>, vector<512x520xf32>, vector<1x520xf32> -> vector<1x520xf32>
    %get3A_374 = arith.constant 0 : index
    %get3A_375 = arith.constant 0 : index
    %get3A_376 = vector.load %arg7[%get3A_374, %get3A_375] : memref<8x520xf32, #tpu.memory_space<vmem>>, vector<8x520xf32>
    %dot_general3A_377 = arith.constant dense<0.000000e+00> : vector<512x520xf32>
    %dot_general3A_378 = tpu.matmul %get3A_329, %get3A_376, %dot_general3A_377 {dimension_numbers = #tpu.dot_dimension_numbers<[0], [0], [1], [1], [0, 1, 1, 1], [], []>, transpose_lhs_hint = false} : vector<8x512xf32>, vector<8x520xf32>, vector<512x520xf32> -> vector<512x520xf32>
    %sub3A_379 = arith.subf %get3A_324, %dot_general3A_378 : vector<512x520xf32>
    %integer_pow3A_380 = arith.mulf %sub3A_379, %sub3A_379 : vector<512x520xf32>
    %dot_general3A_381 = arith.constant dense<0.000000e+00> : vector<1x520xf32>
    %dot_general3A_382 = tpu.matmul %convert_element_type3A_339, %integer_pow3A_380, %dot_general3A_381 {dimension_numbers = #tpu.dot_dimension_numbers<[1], [0], [0], [1], [0, 0, 1, 1], [], []>, transpose_lhs_hint = false} : vector<1x512xf32>, vector<512x520xf32>, vector<1x520xf32> -> vector<1x520xf32>
    %get3A_383 = arith.constant 0 : index
    %get3A_384 = arith.constant 0 : index
    %get3A_385 = vector.load %arg7[%get3A_383, %get3A_384] : memref<8x520xf32, #tpu.memory_space<vmem>>, vector<8x520xf32>
    %reduce_sum3A_386 = arith.constant dense<0.000000e+00> : vector<520xf32>
    %reduce_sum3A_387 = vector.multi_reduction <add>, %get3A_385, %reduce_sum3A_386 [0] : vector<8x520xf32> to vector<520xf32>
    %broadcast_in_dim3A_388 = vector.shape_cast %reduce_sum3A_387 : vector<520xf32> to vector<1x520xf32>
    %get3A_389 = arith.constant 0 : index
    %get3A_390 = arith.constant 0 : index
    %get3A_391 = vector.load %arg8[%get3A_389, %get3A_390] : memref<4x520xf32, #tpu.memory_space<vmem>>, vector<1x520xf32>
    %mul3A_392 = arith.mulf %dot_general3A_382, %broadcast_in_dim3A_388 : vector<1x520xf32>
    %add3A_393 = arith.addf %get3A_391, %mul3A_392 : vector<1x520xf32>
    %swap3A_394 = arith.constant 0 : index
    %swap3A_395 = arith.constant 0 : index
    %swap3A_396 = vector.load %arg8[%swap3A_394, %swap3A_395] : memref<4x520xf32, #tpu.memory_space<vmem>>, vector<1x520xf32>
    tpu.vector_store %arg8[%swap3A_394, %swap3A_395], %add3A_393 {strides = array<i32>} : memref<4x520xf32, #tpu.memory_space<vmem>>, vector<1x520xf32>,
    %get3A_397 = arith.constant 1 : index
    %get3A_398 = arith.constant 0 : index
    %get3A_399 = vector.load %arg8[%get3A_397, %get3A_398] : memref<4x520xf32, #tpu.memory_space<vmem>>, vector<1x512xf32>
    %add3A_400 = arith.addf %get3A_399, %broadcast_in_dim3A_355 : vector<1x512xf32>
    %swap3A_401 = arith.constant 1 : index
    %swap3A_402 = arith.constant 0 : index
    %swap3A_403 = vector.load %arg8[%swap3A_401, %swap3A_402] : memref<4x520xf32, #tpu.memory_space<vmem>>, vector<1x512xf32>
    tpu.vector_store %arg8[%swap3A_401, %swap3A_402], %add3A_400 {strides = array<i32>} : memref<4x520xf32, #tpu.memory_space<vmem>>, vector<1x512xf32>,
    %get3A_404 = arith.constant 2 : index
    %get3A_405 = arith.constant 0 : index
    %get3A_406 = vector.load %arg8[%get3A_404, %get3A_405] : memref<4x520xf32, #tpu.memory_space<vmem>>, vector<1x520xf32>
    %add3A_407 = arith.addf %get3A_406, %dot_general3A_373 : vector<1x520xf32>
    %swap3A_408 = arith.constant 2 : index
    %swap3A_409 = arith.constant 0 : index
    %swap3A_410 = vector.load %arg8[%swap3A_408, %swap3A_409] : memref<4x520xf32, #tpu.memory_space<vmem>>, vector<1x520xf32>
    tpu.vector_store %arg8[%swap3A_408, %swap3A_409], %add3A_407 {strides = array<i32>} : memref<4x520xf32, #tpu.memory_space<vmem>>, vector<1x520xf32>,
    %get3A_411 = arith.constant 3 : index
    %get3A_412 = arith.constant 0 : index
    %get3A_413 = vector.load %arg8[%get3A_411, %get3A_412] : memref<4x520xf32, #tpu.memory_space<vmem>>, vector<1x512xf32>
    %add3A_414 = arith.addf %get3A_413, %convert_element_type3A_339 : vector<1x512xf32>
    %swap3A_415 = arith.constant 3 : index
    %swap3A_416 = arith.constant 0 : index
    %swap3A_417 = vector.load %arg8[%swap3A_415, %swap3A_416] : memref<4x520xf32, #tpu.memory_space<vmem>>, vector<1x512xf32>
    tpu.vector_store %arg8[%swap3A_415, %swap3A_416], %add3A_414 {strides = array<i32>} : memref<4x520xf32, #tpu.memory_space<vmem>>, vector<1x512xf32>,
    %mul3A_418 = arith.constant 8 : i32
    %mul3A_419 = arith.muli %arg0, %mul3A_418 : i32
    %add3A_420 = arith.constant 4 : i32
    %add3A_421 = arith.addi %mul3A_419, %add3A_420 : i32
    %get3A_422 = arith.index_cast %add3A_421 : i32 to index
    %get3A_423 = memref.load %arg1[%get3A_422] : memref<128xi32, #tpu.memory_space<smem>>
    %sub3A_424 = arith.constant 8 : i32
    %sub3A_425 = arith.subi %get3A_423, %sub3A_424 : i32
    %max3A_426 = arith.constant 0 : i32
    %max3A_427 = arith.maxsi %sub3A_425, %max3A_426 : i32
    %get3A_428 = arith.constant 4 : index
    %get3A_429 = arith.constant 0 : index
    %get3A_430 = arith.constant 0 : index
    %get3A_431 = vector.load %arg2[%get3A_428, %get3A_429, %get3A_430] : memref<8x512x520xf32, #tpu.memory_space<vmem>>, vector<1x512x520xf32>
    %get3A_432 = vector.shape_cast %get3A_431 : vector<1x512x520xf32> to vector<512x520xf32>
    %get3A_433 = arith.constant 4 : index
    %get3A_434 = arith.constant 0 : index
    %get3A_435 = arith.constant 0 : index
    %get3A_436 = vector.load %arg3[%get3A_433, %get3A_434, %get3A_435] : memref<8x8x512xf32, #tpu.memory_space<vmem>>, vector<1x8x512xf32>
    %get3A_437 = vector.shape_cast %get3A_436 : vector<1x8x512xf32> to vector<8x512xf32>
    %get3A_438 = arith.constant 4 : index
    %get3A_439 = arith.constant 0 : index
    %get3A_440 = arith.constant 0 : index
    %get3A_441 = vector.load %arg4[%get3A_438, %get3A_439, %get3A_440] : memref<8x8x512xf32, #tpu.memory_space<vmem>>, vector<1x8x512xf32>
    %get3A_442 = vector.shape_cast %get3A_441 : vector<1x8x512xf32> to vector<8x512xf32>
    %iota3A_443 = tpu.iota {dimensions = array<i32: 1>} : vector<1x512xi32>
    %lt3A_444 = vector.broadcast %max3A_427 : i32 to vector<1x512xi32>
    %lt3A_445 = arith.cmpi slt, %iota3A_443, %lt3A_444 : vector<1x512xi32>
    %convert_element_type3A_446 = arith.extui %lt3A_445 : vector<1x512xi1> to vector<1x512xi32>
    %convert_element_type3A_447 = arith.sitofp %convert_element_type3A_446 : vector<1x512xi32> to vector<1x512xf32>
    %exp3A_448 = math.exp %get3A_432 : vector<512x520xf32>
    %get3A_449 = arith.constant 0 : index
    %get3A_450 = arith.constant 0 : index
    %get3A_451 = vector.load %arg5[%get3A_449, %get3A_450] : memref<8x520xf32, #tpu.memory_space<vmem>>, vector<8x520xf32>
    %dot_general3A_452 = arith.constant dense<0.000000e+00> : vector<8x512xf32>
    %dot_general3A_453 = tpu.matmul %get3A_451, %exp3A_448, %dot_general3A_452 {dimension_numbers = #tpu.dot_dimension_numbers<[1], [1], [0], [0], [0, 0, 1, 0], [], []>, transpose_lhs_hint = false} : vector<8x520xf32>, vector<512x520xf32>, vector<8x512xf32> -> vector<8x512xf32>
    %log3A_454 = math.log %dot_general3A_453 : vector<8x512xf32>
    %iota3A_455 = tpu.iota {dimensions = array<i32: 1>} : vector<8x512xi32>
    %lt3A_456 = vector.broadcast %max3A_427 : i32 to vector<8x512xi32>
    %lt3A_457 = arith.cmpi slt, %iota3A_455, %lt3A_456 : vector<8x512xi32>
    %jit3A_458 = arith.constant 0.000000e+00 : f32
    %broadcast_in_dim3A_459 = vector.broadcast %jit3A_458 : f32 to vector<8x512xf32>
    %select_n3A_460 = arith.select %lt3A_457, %log3A_454, %broadcast_in_dim3A_459 : vector<8x512xi1>, vector<8x512xf32>
    %reduce_sum3A_461 = arith.constant dense<0.000000e+00> : vector<512xf32>
    %reduce_sum3A_462 = vector.multi_reduction <add>, %select_n3A_460, %reduce_sum3A_461 [0] : vector<8x512xf32> to vector<512xf32>
    %broadcast_in_dim3A_463 = vector.shape_cast %reduce_sum3A_462 : vector<512xf32> to vector<1x512xf32>
    %get3A_464 = arith.constant 0 : index
    %get3A_465 = arith.constant 0 : index
    %get3A_466 = vector.load %arg6[%get3A_464, %get3A_465] : memref<8x520xf32, #tpu.memory_space<vmem>>, vector<8x520xf32>
    %dot_general3A_467 = arith.constant dense<0.000000e+00> : vector<512x520xf32>
    %dot_general3A_468 = tpu.matmul %get3A_442, %get3A_466, %dot_general3A_467 {dimension_numbers = #tpu.dot_dimension_numbers<[0], [0], [1], [1], [0, 1, 1, 1], [], []>, transpose_lhs_hint = false} : vector<8x512xf32>, vector<8x520xf32>, vector<512x520xf32> -> vector<512x520xf32>
    %iota3A_469 = tpu.iota {dimensions = array<i32: 1>} : vector<512x520xi32>
    %convert_element_type3A_470 = arith.sitofp %iota3A_469 : vector<512x520xi32> to vector<512x520xf32>
    %eq3A_471 = arith.cmpf oeq, %dot_general3A_468, %convert_element_type3A_470 : vector<512x520xf32>
    %jit3A_472 = arith.constant 0.000000e+00 : f32
    %broadcast_in_dim3A_473 = vector.broadcast %jit3A_472 : f32 to vector<512x520xf32>
    %select_n3A_474 = arith.select %eq3A_471, %get3A_432, %broadcast_in_dim3A_473 : vector<512x520xi1>, vector<512x520xf32>
    %broadcast_in_dim3A_475 = arith.constant 0.000000e+00 : f32
    %broadcast_in_dim3A_476 = vector.broadcast %broadcast_in_dim3A_475 : f32 to vector<1x512xf32>
    %add3A_477 = arith.constant 1.000000e+00 : f32
    %add3A_478 = vector.broadcast %add3A_477 : f32 to vector<1x512xf32>
    %add3A_479 = arith.addf %broadcast_in_dim3A_476, %add3A_478 : vector<1x512xf32>
    %dot_general3A_480 = arith.constant dense<0.000000e+00> : vector<1x520xf32>
    %dot_general3A_481 = tpu.matmul %add3A_479, %select_n3A_474, %dot_general3A_480 {dimension_numbers = #tpu.dot_dimension_numbers<[1], [0], [0], [1], [0, 0, 1, 1], [], []>, transpose_lhs_hint = false} : vector<1x512xf32>, vector<512x520xf32>, vector<1x520xf32> -> vector<1x520xf32>
    %get3A_482 = arith.constant 0 : index
    %get3A_483 = arith.constant 0 : index
    %get3A_484 = vector.load %arg7[%get3A_482, %get3A_483] : memref<8x520xf32, #tpu.memory_space<vmem>>, vector<8x520xf32>
    %dot_general3A_485 = arith.constant dense<0.000000e+00> : vector<512x520xf32>
    %dot_general3A_486 = tpu.matmul %get3A_437, %get3A_484, %dot_general3A_485 {dimension_numbers = #tpu.dot_dimension_numbers<[0], [0], [1], [1], [0, 1, 1, 1], [], []>, transpose_lhs_hint = false} : vector<8x512xf32>, vector<8x520xf32>, vector<512x520xf32> -> vector<512x520xf32>
    %sub3A_487 = arith.subf %get3A_432, %dot_general3A_486 : vector<512x520xf32>
    %integer_pow3A_488 = arith.mulf %sub3A_487, %sub3A_487 : vector<512x520xf32>
    %dot_general3A_489 = arith.constant dense<0.000000e+00> : vector<1x520xf32>
    %dot_general3A_490 = tpu.matmul %convert_element_type3A_447, %integer_pow3A_488, %dot_general3A_489 {dimension_numbers = #tpu.dot_dimension_numbers<[1], [0], [0], [1], [0, 0, 1, 1], [], []>, transpose_lhs_hint = false} : vector<1x512xf32>, vector<512x520xf32>, vector<1x520xf32> -> vector<1x520xf32>
    %get3A_491 = arith.constant 0 : index
    %get3A_492 = arith.constant 0 : index
    %get3A_493 = vector.load %arg7[%get3A_491, %get3A_492] : memref<8x520xf32, #tpu.memory_space<vmem>>, vector<8x520xf32>
    %reduce_sum3A_494 = arith.constant dense<0.000000e+00> : vector<520xf32>
    %reduce_sum3A_495 = vector.multi_reduction <add>, %get3A_493, %reduce_sum3A_494 [0] : vector<8x520xf32> to vector<520xf32>
    %broadcast_in_dim3A_496 = vector.shape_cast %reduce_sum3A_495 : vector<520xf32> to vector<1x520xf32>
    %get3A_497 = arith.constant 0 : index
    %get3A_498 = arith.constant 0 : index
    %get3A_499 = vector.load %arg8[%get3A_497, %get3A_498] : memref<4x520xf32, #tpu.memory_space<vmem>>, vector<1x520xf32>
    %mul3A_500 = arith.mulf %dot_general3A_490, %broadcast_in_dim3A_496 : vector<1x520xf32>
    %add3A_501 = arith.addf %get3A_499, %mul3A_500 : vector<1x520xf32>
    %swap3A_502 = arith.constant 0 : index
    %swap3A_503 = arith.constant 0 : index
    %swap3A_504 = vector.load %arg8[%swap3A_502, %swap3A_503] : memref<4x520xf32, #tpu.memory_space<vmem>>, vector<1x520xf32>
    tpu.vector_store %arg8[%swap3A_502, %swap3A_503], %add3A_501 {strides = array<i32>} : memref<4x520xf32, #tpu.memory_space<vmem>>, vector<1x520xf32>,
    %get3A_505 = arith.constant 1 : index
    %get3A_506 = arith.constant 0 : index
    %get3A_507 = vector.load %arg8[%get3A_505, %get3A_506] : memref<4x520xf32, #tpu.memory_space<vmem>>, vector<1x512xf32>
    %add3A_508 = arith.addf %get3A_507, %broadcast_in_dim3A_463 : vector<1x512xf32>
    %swap3A_509 = arith.constant 1 : index
    %swap3A_510 = arith.constant 0 : index
    %swap3A_511 = vector.load %arg8[%swap3A_509, %swap3A_510] : memref<4x520xf32, #tpu.memory_space<vmem>>, vector<1x512xf32>
    tpu.vector_store %arg8[%swap3A_509, %swap3A_510], %add3A_508 {strides = array<i32>} : memref<4x520xf32, #tpu.memory_space<vmem>>, vector<1x512xf32>,
    %get3A_512 = arith.constant 2 : index
    %get3A_513 = arith.constant 0 : index
    %get3A_514 = vector.load %arg8[%get3A_512, %get3A_513] : memref<4x520xf32, #tpu.memory_space<vmem>>, vector<1x520xf32>
    %add3A_515 = arith.addf %get3A_514, %dot_general3A_481 : vector<1x520xf32>
    %swap3A_516 = arith.constant 2 : index
    %swap3A_517 = arith.constant 0 : index
    %swap3A_518 = vector.load %arg8[%swap3A_516, %swap3A_517] : memref<4x520xf32, #tpu.memory_space<vmem>>, vector<1x520xf32>
    tpu.vector_store %arg8[%swap3A_516, %swap3A_517], %add3A_515 {strides = array<i32>} : memref<4x520xf32, #tpu.memory_space<vmem>>, vector<1x520xf32>,
    %get3A_519 = arith.constant 3 : index
    %get3A_520 = arith.constant 0 : index
    %get3A_521 = vector.load %arg8[%get3A_519, %get3A_520] : memref<4x520xf32, #tpu.memory_space<vmem>>, vector<1x512xf32>
    %add3A_522 = arith.addf %get3A_521, %convert_element_type3A_447 : vector<1x512xf32>
    %swap3A_523 = arith.constant 3 : index
    %swap3A_524 = arith.constant 0 : index
    %swap3A_525 = vector.load %arg8[%swap3A_523, %swap3A_524] : memref<4x520xf32, #tpu.memory_space<vmem>>, vector<1x512xf32>
    tpu.vector_store %arg8[%swap3A_523, %swap3A_524], %add3A_522 {strides = array<i32>} : memref<4x520xf32, #tpu.memory_space<vmem>>, vector<1x512xf32>,
    %mul3A_526 = arith.constant 8 : i32
    %mul3A_527 = arith.muli %arg0, %mul3A_526 : i32
    %add3A_528 = arith.constant 5 : i32
    %add3A_529 = arith.addi %mul3A_527, %add3A_528 : i32
    %get3A_530 = arith.index_cast %add3A_529 : i32 to index
    %get3A_531 = memref.load %arg1[%get3A_530] : memref<128xi32, #tpu.memory_space<smem>>
    %sub3A_532 = arith.constant 8 : i32
    %sub3A_533 = arith.subi %get3A_531, %sub3A_532 : i32
    %max3A_534 = arith.constant 0 : i32
    %max3A_535 = arith.maxsi %sub3A_533, %max3A_534 : i32
    %get3A_536 = arith.constant 5 : index
    %get3A_537 = arith.constant 0 : index
    %get3A_538 = arith.constant 0 : index
    %get3A_539 = vector.load %arg2[%get3A_536, %get3A_537, %get3A_538] : memref<8x512x520xf32, #tpu.memory_space<vmem>>, vector<1x512x520xf32>
    %get3A_540 = vector.shape_cast %get3A_539 : vector<1x512x520xf32> to vector<512x520xf32>
    %get3A_541 = arith.constant 5 : index
    %get3A_542 = arith.constant 0 : index
    %get3A_543 = arith.constant 0 : index
    %get3A_544 = vector.load %arg3[%get3A_541, %get3A_542, %get3A_543] : memref<8x8x512xf32, #tpu.memory_space<vmem>>, vector<1x8x512xf32>
    %get3A_545 = vector.shape_cast %get3A_544 : vector<1x8x512xf32> to vector<8x512xf32>
    %get3A_546 = arith.constant 5 : index
    %get3A_547 = arith.constant 0 : index
    %get3A_548 = arith.constant 0 : index
    %get3A_549 = vector.load %arg4[%get3A_546, %get3A_547, %get3A_548] : memref<8x8x512xf32, #tpu.memory_space<vmem>>, vector<1x8x512xf32>
    %get3A_550 = vector.shape_cast %get3A_549 : vector<1x8x512xf32> to vector<8x512xf32>
    %iota3A_551 = tpu.iota {dimensions = array<i32: 1>} : vector<1x512xi32>
    %lt3A_552 = vector.broadcast %max3A_535 : i32 to vector<1x512xi32>
    %lt3A_553 = arith.cmpi slt, %iota3A_551, %lt3A_552 : vector<1x512xi32>
    %convert_element_type3A_554 = arith.extui %lt3A_553 : vector<1x512xi1> to vector<1x512xi32>
    %convert_element_type3A_555 = arith.sitofp %convert_element_type3A_554 : vector<1x512xi32> to vector<1x512xf32>
    %exp3A_556 = math.exp %get3A_540 : vector<512x520xf32>
    %get3A_557 = arith.constant 0 : index
    %get3A_558 = arith.constant 0 : index
    %get3A_559 = vector.load %arg5[%get3A_557, %get3A_558] : memref<8x520xf32, #tpu.memory_space<vmem>>, vector<8x520xf32>
    %dot_general3A_560 = arith.constant dense<0.000000e+00> : vector<8x512xf32>
    %dot_general3A_561 = tpu.matmul %get3A_559, %exp3A_556, %dot_general3A_560 {dimension_numbers = #tpu.dot_dimension_numbers<[1], [1], [0], [0], [0, 0, 1, 0], [], []>, transpose_lhs_hint = false} : vector<8x520xf32>, vector<512x520xf32>, vector<8x512xf32> -> vector<8x512xf32>
    %log3A_562 = math.log %dot_general3A_561 : vector<8x512xf32>
    %iota3A_563 = tpu.iota {dimensions = array<i32: 1>} : vector<8x512xi32>
    %lt3A_564 = vector.broadcast %max3A_535 : i32 to vector<8x512xi32>
    %lt3A_565 = arith.cmpi slt, %iota3A_563, %lt3A_564 : vector<8x512xi32>
    %jit3A_566 = arith.constant 0.000000e+00 : f32
    %broadcast_in_dim3A_567 = vector.broadcast %jit3A_566 : f32 to vector<8x512xf32>
    %select_n3A_568 = arith.select %lt3A_565, %log3A_562, %broadcast_in_dim3A_567 : vector<8x512xi1>, vector<8x512xf32>
    %reduce_sum3A_569 = arith.constant dense<0.000000e+00> : vector<512xf32>
    %reduce_sum3A_570 = vector.multi_reduction <add>, %select_n3A_568, %reduce_sum3A_569 [0] : vector<8x512xf32> to vector<512xf32>
    %broadcast_in_dim3A_571 = vector.shape_cast %reduce_sum3A_570 : vector<512xf32> to vector<1x512xf32>
    %get3A_572 = arith.constant 0 : index
    %get3A_573 = arith.constant 0 : index
    %get3A_574 = vector.load %arg6[%get3A_572, %get3A_573] : memref<8x520xf32, #tpu.memory_space<vmem>>, vector<8x520xf32>
    %dot_general3A_575 = arith.constant dense<0.000000e+00> : vector<512x520xf32>
    %dot_general3A_576 = tpu.matmul %get3A_550, %get3A_574, %dot_general3A_575 {dimension_numbers = #tpu.dot_dimension_numbers<[0], [0], [1], [1], [0, 1, 1, 1], [], []>, transpose_lhs_hint = false} : vector<8x512xf32>, vector<8x520xf32>, vector<512x520xf32> -> vector<512x520xf32>
    %iota3A_577 = tpu.iota {dimensions = array<i32: 1>} : vector<512x520xi32>
    %convert_element_type3A_578 = arith.sitofp %iota3A_577 : vector<512x520xi32> to vector<512x520xf32>
    %eq3A_579 = arith.cmpf oeq, %dot_general3A_576, %convert_element_type3A_578 : vector<512x520xf32>
    %jit3A_580 = arith.constant 0.000000e+00 : f32
    %broadcast_in_dim3A_581 = vector.broadcast %jit3A_580 : f32 to vector<512x520xf32>
    %select_n3A_582 = arith.select %eq3A_579, %get3A_540, %broadcast_in_dim3A_581 : vector<512x520xi1>, vector<512x520xf32>
    %broadcast_in_dim3A_583 = arith.constant 0.000000e+00 : f32
    %broadcast_in_dim3A_584 = vector.broadcast %broadcast_in_dim3A_583 : f32 to vector<1x512xf32>
    %add3A_585 = arith.constant 1.000000e+00 : f32
    %add3A_586 = vector.broadcast %add3A_585 : f32 to vector<1x512xf32>
    %add3A_587 = arith.addf %broadcast_in_dim3A_584, %add3A_586 : vector<1x512xf32>
    %dot_general3A_588 = arith.constant dense<0.000000e+00> : vector<1x520xf32>
    %dot_general3A_589 = tpu.matmul %add3A_587, %select_n3A_582, %dot_general3A_588 {dimension_numbers = #tpu.dot_dimension_numbers<[1], [0], [0], [1], [0, 0, 1, 1], [], []>, transpose_lhs_hint = false} : vector<1x512xf32>, vector<512x520xf32>, vector<1x520xf32> -> vector<1x520xf32>
    %get3A_590 = arith.constant 0 : index
    %get3A_591 = arith.constant 0 : index
    %get3A_592 = vector.load %arg7[%get3A_590, %get3A_591] : memref<8x520xf32, #tpu.memory_space<vmem>>, vector<8x520xf32>
    %dot_general3A_593 = arith.constant dense<0.000000e+00> : vector<512x520xf32>
    %dot_general3A_594 = tpu.matmul %get3A_545, %get3A_592, %dot_general3A_593 {dimension_numbers = #tpu.dot_dimension_numbers<[0], [0], [1], [1], [0, 1, 1, 1], [], []>, transpose_lhs_hint = false} : vector<8x512xf32>, vector<8x520xf32>, vector<512x520xf32> -> vector<512x520xf32>
    %sub3A_595 = arith.subf %get3A_540, %dot_general3A_594 : vector<512x520xf32>
    %integer_pow3A_596 = arith.mulf %sub3A_595, %sub3A_595 : vector<512x520xf32>
    %dot_general3A_597 = arith.constant dense<0.000000e+00> : vector<1x520xf32>
    %dot_general3A_598 = tpu.matmul %convert_element_type3A_555, %integer_pow3A_596, %dot_general3A_597 {dimension_numbers = #tpu.dot_dimension_numbers<[1], [0], [0], [1], [0, 0, 1, 1], [], []>, transpose_lhs_hint = false} : vector<1x512xf32>, vector<512x520xf32>, vector<1x520xf32> -> vector<1x520xf32>
    %get3A_599 = arith.constant 0 : index
    %get3A_600 = arith.constant 0 : index
    %get3A_601 = vector.load %arg7[%get3A_599, %get3A_600] : memref<8x520xf32, #tpu.memory_space<vmem>>, vector<8x520xf32>
    %reduce_sum3A_602 = arith.constant dense<0.000000e+00> : vector<520xf32>
    %reduce_sum3A_603 = vector.multi_reduction <add>, %get3A_601, %reduce_sum3A_602 [0] : vector<8x520xf32> to vector<520xf32>
    %broadcast_in_dim3A_604 = vector.shape_cast %reduce_sum3A_603 : vector<520xf32> to vector<1x520xf32>
    %get3A_605 = arith.constant 0 : index
    %get3A_606 = arith.constant 0 : index
    %get3A_607 = vector.load %arg8[%get3A_605, %get3A_606] : memref<4x520xf32, #tpu.memory_space<vmem>>, vector<1x520xf32>
    %mul3A_608 = arith.mulf %dot_general3A_598, %broadcast_in_dim3A_604 : vector<1x520xf32>
    %add3A_609 = arith.addf %get3A_607, %mul3A_608 : vector<1x520xf32>
    %swap3A_610 = arith.constant 0 : index
    %swap3A_611 = arith.constant 0 : index
    %swap3A_612 = vector.load %arg8[%swap3A_610, %swap3A_611] : memref<4x520xf32, #tpu.memory_space<vmem>>, vector<1x520xf32>
    tpu.vector_store %arg8[%swap3A_610, %swap3A_611], %add3A_609 {strides = array<i32>} : memref<4x520xf32, #tpu.memory_space<vmem>>, vector<1x520xf32>,
    %get3A_613 = arith.constant 1 : index
    %get3A_614 = arith.constant 0 : index
    %get3A_615 = vector.load %arg8[%get3A_613, %get3A_614] : memref<4x520xf32, #tpu.memory_space<vmem>>, vector<1x512xf32>
    %add3A_616 = arith.addf %get3A_615, %broadcast_in_dim3A_571 : vector<1x512xf32>
    %swap3A_617 = arith.constant 1 : index
    %swap3A_618 = arith.constant 0 : index
    %swap3A_619 = vector.load %arg8[%swap3A_617, %swap3A_618] : memref<4x520xf32, #tpu.memory_space<vmem>>, vector<1x512xf32>
    tpu.vector_store %arg8[%swap3A_617, %swap3A_618], %add3A_616 {strides = array<i32>} : memref<4x520xf32, #tpu.memory_space<vmem>>, vector<1x512xf32>,
    %get3A_620 = arith.constant 2 : index
    %get3A_621 = arith.constant 0 : index
    %get3A_622 = vector.load %arg8[%get3A_620, %get3A_621] : memref<4x520xf32, #tpu.memory_space<vmem>>, vector<1x520xf32>
    %add3A_623 = arith.addf %get3A_622, %dot_general3A_589 : vector<1x520xf32>
    %swap3A_624 = arith.constant 2 : index
    %swap3A_625 = arith.constant 0 : index
    %swap3A_626 = vector.load %arg8[%swap3A_624, %swap3A_625] : memref<4x520xf32, #tpu.memory_space<vmem>>, vector<1x520xf32>
    tpu.vector_store %arg8[%swap3A_624, %swap3A_625], %add3A_623 {strides = array<i32>} : memref<4x520xf32, #tpu.memory_space<vmem>>, vector<1x520xf32>,
    %get3A_627 = arith.constant 3 : index
    %get3A_628 = arith.constant 0 : index
    %get3A_629 = vector.load %arg8[%get3A_627, %get3A_628] : memref<4x520xf32, #tpu.memory_space<vmem>>, vector<1x512xf32>
    %add3A_630 = arith.addf %get3A_629, %convert_element_type3A_555 : vector<1x512xf32>
    %swap3A_631 = arith.constant 3 : index
    %swap3A_632 = arith.constant 0 : index
    %swap3A_633 = vector.load %arg8[%swap3A_631, %swap3A_632] : memref<4x520xf32, #tpu.memory_space<vmem>>, vector<1x512xf32>
    tpu.vector_store %arg8[%swap3A_631, %swap3A_632], %add3A_630 {strides = array<i32>} : memref<4x520xf32, #tpu.memory_space<vmem>>, vector<1x512xf32>,
    %mul3A_634 = arith.constant 8 : i32
    %mul3A_635 = arith.muli %arg0, %mul3A_634 : i32
    %add3A_636 = arith.constant 6 : i32
    %add3A_637 = arith.addi %mul3A_635, %add3A_636 : i32
    %get3A_638 = arith.index_cast %add3A_637 : i32 to index
    %get3A_639 = memref.load %arg1[%get3A_638] : memref<128xi32, #tpu.memory_space<smem>>
    %sub3A_640 = arith.constant 8 : i32
    %sub3A_641 = arith.subi %get3A_639, %sub3A_640 : i32
    %max3A_642 = arith.constant 0 : i32
    %max3A_643 = arith.maxsi %sub3A_641, %max3A_642 : i32
    %get3A_644 = arith.constant 6 : index
    %get3A_645 = arith.constant 0 : index
    %get3A_646 = arith.constant 0 : index
    %get3A_647 = vector.load %arg2[%get3A_644, %get3A_645, %get3A_646] : memref<8x512x520xf32, #tpu.memory_space<vmem>>, vector<1x512x520xf32>
    %get3A_648 = vector.shape_cast %get3A_647 : vector<1x512x520xf32> to vector<512x520xf32>
    %get3A_649 = arith.constant 6 : index
    %get3A_650 = arith.constant 0 : index
    %get3A_651 = arith.constant 0 : index
    %get3A_652 = vector.load %arg3[%get3A_649, %get3A_650, %get3A_651] : memref<8x8x512xf32, #tpu.memory_space<vmem>>, vector<1x8x512xf32>
    %get3A_653 = vector.shape_cast %get3A_652 : vector<1x8x512xf32> to vector<8x512xf32>
    %get3A_654 = arith.constant 6 : index
    %get3A_655 = arith.constant 0 : index
    %get3A_656 = arith.constant 0 : index
    %get3A_657 = vector.load %arg4[%get3A_654, %get3A_655, %get3A_656] : memref<8x8x512xf32, #tpu.memory_space<vmem>>, vector<1x8x512xf32>
    %get3A_658 = vector.shape_cast %get3A_657 : vector<1x8x512xf32> to vector<8x512xf32>
    %iota3A_659 = tpu.iota {dimensions = array<i32: 1>} : vector<1x512xi32>
    %lt3A_660 = vector.broadcast %max3A_643 : i32 to vector<1x512xi32>
    %lt3A_661 = arith.cmpi slt, %iota3A_659, %lt3A_660 : vector<1x512xi32>
    %convert_element_type3A_662 = arith.extui %lt3A_661 : vector<1x512xi1> to vector<1x512xi32>
    %convert_element_type3A_663 = arith.sitofp %convert_element_type3A_662 : vector<1x512xi32> to vector<1x512xf32>
    %exp3A_664 = math.exp %get3A_648 : vector<512x520xf32>
    %get3A_665 = arith.constant 0 : index
    %get3A_666 = arith.constant 0 : index
    %get3A_667 = vector.load %arg5[%get3A_665, %get3A_666] : memref<8x520xf32, #tpu.memory_space<vmem>>, vector<8x520xf32>
    %dot_general3A_668 = arith.constant dense<0.000000e+00> : vector<8x512xf32>
    %dot_general3A_669 = tpu.matmul %get3A_667, %exp3A_664, %dot_general3A_668 {dimension_numbers = #tpu.dot_dimension_numbers<[1], [1], [0], [0], [0, 0, 1, 0], [], []>, transpose_lhs_hint = false} : vector<8x520xf32>, vector<512x520xf32>, vector<8x512xf32> -> vector<8x512xf32>
    %log3A_670 = math.log %dot_general3A_669 : vector<8x512xf32>
    %iota3A_671 = tpu.iota {dimensions = array<i32: 1>} : vector<8x512xi32>
    %lt3A_672 = vector.broadcast %max3A_643 : i32 to vector<8x512xi32>
    %lt3A_673 = arith.cmpi slt, %iota3A_671, %lt3A_672 : vector<8x512xi32>
    %jit3A_674 = arith.constant 0.000000e+00 : f32
    %broadcast_in_dim3A_675 = vector.broadcast %jit3A_674 : f32 to vector<8x512xf32>
    %select_n3A_676 = arith.select %lt3A_673, %log3A_670, %broadcast_in_dim3A_675 : vector<8x512xi1>, vector<8x512xf32>
    %reduce_sum3A_677 = arith.constant dense<0.000000e+00> : vector<512xf32>
    %reduce_sum3A_678 = vector.multi_reduction <add>, %select_n3A_676, %reduce_sum3A_677 [0] : vector<8x512xf32> to vector<512xf32>
    %broadcast_in_dim3A_679 = vector.shape_cast %reduce_sum3A_678 : vector<512xf32> to vector<1x512xf32>
    %get3A_680 = arith.constant 0 : index
    %get3A_681 = arith.constant 0 : index
    %get3A_682 = vector.load %arg6[%get3A_680, %get3A_681] : memref<8x520xf32, #tpu.memory_space<vmem>>, vector<8x520xf32>
    %dot_general3A_683 = arith.constant dense<0.000000e+00> : vector<512x520xf32>
    %dot_general3A_684 = tpu.matmul %get3A_658, %get3A_682, %dot_general3A_683 {dimension_numbers = #tpu.dot_dimension_numbers<[0], [0], [1], [1], [0, 1, 1, 1], [], []>, transpose_lhs_hint = false} : vector<8x512xf32>, vector<8x520xf32>, vector<512x520xf32> -> vector<512x520xf32>
    %iota3A_685 = tpu.iota {dimensions = array<i32: 1>} : vector<512x520xi32>
    %convert_element_type3A_686 = arith.sitofp %iota3A_685 : vector<512x520xi32> to vector<512x520xf32>
    %eq3A_687 = arith.cmpf oeq, %dot_general3A_684, %convert_element_type3A_686 : vector<512x520xf32>
    %jit3A_688 = arith.constant 0.000000e+00 : f32
    %broadcast_in_dim3A_689 = vector.broadcast %jit3A_688 : f32 to vector<512x520xf32>
    %select_n3A_690 = arith.select %eq3A_687, %get3A_648, %broadcast_in_dim3A_689 : vector<512x520xi1>, vector<512x520xf32>
    %broadcast_in_dim3A_691 = arith.constant 0.000000e+00 : f32
    %broadcast_in_dim3A_692 = vector.broadcast %broadcast_in_dim3A_691 : f32 to vector<1x512xf32>
    %add3A_693 = arith.constant 1.000000e+00 : f32
    %add3A_694 = vector.broadcast %add3A_693 : f32 to vector<1x512xf32>
    %add3A_695 = arith.addf %broadcast_in_dim3A_692, %add3A_694 : vector<1x512xf32>
    %dot_general3A_696 = arith.constant dense<0.000000e+00> : vector<1x520xf32>
    %dot_general3A_697 = tpu.matmul %add3A_695, %select_n3A_690, %dot_general3A_696 {dimension_numbers = #tpu.dot_dimension_numbers<[1], [0], [0], [1], [0, 0, 1, 1], [], []>, transpose_lhs_hint = false} : vector<1x512xf32>, vector<512x520xf32>, vector<1x520xf32> -> vector<1x520xf32>
    %get3A_698 = arith.constant 0 : index
    %get3A_699 = arith.constant 0 : index
    %get3A_700 = vector.load %arg7[%get3A_698, %get3A_699] : memref<8x520xf32, #tpu.memory_space<vmem>>, vector<8x520xf32>
    %dot_general3A_701 = arith.constant dense<0.000000e+00> : vector<512x520xf32>
    %dot_general3A_702 = tpu.matmul %get3A_653, %get3A_700, %dot_general3A_701 {dimension_numbers = #tpu.dot_dimension_numbers<[0], [0], [1], [1], [0, 1, 1, 1], [], []>, transpose_lhs_hint = false} : vector<8x512xf32>, vector<8x520xf32>, vector<512x520xf32> -> vector<512x520xf32>
    %sub3A_703 = arith.subf %get3A_648, %dot_general3A_702 : vector<512x520xf32>
    %integer_pow3A_704 = arith.mulf %sub3A_703, %sub3A_703 : vector<512x520xf32>
    %dot_general3A_705 = arith.constant dense<0.000000e+00> : vector<1x520xf32>
    %dot_general3A_706 = tpu.matmul %convert_element_type3A_663, %integer_pow3A_704, %dot_general3A_705 {dimension_numbers = #tpu.dot_dimension_numbers<[1], [0], [0], [1], [0, 0, 1, 1], [], []>, transpose_lhs_hint = false} : vector<1x512xf32>, vector<512x520xf32>, vector<1x520xf32> -> vector<1x520xf32>
    %get3A_707 = arith.constant 0 : index
    %get3A_708 = arith.constant 0 : index
    %get3A_709 = vector.load %arg7[%get3A_707, %get3A_708] : memref<8x520xf32, #tpu.memory_space<vmem>>, vector<8x520xf32>
    %reduce_sum3A_710 = arith.constant dense<0.000000e+00> : vector<520xf32>
    %reduce_sum3A_711 = vector.multi_reduction <add>, %get3A_709, %reduce_sum3A_710 [0] : vector<8x520xf32> to vector<520xf32>
    %broadcast_in_dim3A_712 = vector.shape_cast %reduce_sum3A_711 : vector<520xf32> to vector<1x520xf32>
    %get3A_713 = arith.constant 0 : index
    %get3A_714 = arith.constant 0 : index
    %get3A_715 = vector.load %arg8[%get3A_713, %get3A_714] : memref<4x520xf32, #tpu.memory_space<vmem>>, vector<1x520xf32>
    %mul3A_716 = arith.mulf %dot_general3A_706, %broadcast_in_dim3A_712 : vector<1x520xf32>
    %add3A_717 = arith.addf %get3A_715, %mul3A_716 : vector<1x520xf32>
    %swap3A_718 = arith.constant 0 : index
    %swap3A_719 = arith.constant 0 : index
    %swap3A_720 = vector.load %arg8[%swap3A_718, %swap3A_719] : memref<4x520xf32, #tpu.memory_space<vmem>>, vector<1x520xf32>
    tpu.vector_store %arg8[%swap3A_718, %swap3A_719], %add3A_717 {strides = array<i32>} : memref<4x520xf32, #tpu.memory_space<vmem>>, vector<1x520xf32>,
    %get3A_721 = arith.constant 1 : index
    %get3A_722 = arith.constant 0 : index
    %get3A_723 = vector.load %arg8[%get3A_721, %get3A_722] : memref<4x520xf32, #tpu.memory_space<vmem>>, vector<1x512xf32>
    %add3A_724 = arith.addf %get3A_723, %broadcast_in_dim3A_679 : vector<1x512xf32>
    %swap3A_725 = arith.constant 1 : index
    %swap3A_726 = arith.constant 0 : index
    %swap3A_727 = vector.load %arg8[%swap3A_725, %swap3A_726] : memref<4x520xf32, #tpu.memory_space<vmem>>, vector<1x512xf32>
    tpu.vector_store %arg8[%swap3A_725, %swap3A_726], %add3A_724 {strides = array<i32>} : memref<4x520xf32, #tpu.memory_space<vmem>>, vector<1x512xf32>,
    %get3A_728 = arith.constant 2 : index
    %get3A_729 = arith.constant 0 : index
    %get3A_730 = vector.load %arg8[%get3A_728, %get3A_729] : memref<4x520xf32, #tpu.memory_space<vmem>>, vector<1x520xf32>
    %add3A_731 = arith.addf %get3A_730, %dot_general3A_697 : vector<1x520xf32>
    %swap3A_732 = arith.constant 2 : index
    %swap3A_733 = arith.constant 0 : index
    %swap3A_734 = vector.load %arg8[%swap3A_732, %swap3A_733] : memref<4x520xf32, #tpu.memory_space<vmem>>, vector<1x520xf32>
    tpu.vector_store %arg8[%swap3A_732, %swap3A_733], %add3A_731 {strides = array<i32>} : memref<4x520xf32, #tpu.memory_space<vmem>>, vector<1x520xf32>,
    %get3A_735 = arith.constant 3 : index
    %get3A_736 = arith.constant 0 : index
    %get3A_737 = vector.load %arg8[%get3A_735, %get3A_736] : memref<4x520xf32, #tpu.memory_space<vmem>>, vector<1x512xf32>
    %add3A_738 = arith.addf %get3A_737, %convert_element_type3A_663 : vector<1x512xf32>
    %swap3A_739 = arith.constant 3 : index
    %swap3A_740 = arith.constant 0 : index
    %swap3A_741 = vector.load %arg8[%swap3A_739, %swap3A_740] : memref<4x520xf32, #tpu.memory_space<vmem>>, vector<1x512xf32>
    tpu.vector_store %arg8[%swap3A_739, %swap3A_740], %add3A_738 {strides = array<i32>} : memref<4x520xf32, #tpu.memory_space<vmem>>, vector<1x512xf32>,
    %mul3A_742 = arith.constant 8 : i32
    %mul3A_743 = arith.muli %arg0, %mul3A_742 : i32
    %add3A_744 = arith.constant 7 : i32
    %add3A_745 = arith.addi %mul3A_743, %add3A_744 : i32
    %get3A_746 = arith.index_cast %add3A_745 : i32 to index
    %get3A_747 = memref.load %arg1[%get3A_746] : memref<128xi32, #tpu.memory_space<smem>>
    %sub3A_748 = arith.constant 8 : i32
    %sub3A_749 = arith.subi %get3A_747, %sub3A_748 : i32
    %max3A_750 = arith.constant 0 : i32
    %max3A_751 = arith.maxsi %sub3A_749, %max3A_750 : i32
    %get3A_752 = arith.constant 7 : index
    %get3A_753 = arith.constant 0 : index
    %get3A_754 = arith.constant 0 : index
    %get3A_755 = vector.load %arg2[%get3A_752, %get3A_753, %get3A_754] : memref<8x512x520xf32, #tpu.memory_space<vmem>>, vector<1x512x520xf32>
    %get3A_756 = vector.shape_cast %get3A_755 : vector<1x512x520xf32> to vector<512x520xf32>
    %get3A_757 = arith.constant 7 : index
    %get3A_758 = arith.constant 0 : index
    %get3A_759 = arith.constant 0 : index
    %get3A_760 = vector.load %arg3[%get3A_757, %get3A_758, %get3A_759] : memref<8x8x512xf32, #tpu.memory_space<vmem>>, vector<1x8x512xf32>
    %get3A_761 = vector.shape_cast %get3A_760 : vector<1x8x512xf32> to vector<8x512xf32>
    %get3A_762 = arith.constant 7 : index
    %get3A_763 = arith.constant 0 : index
    %get3A_764 = arith.constant 0 : index
    %get3A_765 = vector.load %arg4[%get3A_762, %get3A_763, %get3A_764] : memref<8x8x512xf32, #tpu.memory_space<vmem>>, vector<1x8x512xf32>
    %get3A_766 = vector.shape_cast %get3A_765 : vector<1x8x512xf32> to vector<8x512xf32>
    %iota3A_767 = tpu.iota {dimensions = array<i32: 1>} : vector<1x512xi32>
    %lt3A_768 = vector.broadcast %max3A_751 : i32 to vector<1x512xi32>
    %lt3A_769 = arith.cmpi slt, %iota3A_767, %lt3A_768 : vector<1x512xi32>
    %convert_element_type3A_770 = arith.extui %lt3A_769 : vector<1x512xi1> to vector<1x512xi32>
    %convert_element_type3A_771 = arith.sitofp %convert_element_type3A_770 : vector<1x512xi32> to vector<1x512xf32>
    %exp3A_772 = math.exp %get3A_756 : vector<512x520xf32>
    %get3A_773 = arith.constant 0 : index
    %get3A_774 = arith.constant 0 : index
    %get3A_775 = vector.load %arg5[%get3A_773, %get3A_774] : memref<8x520xf32, #tpu.memory_space<vmem>>, vector<8x520xf32>
    %dot_general3A_776 = arith.constant dense<0.000000e+00> : vector<8x512xf32>
    %dot_general3A_777 = tpu.matmul %get3A_775, %exp3A_772, %dot_general3A_776 {dimension_numbers = #tpu.dot_dimension_numbers<[1], [1], [0], [0], [0, 0, 1, 0], [], []>, transpose_lhs_hint = false} : vector<8x520xf32>, vector<512x520xf32>, vector<8x512xf32> -> vector<8x512xf32>
    %log3A_778 = math.log %dot_general3A_777 : vector<8x512xf32>
    %iota3A_779 = tpu.iota {dimensions = array<i32: 1>} : vector<8x512xi32>
    %lt3A_780 = vector.broadcast %max3A_751 : i32 to vector<8x512xi32>
    %lt3A_781 = arith.cmpi slt, %iota3A_779, %lt3A_780 : vector<8x512xi32>
    %jit3A_782 = arith.constant 0.000000e+00 : f32
    %broadcast_in_dim3A_783 = vector.broadcast %jit3A_782 : f32 to vector<8x512xf32>
    %select_n3A_784 = arith.select %lt3A_781, %log3A_778, %broadcast_in_dim3A_783 : vector<8x512xi1>, vector<8x512xf32>
    %reduce_sum3A_785 = arith.constant dense<0.000000e+00> : vector<512xf32>
    %reduce_sum3A_786 = vector.multi_reduction <add>, %select_n3A_784, %reduce_sum3A_785 [0] : vector<8x512xf32> to vector<512xf32>
    %broadcast_in_dim3A_787 = vector.shape_cast %reduce_sum3A_786 : vector<512xf32> to vector<1x512xf32>
    %get3A_788 = arith.constant 0 : index
    %get3A_789 = arith.constant 0 : index
    %get3A_790 = vector.load %arg6[%get3A_788, %get3A_789] : memref<8x520xf32, #tpu.memory_space<vmem>>, vector<8x520xf32>
    %dot_general3A_791 = arith.constant dense<0.000000e+00> : vector<512x520xf32>
    %dot_general3A_792 = tpu.matmul %get3A_766, %get3A_790, %dot_general3A_791 {dimension_numbers = #tpu.dot_dimension_numbers<[0], [0], [1], [1], [0, 1, 1, 1], [], []>, transpose_lhs_hint = false} : vector<8x512xf32>, vector<8x520xf32>, vector<512x520xf32> -> vector<512x520xf32>
    %iota3A_793 = tpu.iota {dimensions = array<i32: 1>} : vector<512x520xi32>
    %convert_element_type3A_794 = arith.sitofp %iota3A_793 : vector<512x520xi32> to vector<512x520xf32>
    %eq3A_795 = arith.cmpf oeq, %dot_general3A_792, %convert_element_type3A_794 : vector<512x520xf32>
    %jit3A_796 = arith.constant 0.000000e+00 : f32
    %broadcast_in_dim3A_797 = vector.broadcast %jit3A_796 : f32 to vector<512x520xf32>
    %select_n3A_798 = arith.select %eq3A_795, %get3A_756, %broadcast_in_dim3A_797 : vector<512x520xi1>, vector<512x520xf32>
    %broadcast_in_dim3A_799 = arith.constant 0.000000e+00 : f32
    %broadcast_in_dim3A_800 = vector.broadcast %broadcast_in_dim3A_799 : f32 to vector<1x512xf32>
    %add3A_801 = arith.constant 1.000000e+00 : f32
    %add3A_802 = vector.broadcast %add3A_801 : f32 to vector<1x512xf32>
    %add3A_803 = arith.addf %broadcast_in_dim3A_800, %add3A_802 : vector<1x512xf32>
    %dot_general3A_804 = arith.constant dense<0.000000e+00> : vector<1x520xf32>
    %dot_general3A_805 = tpu.matmul %add3A_803, %select_n3A_798, %dot_general3A_804 {dimension_numbers = #tpu.dot_dimension_numbers<[1], [0], [0], [1], [0, 0, 1, 1], [], []>, transpose_lhs_hint = false} : vector<1x512xf32>, vector<512x520xf32>, vector<1x520xf32> -> vector<1x520xf32>
    %get3A_806 = arith.constant 0 : index
    %get3A_807 = arith.constant 0 : index
    %get3A_808 = vector.load %arg7[%get3A_806, %get3A_807] : memref<8x520xf32, #tpu.memory_space<vmem>>, vector<8x520xf32>
    %dot_general3A_809 = arith.constant dense<0.000000e+00> : vector<512x520xf32>
    %dot_general3A_810 = tpu.matmul %get3A_761, %get3A_808, %dot_general3A_809 {dimension_numbers = #tpu.dot_dimension_numbers<[0], [0], [1], [1], [0, 1, 1, 1], [], []>, transpose_lhs_hint = false} : vector<8x512xf32>, vector<8x520xf32>, vector<512x520xf32> -> vector<512x520xf32>
    %sub3A_811 = arith.subf %get3A_756, %dot_general3A_810 : vector<512x520xf32>
    %integer_pow3A_812 = arith.mulf %sub3A_811, %sub3A_811 : vector<512x520xf32>
    %dot_general3A_813 = arith.constant dense<0.000000e+00> : vector<1x520xf32>
    %dot_general3A_814 = tpu.matmul %convert_element_type3A_771, %integer_pow3A_812, %dot_general3A_813 {dimension_numbers = #tpu.dot_dimension_numbers<[1], [0], [0], [1], [0, 0, 1, 1], [], []>, transpose_lhs_hint = false} : vector<1x512xf32>, vector<512x520xf32>, vector<1x520xf32> -> vector<1x520xf32>
    %get3A_815 = arith.constant 0 : index
    %get3A_816 = arith.constant 0 : index
    %get3A_817 = vector.load %arg7[%get3A_815, %get3A_816] : memref<8x520xf32, #tpu.memory_space<vmem>>, vector<8x520xf32>
    %reduce_sum3A_818 = arith.constant dense<0.000000e+00> : vector<520xf32>
    %reduce_sum3A_819 = vector.multi_reduction <add>, %get3A_817, %reduce_sum3A_818 [0] : vector<8x520xf32> to vector<520xf32>
    %broadcast_in_dim3A_820 = vector.shape_cast %reduce_sum3A_819 : vector<520xf32> to vector<1x520xf32>
    %get3A_821 = arith.constant 0 : index
    %get3A_822 = arith.constant 0 : index
    %get3A_823 = vector.load %arg8[%get3A_821, %get3A_822] : memref<4x520xf32, #tpu.memory_space<vmem>>, vector<1x520xf32>
    %mul3A_824 = arith.mulf %dot_general3A_814, %broadcast_in_dim3A_820 : vector<1x520xf32>
    %add3A_825 = arith.addf %get3A_823, %mul3A_824 : vector<1x520xf32>
    %swap3A_826 = arith.constant 0 : index
    %swap3A_827 = arith.constant 0 : index
    %swap3A_828 = vector.load %arg8[%swap3A_826, %swap3A_827] : memref<4x520xf32, #tpu.memory_space<vmem>>, vector<1x520xf32>
    tpu.vector_store %arg8[%swap3A_826, %swap3A_827], %add3A_825 {strides = array<i32>} : memref<4x520xf32, #tpu.memory_space<vmem>>, vector<1x520xf32>,
    %get3A_829 = arith.constant 1 : index
    %get3A_830 = arith.constant 0 : index
    %get3A_831 = vector.load %arg8[%get3A_829, %get3A_830] : memref<4x520xf32, #tpu.memory_space<vmem>>, vector<1x512xf32>
    %add3A_832 = arith.addf %get3A_831, %broadcast_in_dim3A_787 : vector<1x512xf32>
    %swap3A_833 = arith.constant 1 : index
    %swap3A_834 = arith.constant 0 : index
    %swap3A_835 = vector.load %arg8[%swap3A_833, %swap3A_834] : memref<4x520xf32, #tpu.memory_space<vmem>>, vector<1x512xf32>
    tpu.vector_store %arg8[%swap3A_833, %swap3A_834], %add3A_832 {strides = array<i32>} : memref<4x520xf32, #tpu.memory_space<vmem>>, vector<1x512xf32>,
    %get3A_836 = arith.constant 2 : index
    %get3A_837 = arith.constant 0 : index
    %get3A_838 = vector.load %arg8[%get3A_836, %get3A_837] : memref<4x520xf32, #tpu.memory_space<vmem>>, vector<1x520xf32>
    %add3A_839 = arith.addf %get3A_838, %dot_general3A_805 : vector<1x520xf32>
    %swap3A_840 = arith.constant 2 : index
    %swap3A_841 = arith.constant 0 : index
    %swap3A_842 = vector.load %arg8[%swap3A_840, %swap3A_841] : memref<4x520xf32, #tpu.memory_space<vmem>>, vector<1x520xf32>
    tpu.vector_store %arg8[%swap3A_840, %swap3A_841], %add3A_839 {strides = array<i32>} : memref<4x520xf32, #tpu.memory_space<vmem>>, vector<1x520xf32>,
    %get3A_843 = arith.constant 3 : index
    %get3A_844 = arith.constant 0 : index
    %get3A_845 = vector.load %arg8[%get3A_843, %get3A_844] : memref<4x520xf32, #tpu.memory_space<vmem>>, vector<1x512xf32>
    %add3A_846 = arith.addf %get3A_845, %convert_element_type3A_771 : vector<1x512xf32>
    %swap3A_847 = arith.constant 3 : index
    %swap3A_848 = arith.constant 0 : index
    %swap3A_849 = vector.load %arg8[%swap3A_847, %swap3A_848] : memref<4x520xf32, #tpu.memory_space<vmem>>, vector<1x512xf32>
    tpu.vector_store %arg8[%swap3A_847, %swap3A_848], %add3A_846 {strides = array<i32>} : memref<4x520xf32, #tpu.memory_space<vmem>>, vector<1x512xf32>,
    return
  }
  func.func @transform_0(%arg0: i32) -> i32 {
    %c0_i32 = arith.constant 0 : i32
    %c0_i32_0 = arith.constant 0 : i32
    return %c0_i32 : i32
  }
  func.func @transform_1(%arg0: i32) -> (i32, i32, i32) {
    %c0_i32 = arith.constant 0 : i32
    %c0_i32_0 = arith.constant 0 : i32
    %c0_i32_1 = arith.constant 0 : i32
    return %arg0, %c0_i32, %c0_i32_0 : i32, i32, i32
  }
  func.func @transform_2(%arg0: i32) -> (i32, i32, i32) {
    %c0_i32 = arith.constant 0 : i32
    %c0_i32_0 = arith.constant 0 : i32
    %c0_i32_1 = arith.constant 0 : i32
    return %arg0, %c0_i32, %c0_i32_0 : i32, i32, i32
  }
  func.func @transform_3(%arg0: i32) -> (i32, i32, i32) {
    %c0_i32 = arith.constant 0 : i32
    %c0_i32_0 = arith.constant 0 : i32
    %c0_i32_1 = arith.constant 0 : i32
    return %arg0, %c0_i32, %c0_i32_0 : i32, i32, i32
  }
  func.func @transform_4(%arg0: i32) -> (i32, i32) {
    %c0_i32 = arith.constant 0 : i32
    %c0_i32_0 = arith.constant 0 : i32
    %c0_i32_1 = arith.constant 0 : i32
    return %c0_i32, %c0_i32_0 : i32, i32
  }
  func.func @transform_5(%arg0: i32) -> (i32, i32) {
    %c0_i32 = arith.constant 0 : i32
    %c0_i32_0 = arith.constant 0 : i32
    %c0_i32_1 = arith.constant 0 : i32
    return %c0_i32, %c0_i32_0 : i32, i32
  }
  func.func @transform_6(%arg0: i32) -> (i32, i32) {
    %c0_i32 = arith.constant 0 : i32
    %c0_i32_0 = arith.constant 0 : i32
    %c0_i32_1 = arith.constant 0 : i32
    return %c0_i32, %c0_i32_0 : i32, i32
  }
  func.func @transform_7(%arg0: i32) -> (i32, i32) {
    %c0_i32 = arith.constant 0 : i32
    %c0_i32_0 = arith.constant 0 : i32
    %c0_i32_1 = arith.constant 0 : i32
    return %c0_i32, %c0_i32_0 : i32, i32
  }
}

</mosaic_0001>

<sc_bundles>
// kernel: kernel.4.cloned.1.call-start
scs
__scs_entry_jumppad:
0x0: {  	(pc) =	sbr.rel $0x88, $3  }
0x1: {  	(tag) =	ssettag $0x0;
	lr =	simm.s32 $0x1  }
0x2: {  	[smem:$0x3F9D] =	sst lr;
	_ =	strace $0xD0000000  }
0x3: {  	_ = 	snop  }
0x4: {  	_ = 	snop  }
0x5: {  	_ = 	snop  }
0x6: {  	_ = 	snop  }
0x7: {  	_ = 	snop  }
__scs_overlays_trampoline_lowered:
0x8: {  	[smem:$0x3FAC] =	sst s0  }
0x9: {  	[smem:$0x3FAD] =	sst s1  }
0xa: {  	[smem:$0x3FAE] =	sst s2  }
0xb: {  	[smem:$0x3FAF] =	sst s3  }
0xc: {  	[smem:$0x3FB0] =	sst s4  }
0xd: {  	[smem:$0x3FB1] =	sst s5  }
0xe: {  	[smem:$0x3FB2] =	sst s6  }
0xf: {  	[smem:$0x3FB3] =	sst s7  }
0x10: {  	[smem:$0x3FB4] =	sst s8  }
0x11: {  	[smem:$0x3FB5] =	sst s9;
	s0 =	simm.s32 @!p0 $0x0  }
0x12: {  	s1 =	sld [smem:$0x3F9B];
	s0 =	simm.s32 @p0 $0x1  }
0x13: {  	[smem:$0x3FB6] =	sst s0;
	s0 =	simm.s32 @!p1 $0x0  }
0x14: {  	s2 =	sld [smem:$0x3F9A];
	s0 =	simm.s32 @p1 $0x1  }
0x15: {  	[smem:$0x3FB7] =	sst s0;
	s0 =	simm.s32 @!p2 $0x0  }
0x16: {  	s3 =	sld [smem:$0x3FDB];
	s0 =	simm.s32 @p2 $0x1  }
0x17: {  	s4 =	simm.s32 $0x1BF5;
	[smem:$0x3FB9] =	sst s0  }
0x18: {  	s0 =	sld [smem:$0x3F9C];
	_ =	swait.ge [sflag:s4], $0x0  }
0x19: {  	s7 =	sld [smem:$0x3F9D]  }
0x1a: {  	s8 =	sadd.s32 $0xFFFFE003, lr  }
0x1b: {  	s9 =	sadd.s32 $0xFFFFFEF7, lr;
	s5 =	simm.s32 $0xFFFFFFFF;
	p2 =	slt.u32 s8, $0xFFFFF086  }
0x1c: {  	p1 =	slt.u32 s9, $0xF7A;
	s5 =	simm.s32 @!p2 $0x0  }
0x1d: {  	s5 =	simm.s32 @p1 $0x1;
	p0 =	seq.s32 s7, s2  }
0x1e: {  	s7 =	smul.u32 @!p0 $0xF7A, s2;
	p2 =	seq.s32 @!p0 s5, $0x0  }
0x1f: {  	s9 =	smul.u32 $0xF7A, s1;
	s8 =	simm.s32 @!p0 $0x1BF5;
	p2 =	por !p2, p0  }
0x20: {  	[sflag:s8] =	ssyncset.s32 @!p0 $0xFFFFF086;
	s6 =	sadd.s32 @!p0 s3, s7;
	s7 =	simm.s32 @!p0 $0x108  }
0x21: {  	s3 =	sadd.s32 s3, s9;
	s6 =	sadd.s32 @!p0 $0x88, s6;
	s7 =	simm.s32 @p2 $0x1082  }
0x22: {  	[simem:s7], [sflag:s8] =	dma.local @!p0 [hbm:s6], $0xF7A  }
0x23: {  	s9 =	sor.u32 $0xD0000000, s2;
	s6 =	simm.s32 $0x108;
	_ =	swait.ge @!p0 [sflag:s8], $0x0  }
0x24: {  	s3 =	sadd.s32 $0x88, s3;
	s6 =	simm.s32 @!p1 $0x1082;
	[sflag:s4] =	ssyncset.s32 $0xFFFFF086  }
0x25: {  	[simem:s6], [sflag:s4] =	dma.local [hbm:s3], $0xF7A  }
0x26: {  	[smem:$0x3F9D] =	sst s1;
	(tag) =	ssettag s2;
	_ =	strace s9  }
0x27: {  	s1 =	sld [smem:$0x3FAD]  }
0x28: {  	s2 =	sld [smem:$0x3FAE]  }
0x29: {  	s4 =	sld [smem:$0x3FB0]  }
0x2a: {  	p0 =	seq.s32 s5, $0x0;
	s5 =	sld [smem:$0x3FB1]  }
0x2b: {  	s6 =	sld [smem:$0x3FB2]  }
0x2c: {  	s7 =	sld [smem:$0x3FB3]  }
0x2d: {  	s3 =	simm.s32 $0x108;
	s8 =	sld [smem:$0x3FB4]  }
0x2e: {  	s3 =	simm.s32 @!p0 $0x1082;
	s9 =	sld [smem:$0x3FB5]  }
0x2f: {  	lr =	sadd.s32 s0, s3;
	s0 =	sld [smem:$0x3FAC]  }
0x30: {  	s3 =	sld [smem:$0x3FAF]  }
0x31: {  	[smem:$0x3FB8] =	sst s10  }
0x32: {  	s10 =	sld [smem:$0x3FB6];
	_ =	sdelay $0x3  }
0x33: {  	p0 =	seq.s32 s10, $0x1;
	s10 =	sld [smem:$0x3FB8];
	_ =	sdelay $0x3  }
0x34: {  	[smem:$0x3FB8] =	sst s10  }
0x35: {  	s10 =	sld [smem:$0x3FB7];
	_ =	sdelay $0x3  }
0x36: {  	p1 =	seq.s32 s10, $0x1;
	s10 =	sld [smem:$0x3FB8];
	_ =	sdelay $0x3  }
0x37: {  	[smem:$0x3FB8] =	sst s10  }
0x38: {  	s10 =	sld [smem:$0x3FB9]  }
0x39: {  	_ = 	snop;
	(pc) =	sbr.ind lr, $3  }
0x3a: {  	_ = 	snop  }
0x3b: {  	_ = 	snop  }
0x3c: {  	p2 =	seq.s32 s10, $0x1;
	s10 =	sld [smem:$0x3FB8]  }
0x3d: {  	_ =	shalt  }
0x3e: {  	_ =	shalt  }
0x3f: {  	_ =	shalt  }
0x40: {  	_ =	shalt  }
0x41: {  	_ =	shalt  }
0x42: {  	_ =	shalt  }
0x43: {  	_ =	shalt  }
0x44: {  	_ =	shalt  }
0x45: {  	_ =	shalt  }
0x46: {  	_ =	shalt  }
0x47: {  	_ =	shalt  }
0x48: {  	_ =	shalt  }
0x49: {  	_ =	shalt  }
0x4a: {  	_ =	shalt  }
0x4b: {  	_ =	shalt  }
0x4c: {  	_ =	shalt  }
0x4d: {  	_ =	shalt  }
0x4e: {  	_ =	shalt  }
0x4f: {  	_ =	shalt  }
0x50: {  	_ =	shalt  }
0x51: {  	_ =	shalt  }
0x52: {  	_ =	shalt  }
0x53: {  	_ =	shalt  }
0x54: {  	_ =	shalt  }
0x55: {  	_ =	shalt  }
0x56: {  	_ =	shalt  }
0x57: {  	_ =	shalt  }
0x58: {  	_ =	shalt  }
0x59: {  	_ =	shalt  }
0x5a: {  	_ =	shalt  }
0x5b: {  	_ =	shalt  }
0x5c: {  	_ =	shalt  }
0x5d: {  	_ =	shalt  }
0x5e: {  	_ =	shalt  }
0x5f: {  	_ =	shalt  }
0x60: {  	_ =	shalt  }
0x61: {  	_ =	shalt  }
0x62: {  	_ =	shalt  }
0x63: {  	_ =	shalt  }
0x64: {  	_ =	shalt  }
0x65: {  	_ =	shalt  }
0x66: {  	_ =	shalt  }
0x67: {  	_ =	shalt  }
0x68: {  	_ =	shalt  }
0x69: {  	_ =	shalt  }
0x6a: {  	_ =	shalt  }
0x6b: {  	_ =	shalt  }
0x6c: {  	_ =	shalt  }
0x6d: {  	_ =	shalt  }
0x6e: {  	_ =	shalt  }
0x6f: {  	_ =	shalt  }
0x70: {  	_ =	shalt  }
0x71: {  	_ =	shalt  }
0x72: {  	_ =	shalt  }
0x73: {  	_ =	shalt  }
0x74: {  	_ =	shalt  }
0x75: {  	_ =	shalt  }
0x76: {  	_ =	shalt  }
0x77: {  	_ =	shalt  }
0x78: {  	_ =	shalt  }
0x79: {  	_ =	shalt  }
0x7a: {  	_ =	shalt  }
0x7b: {  	_ =	shalt  }
0x7c: {  	_ =	shalt  }
0x7d: {  	_ =	shalt  }
0x7e: {  	_ =	shalt  }
0x7f: {  	_ =	shalt  }
0x80: {  	_ =	shalt  }
0x81: {  	_ =	shalt  }
0x82: {  	_ =	shalt  }
0x83: {  	_ =	shalt  }
0x84: {  	_ =	shalt  }
0x85: {  	_ =	shalt  }
0x86: {  	_ =	shalt  }
0x87: {  	_ =	shalt  }
.Lfunc_end0:
.L_simem_size_0:
called_computation_lowered:
.L_overlay_start_0:
0x88: {  	s2 =	sld [smem:$0x3FD9]  }
0x89: {  	s3 =	sld [smem:$0x3FFE];
	_ =	sdelay $0x1  }
0x8a: {  	s1 =	srdreg.scid  }
0x8b: {  	s0 =	sand.u32 $0x1, s1  }
0x8c: {  	s17 =	sshll.u32 s0, $0xA;
	s2 =	sadd.s32 s3, s2  }
0x8d: {  	s2 =	sadd.s32 s2, s17  }
0x8e: {  	[smem:$0x3FC4] =	sst s2  }
0x8f: {  	_ = 	snop  }
0x90: {  	s2 =	sld [smem:$0x3FC9]  }
0x91: {  	s18 =	sld [smem:$0x3FC8]  }
0x92: {  	s4 =	sld [smem:$0x3FC7];
	(tm) =	ssettm $0x1  }
0x93: {  	s5 =	sld [smem:$0x3FFB];
	_ =	sdelay $0x3  }
0x94: {  	_ =	strace s5  }
0x95: {  	s5 =	sld [smem:$0x3FFC];
	_ =	sdelay $0x3  }
0x96: {  	_ =	strace s5  }
0x97: {  	s5 =	sld [smem:$0x3FFD];
	_ =	sdelay $0x3  }
0x98: {  	_ =	strace s5  }
0x99: {  	_ =	strace $0x8FFFFFFF  }
0x9a: {  	s19 =	sld [smem:$0x3FDB];
	_ =	sdelay $0x1  }
0x9b: {  	s6 =	simm.s32 $_scs_section_size  }
0x9c: {  	s7 =	simm.s32 $_size__tile_overlayer_lowered;
	s8 =	simm.s32 $_tile_overlayer_lowered  }
0x9d: {  	s22 =	simm.s32 $0x1BFF;
	s21 =	sshll.u32 s8, $0x1;
	s5 =	sadd.s32 s6, s19  }
0x9e: {  	s9 =	simm.s32 $0x0;
	s20 =	sshll.u32 s7, $0x1;
	s7 =	sadd.s32 s21, s5  }
0x9f: {  	[timem:s9], [sflag:s22] =	dma.local [hbm:s7], s20  }
0xa0: {  	_ =	swait.ge [sflag:s22], s20  }
0xa1: {  	s6 =	ssub.s32 $0x0, s20;
	[sflag:s22] =	ssyncset.done $0x0  }
0xa2: {  	[sflag:s22] =	ssyncadd.s32 s6;
	_ =	sdelay $0x1  }
0xa3: {  	s23 =	simm.s32 $0x1B8B  }
0xa4: {  	_ =	swait.ge [sflag:s23], $0x1  }
0xa5: {  	[sflag:s23] =	ssyncset.done $0x0  }
0xa6: {  	s25 =	simm.s32 $0x1B8E;
	s24 =	sld [smem:$0x3FFE];
	[sflag:s23] =	ssyncadd.s32 $0xFFFFFFFF  }
0xa7: {  	s26 =	simm.s32 $execute0_lowered;
	[smem:$0x3FD2] =	sst s25  }
0xa8: {  	s7 =	sshll.u32 s26, $0x1;
	_ =	strace $0x80000046;
	[dreg:$0x1] =	wrdreg $0xFFFFFFFF  }
0xa9: {  	s28 =	simm.s32 $_size_execute0_lowered;
	s5 =	sadd.s32 s5, s7;
	[dreg:$0x0] =	wrdreg $0x0  }
0xaa: {  	s7 =	sshll.u32 s28, $0x1;
	[dreg:$0x2] =	wrdreg s5  }
0xab: {  	[dreg:$0x3] =	wrdreg s7  }
0xac: {  	[dreg:$0x4] =	wrdreg $0xC0  }
0xad: {  	_ =	task [dreg:s9], $0x5FFFF  }
0xae: {  	[dreg:$0x1] =	wrdreg $0xFFFFFFFF  }
0xaf: {  	[dreg:$0x0] =	wrdreg $0x60  }
0xb0: {  	[dreg:$0x2] =	wrdreg s2  }
0xb1: {  	[dreg:$0x3] =	wrdreg s18  }
0xb2: {  	[dreg:$0x4] =	wrdreg s4  }
0xb3: {  	[dreg:$0x5] =	wrdreg s24  }
0xb4: {  	[dreg:$0x6] =	wrdreg $0x9  }
0xb5: {  	_ =	task.clear_ibuf [dreg:s9], $0x7FFFF;
	_ =	strace $0x90000046  }
0xb6: {  	s29 =	simm.s32 $0x9;
	_ =	strace $0x80000048  }
0xb7: {  	_ =	swait.ge [sflag:s29], $0x1  }
0xb8: {  	[sflag:s29] =	ssyncadd.s32 $0xFFFFFFFF  }
0xb9: {  	_ =	strace $0x90000048  }
0xba: {  	_ =	sfence  }
0xbb: {  	s30 =	sld [smem:$0x0];
	_ =	sdelay $0x2  }
0xbc: {  	s31 =	sshll.u32 s1, $0xD;
	s1 =	sshrl.u32 s1, $0x2  }
0xbd: {  	s3 =	sand.u32 $0x4000, s31;
	s1 =	sadd.s32 s1, s30  }
0xbe: {  	s0 =	sor.u32 s3, s0;
	s1 =	sshll.u32 s1, $0x11  }
0xbf: {  	s0 =	sor.u32 s1, s0  }
0xc0: {  	s0 =	sadd.s32 $0x8F2B, s0  }
0xc1: {  	[sflag:s0] =	ssyncadd.remote.s32 $0x1  }
0xc2: {  	_ =	sfence.sel $0xFFFF  }
0xc3: {  	[dreg:$0x0] =	wrdreg $0xFFFFFFFF;
	(pc) =	sbr.abs _section_cstart, $3  }
0xc4: {  	[dreg:$0x1] =	wrdreg $0xFFFFFFFF  }
0xc5: {  	_ =	task.clear_ibuf [dreg:s9], $0x2FFFF;
	_ =	strace $0x9FFFFFFF  }
0xc6: {  	(tm) =	ssettm $0x7FFFFFFF  }
0xc7: {  	_ =	shalt  }
tec
execute0_lowered:
.L_overlay_start_1:
0x0: {  	(tag) =	ssettag $0x1  }
0x1: {  	s0 =	rddreg [dreg:$0x0]  }
0x2: {  	s1 =	rddreg [dreg:$0x1]  }
0x3: {  	s2 =	rddreg [dreg:$0x3]  }
0x4: {  	s3 =	srdreg.scid;
	s4 =	stileid.u32  }
0x5: {  	s28 =	simm.s32 $0x400;
	s29 =	simm.s32 $0x280;
	s30 =	simm.s32 $0x600  }
0x6: {  	s31 =	simm.s32 $0x1600;
	s5 =	sand.u32 $0x1, s3;
	s3 =	simm.s32 $0x0  }
0x7: {  	s4 =	sshll.u32 s4, $0x3;
	s7 =	sadd.s32 $0x10000, s2;
	s6 =	sshll.u32 s5, $0x2  }
0x8: {  	[smem:$0x7FF] =	sst s3;
	s9 =	sshll.u32 s5, $0x9;
	s10 =	ssub.s32 $0x2, s5  }
0x9: {  	s4 =	sor.u32 s6, s4;
	_ =	strace $0x80000047;
	s11 =	sshrl.u32 s10, $0x1  }
0xa: {  	s6 =	sshll.u32 s4, $0x9;
	s5 =	sor.u32 $0x1, s4;
	s11 =	ssub.s32 s10, s11  }
0xb: {  	s10 =	sor.u32 $0x2, s4;
	s23 =	sor.u32 $0x3, s4;
	s8 =	sand.u32 $0xF000, s6  }
0xc: {  	s12 =	sshll.u32 s5, $0x7;
	s18 =	sadd.s32 s2, s6;
	s6 =	sadd.s32 s7, s6  }
0xd: {  	s21 =	sshll.u32 s10, $0x7;
	s22 =	sshll.u32 s5, $0x9;
	s15 =	sshll.u32 s23, $0x7  }
0xe: {  	s26 =	sshll.u32 s23, $0x9;
	s23 =	smax.u32 s11, $0x1;
	[dreg:$0x7] =	wrdreg s18  }
0xf: {  	s9 =	sor.u32 s9, s8;
	s17 =	sand.u32 $0x280, s12;
	[dreg:$0x8] =	wrdreg s6  }
0x10: {  	s13 =	sadd.s32 s2, s22;
	s24 =	sand.u32 $0x380, s15;
	s9 =	sshrl.u32 s9, $0x3  }
0x11: {  	s19 =	sor.u32 s8, s17;
	[dreg:$0xb] =	wrdreg s13;
	s16 =	sadd.s32 s0, s9  }
0x12: {  	s9 =	sadd.s32 s1, s9;
	s20 =	sshrl.u32 s19, $0x3;
	[dreg:$0x5] =	wrdreg s16  }
0x13: {  	s18 =	sshll.u32 s10, $0x9;
	[dreg:$0x6] =	wrdreg s9;
	s9 =	sadd.s32 s0, s20  }
0x14: {  	s17 =	sadd.s32 s2, s18;
	s6 =	sadd.s32 s1, s20;
	[dreg:$0x9] =	wrdreg s9  }
0x15: {  	s18 =	sadd.s32 s7, s18;
	[dreg:$0xa] =	wrdreg s6;
	s6 =	sand.u32 $0x300, s21  }
0x16: {  	s9 =	sadd.s32 s7, s22;
	s21 =	sadd.s32 s2, s26;
	s22 =	sadd.s32 s7, s26  }
0x17: {  	s26 =	simm.s32 $0x80;
	s6 =	sor.u32 s8, s6;
	s8 =	sor.u32 s8, s24  }
0x18: {  	[dreg:$0xc] =	wrdreg s9;
	s6 =	sshrl.u32 s6, $0x3;
	s25 =	sshrl.u32 s8, $0x3  }
0x19: {  	s15 =	sadd.s32 s0, s6;
	s16 =	sadd.s32 s1, s6;
	s19 =	sadd.s32 s0, s25  }
0x1a: {  	v0 =	vimm.f32 $0.0e+00;
	v1 =	vimm.s32 $0x0;
	v2 =	vlaneseq.u32;
	s20 =	sadd.s32 s1, s25;
	s25 =	simm.s32 $0x1;
	s0 =	simm.s32 $0x0  }
.LBB2_1:
0x1b: {  	s1 =	rddreg [dreg:$0x2];
	s2 =	simm.s32 $0x500  }
0x1c: {  	[tilespmem:s2], [sflag:$0x1] =	stream.linear.gather [hbm4b:s1+s3], $0x80, $0x38;
	[tilespmem:$0x2600] =	vst v63  }
0x1d: {  	_ =	swait.ge [sflag:s25], $0x80  }
0x1e: {  	[sflag:s25] =	ssyncset.done $0x0  }
0x1f: {  	[sflag:s25] =	ssyncadd.s32 $0xFFFFFF80  }
0x20: {  	[tilespmem:$0x1F8] =	vst v0  }
0x21: {  	s11 =	rddreg [dreg:$0x5];
	[tilespmem:$0x478] =	vst v1  }
0x22: {  	[tilespmem:s3], [sflag:$0x1] =	stream.strided.gather [hbm4b:s11+s26], $0x200, s28, s26, $0x38;
	[tilespmem:$0x2600] =	vst v63  }
0x23: {  	_ =	swait.ge [sflag:s25], $0x200  }
0x24: {  	[sflag:s25] =	ssyncset.done $0x0  }
0x25: {  	s12 =	rddreg [dreg:$0x6];
	[sflag:s25] =	ssyncadd.s32 $0xFFFFFE00  }
0x26: {  	[tilespmem:s29], [sflag:$0x1] =	stream.strided.gather [hbm4b:s12+s26], $0x200, s28, s26, $0x38;
	[tilespmem:$0x2600] =	vst v63  }
0x27: {  	_ =	swait.ge [sflag:s25], $0x200  }
0x28: {  	[sflag:s25] =	ssyncset.done $0x0  }
0x29: {  	[sflag:s25] =	ssyncadd.s32 $0xFFFFFE00  }
0x2a: {  	v3 =	vld [tilespmem:s4+$0x500];
	_ =	sdelay $0x4  }
0x2b: {  	(v2sf) =	vpush v3, $0x0;
	_ =	sdelay $0x8  }
0x2c: {  	s1 =	simm.s32 $0x4  }
0x2d: {  	v4 =	vld [tilespmem:s1+$0xFFFFFFFC]  }
0x2e: {  	s2 =	simm.s32 $0x284;
	v5 =	vld [tilespmem:s1+$0xFFFFFFFD]  }
0x2f: {  	v6 =	vld [tilespmem:s2+$0xFFFFFFFD];
	_ =	sdelay $0x2  }
0x30: {  	s6 =	spop (v2sf)  }
0x31: {  	v7 =	vor.u32 s3, v2;
	s6 =	sadd.s32 $0xFFFFFFF8, s6  }
0x32: {  	v4 =	vsub.f32 v5, v4;
	v5 =	vadd.s32 $0x1, v6;
	v3 =	vmov s6  }
0x33: {  	s13 =	sand.u32 $0x70, s3;
	s7 =	sand.u32 $0xC00, s3;
	v5 =	vcvt.s32.f32 v5;
	vm0 =	vlt.s32 v7, v3  }
0x34: {  	s24 =	sor.u32 s13, s7;
	v4 =	vnsel vm0, $0x0, v4  }
0x35: {  	[tilespmem:s24+$0x600] =	vst v4;
	v4 =	vnsel vm0, $0xC47A0000, v5  }
0x36: {  	[tilespmem:s24+$0x1600] =	vst v4  }
0x37: {  	v4 =	vld [tilespmem:s2+$0xFFFFFFFE]  }
0x38: {  	v5 =	vld [tilespmem:s1+$0xFFFFFFFD]  }
0x39: {  	v6 =	vld [tilespmem:s1+$0xFFFFFFFE];
	_ =	sdelay $0x4  }
0x3a: {  	v4 =	vadd.s32 $0x42, v4;
	v5 =	vsub.f32 v6, v5  }
0x3b: {  	v4 =	vcvt.s32.f32 v4  }
0x3c: {  	v5 =	vnsel vm0, $0x0, v5  }
0x3d: {  	v4 =	vnsel vm0, $0xC47A0000, v4;
	[tilespmem:s24+$0x680] =	vst v5  }
0x3e: {  	[tilespmem:s24+$0x1680] =	vst v4  }
0x3f: {  	v4 =	vld [tilespmem:s2+$0xFFFFFFFF]  }
0x40: {  	v5 =	vld [tilespmem:s1+$0xFFFFFFFE]  }
0x41: {  	v6 =	vld [tilespmem:s1+$0xFFFFFFFF];
	_ =	sdelay $0x2  }
0x42: {  	v4 =	vadd.s32 $0x83, v4  }
0x43: {  	v4 =	vcvt.s32.f32 v4  }
0x44: {  	v5 =	vsub.f32 v6, v5  }
0x45: {  	v4 =	vnsel vm0, $0xC47A0000, v4  }
0x46: {  	[tilespmem:s24+$0x1700] =	vst v4;
	v4 =	vnsel vm0, $0x0, v5  }
0x47: {  	[tilespmem:s24+$0x700] =	vst v4  }
0x48: {  	v4 =	vld [tilespmem:s2+$0x0]  }
0x49: {  	v5 =	vld [tilespmem:s1+$0x0]  }
0x4a: {  	v6 =	vld [tilespmem:s1+$0xFFFFFFFF];
	_ =	sdelay $0x4  }
0x4b: {  	v4 =	vadd.s32 $0xC4, v4;
	v5 =	vsub.f32 v5, v6  }
0x4c: {  	s14 =	sor.u32 s7, s3;
	v4 =	vcvt.s32.f32 v4  }
0x4d: {  	s6 =	sor.u32 $0x180, s14;
	v5 =	vnsel vm0, $0x0, v5  }
0x4e: {  	v4 =	vnsel vm0, $0xC47A0000, v4;
	[tilespmem:s6+$0x600] =	vst v5  }
0x4f: {  	[tilespmem:s6+$0x1600] =	vst v4  }
0x50: {  	v4 =	vld [tilespmem:s2+$0x1]  }
0x51: {  	v5 =	vld [tilespmem:s1+$0x0]  }
0x52: {  	v6 =	vld [tilespmem:s1+$0x1];
	_ =	sdelay $0x4  }
0x53: {  	v4 =	vadd.s32 $0x105, v4;
	v5 =	vsub.f32 v6, v5  }
0x54: {  	v4 =	vcvt.s32.f32 v4  }
0x55: {  	v5 =	vnsel vm0, $0x0, v5  }
0x56: {  	v4 =	vnsel vm0, $0xC47A0000, v4;
	[tilespmem:s24+$0x800] =	vst v5  }
0x57: {  	[tilespmem:s24+$0x1800] =	vst v4  }
0x58: {  	v4 =	vld [tilespmem:s2+$0x2]  }
0x59: {  	v5 =	vld [tilespmem:s1+$0x1]  }
0x5a: {  	v6 =	vld [tilespmem:s1+$0x2];
	_ =	sdelay $0x4  }
0x5b: {  	v4 =	vadd.s32 $0x146, v4;
	v5 =	vsub.f32 v6, v5  }
0x5c: {  	v4 =	vcvt.s32.f32 v4  }
0x5d: {  	v5 =	vnsel vm0, $0x0, v5  }
0x5e: {  	v4 =	vnsel vm0, $0xC47A0000, v4;
	[tilespmem:s24+$0x880] =	vst v5  }
0x5f: {  	[tilespmem:s24+$0x1880] =	vst v4  }
0x60: {  	v5 =	vld [tilespmem:s2+$0x3]  }
0x61: {  	s9 =	simm.s32 $0x10;
	s8 =	simm.s32 $0x284;
	v4 =	vld [tilespmem:s1+$0x2]  }
0x62: {  	s7 =	simm.s32 $0x4;
	s11 =	simm.s32 $0x0;
	s6 =	sor.u32 s3, s3;
	v6 =	vld [tilespmem:s1+$0x3]  }
.LBB2_2:
0x63: {  	s11 =	sadd.s32 $0x80, s11  }
0x64: {  	s2 =	sadd.s32 $0x10, s2;
	s1 =	sadd.s32 $0x10, s1;
	s12 =	smov.u32 s9  }
0x65: {  	p0 =	sne.s32 s9, $0x1F0;
	s9 =	sadd.s32 $0x10, s9;
	s13 =	sor.u32 s11, s12  }
0x66: {  	v5 =	vadd.s32 $0x187, v5  }
0x67: {  	v5 =	vcvt.s32.f32 v5  }
0x68: {  	v4 =	vsub.f32 v6, v4  }
0x69: {  	v5 =	vnsel vm0, $0xC47A0000, v5  }
0x6a: {  	v4 =	vnsel vm0, $0x0, v4;
	[tilespmem:s24+$0x1900] =	vst v5  }
0x6b: {  	[tilespmem:s24+$0x900] =	vst v4  }
0x6c: {  	v4 =	vld [tilespmem:s8+$0x4];
	s8 =	smov.u32 s2  }
0x6d: {  	v5 =	vld [tilespmem:s7+$0x3]  }
0x6e: {  	v6 =	vld [tilespmem:s7+$0x4];
	s7 =	smov.u32 s1;
	_ =	sdelay $0x2  }
0x6f: {  	v4 =	vadd.s32 $0x1C8, v4  }
0x70: {  	v4 =	vcvt.s32.f32 v4  }
0x71: {  	v5 =	vsub.f32 v6, v5  }
0x72: {  	s24 =	sor.u32 $0x380, s6;
	s6 =	smov.u32 s13;
	v4 =	vnsel vm0, $0xC47A0000, v4  }
0x73: {  	v5 =	vnsel vm0, $0x0, v5;
	[tilespmem:s24+$0x1600] =	vst v4  }
0x74: {  	[tilespmem:s24+$0x600] =	vst v5  }
0x75: {  	v4 =	vld [tilespmem:s1+$0xFFFFFFFC]  }
0x76: {  	v5 =	vld [tilespmem:s1+$0xFFFFFFFD]  }
0x77: {  	v6 =	vld [tilespmem:s2+$0xFFFFFFFD];
	_ =	sdelay $0x3  }
0x78: {  	v7 =	vor.u32 s12, v2;
	v4 =	vsub.f32 v5, v4  }
0x79: {  	s14 =	sand.u32 $0xC00, s11;
	s13 =	sand.u32 $0x70, s12;
	vm0 =	vlt.s32 v7, v3;
	v5 =	vadd.s32 $0x1, v6  }
0x7a: {  	s12 =	sor.u32 s14, s12;
	s24 =	sor.u32 s13, s14;
	v4 =	vnsel vm0, $0x0, v4;
	v5 =	vcvt.s32.f32 v5  }
0x7b: {  	[tilespmem:s24+$0x600] =	vst v4  }
0x7c: {  	v4 =	vnsel vm0, $0xC47A0000, v5  }
0x7d: {  	[tilespmem:s24+$0x1600] =	vst v4  }
0x7e: {  	v4 =	vld [tilespmem:s2+$0xFFFFFFFE]  }
0x7f: {  	v5 =	vld [tilespmem:s1+$0xFFFFFFFD]  }
0x80: {  	v6 =	vld [tilespmem:s1+$0xFFFFFFFE];
	_ =	sdelay $0x2  }
0x81: {  	v4 =	vadd.s32 $0x42, v4  }
0x82: {  	v4 =	vcvt.s32.f32 v4  }
0x83: {  	v5 =	vsub.f32 v6, v5  }
0x84: {  	v4 =	vnsel vm0, $0xC47A0000, v4  }
0x85: {  	v5 =	vnsel vm0, $0x0, v5;
	[tilespmem:s24+$0x1680] =	vst v4  }
0x86: {  	[tilespmem:s24+$0x680] =	vst v5  }
0x87: {  	v4 =	vld [tilespmem:s2+$0xFFFFFFFF]  }
0x88: {  	v5 =	vld [tilespmem:s1+$0xFFFFFFFE];
	_ =	sdelay $0x3  }
0x89: {  	v6 =	vld [tilespmem:s1+$0xFFFFFFFF];
	v4 =	vadd.s32 $0x83, v4  }
0x8a: {  	v4 =	vcvt.s32.f32 v4;
	_ =	sdelay $0x1  }
0x8b: {  	v4 =	vnsel vm0, $0xC47A0000, v4  }
0x8c: {  	[tilespmem:s24+$0x1700] =	vst v4  }
0x8d: {  	v4 =	vsub.f32 v6, v5;
	_ =	sdelay $0x1  }
0x8e: {  	v4 =	vnsel vm0, $0x0, v4  }
0x8f: {  	[tilespmem:s24+$0x700] =	vst v4  }
0x90: {  	v4 =	vld [tilespmem:s2+$0x0]  }
0x91: {  	v5 =	vld [tilespmem:s1+$0x0]  }
0x92: {  	v6 =	vld [tilespmem:s1+$0xFFFFFFFF];
	_ =	sdelay $0x2  }
0x93: {  	v4 =	vadd.s32 $0xC4, v4  }
0x94: {  	v4 =	vcvt.s32.f32 v4  }
0x95: {  	v5 =	vsub.f32 v5, v6  }
0x96: {  	s12 =	sor.u32 $0x180, s12;
	v4 =	vnsel vm0, $0xC47A0000, v4  }
0x97: {  	v5 =	vnsel vm0, $0x0, v5;
	[tilespmem:s12+$0x1600] =	vst v4  }
0x98: {  	[tilespmem:s12+$0x600] =	vst v5  }
0x99: {  	v4 =	vld [tilespmem:s2+$0x1]  }
0x9a: {  	v5 =	vld [tilespmem:s1+$0x0]  }
0x9b: {  	v6 =	vld [tilespmem:s1+$0x1];
	_ =	sdelay $0x2  }
0x9c: {  	v4 =	vadd.s32 $0x105, v4  }
0x9d: {  	v4 =	vcvt.s32.f32 v4  }
0x9e: {  	v5 =	vsub.f32 v6, v5  }
0x9f: {  	v4 =	vnsel vm0, $0xC47A0000, v4  }
0xa0: {  	v5 =	vnsel vm0, $0x0, v5;
	[tilespmem:s24+$0x1800] =	vst v4  }
0xa1: {  	[tilespmem:s24+$0x800] =	vst v5  }
0xa2: {  	v4 =	vld [tilespmem:s2+$0x2]  }
0xa3: {  	v5 =	vld [tilespmem:s1+$0x1]  }
0xa4: {  	v6 =	vld [tilespmem:s1+$0x2];
	_ =	sdelay $0x2  }
0xa5: {  	v4 =	vadd.s32 $0x146, v4  }
0xa6: {  	v4 =	vcvt.s32.f32 v4  }
0xa7: {  	v5 =	vsub.f32 v6, v5  }
0xa8: {  	v4 =	vnsel vm0, $0xC47A0000, v4  }
.Ltmp0:
0xa9: {  	v5 =	vnsel vm0, $0x0, v5;
	[tilespmem:s24+$0x1880] =	vst v4;
	(pc) =	sbr.rel @p0 .LBB2_2-.Ltmp0, $4  }
0xaa: {  	[tilespmem:s24+$0x880] =	vst v5  }
0xab: {  	v5 =	vld [tilespmem:s2+$0x3]  }
0xac: {  	v4 =	vld [tilespmem:s1+$0x2]  }
0xad: {  	v6 =	vld [tilespmem:s1+$0x3]  }
0xae: {  	_ =	sdelay $0x1  }
0xaf: {  	v3 =	vadd.s32 $0x187, v5  }
0xb0: {  	v3 =	vcvt.s32.f32 v3  }
0xb1: {  	v4 =	vsub.f32 v6, v4  }
0xb2: {  	v3 =	vnsel vm0, $0xC47A0000, v3  }
0xb3: {  	v4 =	vnsel vm0, $0x0, v4;
	[tilespmem:s24+$0x1900] =	vst v3  }
0xb4: {  	[tilespmem:s24+$0x900] =	vst v4  }
0xb5: {  	v3 =	vld [tilespmem:s8+$0x4]  }
0xb6: {  	v4 =	vld [tilespmem:s7+$0x3]  }
0xb7: {  	v5 =	vld [tilespmem:s7+$0x4];
	_ =	sdelay $0x4  }
0xb8: {  	v3 =	vadd.s32 $0x1C8, v3;
	v4 =	vsub.f32 v5, v4  }
0xb9: {  	v3 =	vcvt.s32.f32 v3  }
0xba: {  	s1 =	sor.u32 $0x380, s6;
	v4 =	vnsel vm0, $0x0, v4  }
0xbb: {  	v3 =	vnsel vm0, $0xC47A0000, v3;
	[tilespmem:s1+$0x600] =	vst v4  }
0xbc: {  	s2 =	rddreg [dreg:$0x7];
	[tilespmem:s1+$0x1600] =	vst v3;
	s1 =	simm.s32 $0x0  }
0xbd: {  	[hbm4b:s2+s1] =	stream.linear.scatter [tilespmem:s30], [sflag:$0x1], $0x1000, $0x38;
	[tilespmem:$0x2600] =	vst v63  }
0xbe: {  	_ =	swait.ge [sflag:s25], $0x1000  }
0xbf: {  	[sflag:s25] =	ssyncset.done $0x0  }
0xc0: {  	s8 =	rddreg [dreg:$0x8];
	[sflag:s25] =	ssyncadd.s32 $0xFFFFF000  }
0xc1: {  	[hbm4b:s8+s1] =	stream.linear.scatter [tilespmem:s31], [sflag:$0x1], $0x1000, $0x38;
	[tilespmem:$0x2600] =	vst v63  }
0xc2: {  	_ =	swait.ge [sflag:s25], $0x1000  }
0xc3: {  	[sflag:s25] =	ssyncset.done $0x0  }
0xc4: {  	[sflag:s25] =	ssyncadd.s32 $0xFFFFF000  }
0xc5: {  	[tilespmem:$0x1F8] =	vst v0  }
0xc6: {  	s9 =	rddreg [dreg:$0x9];
	[tilespmem:$0x478] =	vst v1  }
0xc7: {  	[tilespmem:s1], [sflag:$0x1] =	stream.strided.gather [hbm4b:s9+s26], $0x200, s28, s26, $0x38;
	[tilespmem:$0x2600] =	vst v63  }
0xc8: {  	_ =	swait.ge [sflag:s25], $0x200  }
0xc9: {  	[sflag:s25] =	ssyncset.done $0x0  }
0xca: {  	s11 =	rddreg [dreg:$0xa];
	[sflag:s25] =	ssyncadd.s32 $0xFFFFFE00  }
0xcb: {  	[tilespmem:s29], [sflag:$0x1] =	stream.strided.gather [hbm4b:s11+s26], $0x200, s28, s26, $0x38;
	[tilespmem:$0x2600] =	vst v63  }
0xcc: {  	_ =	swait.ge [sflag:s25], $0x200  }
0xcd: {  	[sflag:s25] =	ssyncset.done $0x0  }
0xce: {  	[sflag:s25] =	ssyncadd.s32 $0xFFFFFE00  }
0xcf: {  	v3 =	vld [tilespmem:s5+$0x500];
	_ =	sdelay $0x4  }
0xd0: {  	(v2sf) =	vpush v3, $0x0;
	_ =	sdelay $0x8  }
0xd1: {  	s2 =	simm.s32 $0x4  }
0xd2: {  	v4 =	vld [tilespmem:s2+$0xFFFFFFFC]  }
0xd3: {  	s24 =	simm.s32 $0x284;
	v5 =	vld [tilespmem:s2+$0xFFFFFFFD]  }
0xd4: {  	v6 =	vld [tilespmem:s24+$0xFFFFFFFD];
	_ =	sdelay $0x2  }
0xd5: {  	s12 =	spop (v2sf)  }
0xd6: {  	v7 =	vor.u32 s1, v2;
	s6 =	sadd.s32 $0xFFFFFFF8, s12  }
0xd7: {  	v4 =	vsub.f32 v5, v4;
	v5 =	vadd.s32 $0x1, v6;
	v3 =	vmov s6  }
0xd8: {  	s13 =	sand.u32 $0x70, s1;
	s14 =	sand.u32 $0xC00, s1;
	v5 =	vcvt.s32.f32 v5;
	vm0 =	vlt.s32 v7, v3  }
0xd9: {  	s6 =	sor.u32 s13, s14;
	v4 =	vnsel vm0, $0x0, v4  }
0xda: {  	[tilespmem:s6+$0x600] =	vst v4;
	v4 =	vnsel vm0, $0xC47A0000, v5  }
0xdb: {  	[tilespmem:s6+$0x1600] =	vst v4  }
0xdc: {  	v4 =	vld [tilespmem:s24+$0xFFFFFFFE]  }
0xdd: {  	v5 =	vld [tilespmem:s2+$0xFFFFFFFD]  }
0xde: {  	v6 =	vld [tilespmem:s2+$0xFFFFFFFE];
	_ =	sdelay $0x4  }
0xdf: {  	v4 =	vadd.s32 $0x42, v4;
	v5 =	vsub.f32 v6, v5  }
0xe0: {  	v4 =	vcvt.s32.f32 v4  }
0xe1: {  	v5 =	vnsel vm0, $0x0, v5  }
0xe2: {  	v4 =	vnsel vm0, $0xC47A0000, v4;
	[tilespmem:s6+$0x680] =	vst v5  }
0xe3: {  	[tilespmem:s6+$0x1680] =	vst v4  }
0xe4: {  	v4 =	vld [tilespmem:s24+$0xFFFFFFFF]  }
0xe5: {  	v5 =	vld [tilespmem:s2+$0xFFFFFFFE]  }
0xe6: {  	v6 =	vld [tilespmem:s2+$0xFFFFFFFF];
	_ =	sdelay $0x2  }
0xe7: {  	v4 =	vadd.s32 $0x83, v4  }
0xe8: {  	v4 =	vcvt.s32.f32 v4  }
0xe9: {  	v5 =	vsub.f32 v6, v5  }
0xea: {  	v4 =	vnsel vm0, $0xC47A0000, v4  }
0xeb: {  	[tilespmem:s6+$0x1700] =	vst v4;
	v4 =	vnsel vm0, $0x0, v5  }
0xec: {  	[tilespmem:s6+$0x700] =	vst v4  }
0xed: {  	v4 =	vld [tilespmem:s24+$0x0]  }
0xee: {  	v5 =	vld [tilespmem:s2+$0x0]  }
0xef: {  	v6 =	vld [tilespmem:s2+$0xFFFFFFFF];
	_ =	sdelay $0x4  }
0xf0: {  	v4 =	vadd.s32 $0xC4, v4;
	v5 =	vsub.f32 v5, v6  }
0xf1: {  	s7 =	sor.u32 s14, s1;
	v4 =	vcvt.s32.f32 v4  }
0xf2: {  	s7 =	sor.u32 $0x180, s7;
	v5 =	vnsel vm0, $0x0, v5  }
0xf3: {  	v4 =	vnsel vm0, $0xC47A0000, v4;
	[tilespmem:s7+$0x600] =	vst v5  }
0xf4: {  	[tilespmem:s7+$0x1600] =	vst v4  }
0xf5: {  	v4 =	vld [tilespmem:s24+$0x1]  }
0xf6: {  	v5 =	vld [tilespmem:s2+$0x0]  }
0xf7: {  	v6 =	vld [tilespmem:s2+$0x1];
	_ =	sdelay $0x4  }
0xf8: {  	v4 =	vadd.s32 $0x105, v4;
	v5 =	vsub.f32 v6, v5  }
0xf9: {  	v4 =	vcvt.s32.f32 v4  }
0xfa: {  	v5 =	vnsel vm0, $0x0, v5  }
0xfb: {  	v4 =	vnsel vm0, $0xC47A0000, v4;
	[tilespmem:s6+$0x800] =	vst v5  }
0xfc: {  	[tilespmem:s6+$0x1800] =	vst v4  }
0xfd: {  	v4 =	vld [tilespmem:s24+$0x2]  }
0xfe: {  	v5 =	vld [tilespmem:s2+$0x1]  }
0xff: {  	v6 =	vld [tilespmem:s2+$0x2];
	_ =	sdelay $0x4  }
0x100: {  	v4 =	vadd.s32 $0x146, v4;
	v5 =	vsub.f32 v6, v5  }
0x101: {  	v4 =	vcvt.s32.f32 v4  }
0x102: {  	v5 =	vnsel vm0, $0x0, v5  }
0x103: {  	v4 =	vnsel vm0, $0xC47A0000, v4;
	[tilespmem:s6+$0x880] =	vst v5  }
0x104: {  	[tilespmem:s6+$0x1880] =	vst v4  }
0x105: {  	v5 =	vld [tilespmem:s24+$0x3]  }
0x106: {  	s8 =	simm.s32 $0x4;
	v4 =	vld [tilespmem:s2+$0x2]  }
0x107: {  	s9 =	simm.s32 $0x284;
	s11 =	simm.s32 $0x10;
	s7 =	sor.u32 s1, s1;
	v6 =	vld [tilespmem:s2+$0x3]  }
.LBB2_4:
0x108: {  	s1 =	sadd.s32 $0x80, s1  }
0x109: {  	s24 =	sadd.s32 $0x10, s24;
	s2 =	sadd.s32 $0x10, s2;
	s12 =	smov.u32 s11  }
0x10a: {  	p0 =	sne.s32 s11, $0x1F0;
	s11 =	sadd.s32 $0x10, s11;
	s13 =	sor.u32 s1, s12  }
0x10b: {  	v5 =	vadd.s32 $0x187, v5  }
0x10c: {  	v5 =	vcvt.s32.f32 v5  }
0x10d: {  	v4 =	vsub.f32 v6, v4  }
0x10e: {  	v5 =	vnsel vm0, $0xC47A0000, v5  }
0x10f: {  	v4 =	vnsel vm0, $0x0, v4;
	[tilespmem:s6+$0x1900] =	vst v5  }
0x110: {  	[tilespmem:s6+$0x900] =	vst v4  }
0x111: {  	v4 =	vld [tilespmem:s9+$0x4];
	s9 =	smov.u32 s24  }
0x112: {  	v5 =	vld [tilespmem:s8+$0x3]  }
0x113: {  	v6 =	vld [tilespmem:s8+$0x4];
	s8 =	smov.u32 s2;
	_ =	sdelay $0x2  }
0x114: {  	v4 =	vadd.s32 $0x1C8, v4  }
0x115: {  	v4 =	vcvt.s32.f32 v4  }
0x116: {  	v5 =	vsub.f32 v6, v5  }
0x117: {  	s6 =	sor.u32 $0x380, s7;
	s7 =	smov.u32 s13;
	v4 =	vnsel vm0, $0xC47A0000, v4  }
0x118: {  	v5 =	vnsel vm0, $0x0, v5;
	[tilespmem:s6+$0x1600] =	vst v4  }
0x119: {  	[tilespmem:s6+$0x600] =	vst v5  }
0x11a: {  	v4 =	vld [tilespmem:s2+$0xFFFFFFFC]  }
0x11b: {  	v5 =	vld [tilespmem:s2+$0xFFFFFFFD]  }
0x11c: {  	v6 =	vld [tilespmem:s24+$0xFFFFFFFD];
	_ =	sdelay $0x3  }
0x11d: {  	v7 =	vor.u32 s12, v2;
	v4 =	vsub.f32 v5, v4  }
0x11e: {  	s13 =	sand.u32 $0xC00, s1;
	vm0 =	vlt.s32 v7, v3;
	s6 =	sand.u32 $0x70, s12;
	v5 =	vadd.s32 $0x1, v6  }
0x11f: {  	s12 =	sor.u32 s13, s12;
	s6 =	sor.u32 s6, s13;
	v4 =	vnsel vm0, $0x0, v4;
	v5 =	vcvt.s32.f32 v5  }
0x120: {  	[tilespmem:s6+$0x600] =	vst v4  }
0x121: {  	v4 =	vnsel vm0, $0xC47A0000, v5  }
0x122: {  	[tilespmem:s6+$0x1600] =	vst v4  }
0x123: {  	v4 =	vld [tilespmem:s24+$0xFFFFFFFE]  }
0x124: {  	v5 =	vld [tilespmem:s2+$0xFFFFFFFD]  }
0x125: {  	v6 =	vld [tilespmem:s2+$0xFFFFFFFE];
	_ =	sdelay $0x2  }
0x126: {  	v4 =	vadd.s32 $0x42, v4  }
0x127: {  	v4 =	vcvt.s32.f32 v4  }
0x128: {  	v5 =	vsub.f32 v6, v5  }
0x129: {  	v4 =	vnsel vm0, $0xC47A0000, v4  }
0x12a: {  	v5 =	vnsel vm0, $0x0, v5;
	[tilespmem:s6+$0x1680] =	vst v4  }
0x12b: {  	[tilespmem:s6+$0x680] =	vst v5  }
0x12c: {  	v4 =	vld [tilespmem:s24+$0xFFFFFFFF]  }
0x12d: {  	v5 =	vld [tilespmem:s2+$0xFFFFFFFE];
	_ =	sdelay $0x3  }
0x12e: {  	v6 =	vld [tilespmem:s2+$0xFFFFFFFF];
	v4 =	vadd.s32 $0x83, v4  }
0x12f: {  	v4 =	vcvt.s32.f32 v4;
	_ =	sdelay $0x1  }
0x130: {  	v4 =	vnsel vm0, $0xC47A0000, v4  }
0x131: {  	[tilespmem:s6+$0x1700] =	vst v4  }
0x132: {  	v4 =	vsub.f32 v6, v5;
	_ =	sdelay $0x1  }
0x133: {  	v4 =	vnsel vm0, $0x0, v4  }
0x134: {  	[tilespmem:s6+$0x700] =	vst v4  }
0x135: {  	v4 =	vld [tilespmem:s24+$0x0]  }
0x136: {  	v5 =	vld [tilespmem:s2+$0x0]  }
0x137: {  	v6 =	vld [tilespmem:s2+$0xFFFFFFFF];
	_ =	sdelay $0x2  }
0x138: {  	v4 =	vadd.s32 $0xC4, v4  }
0x139: {  	v4 =	vcvt.s32.f32 v4  }
0x13a: {  	v5 =	vsub.f32 v5, v6  }
0x13b: {  	s12 =	sor.u32 $0x180, s12;
	v4 =	vnsel vm0, $0xC47A0000, v4  }
0x13c: {  	v5 =	vnsel vm0, $0x0, v5;
	[tilespmem:s12+$0x1600] =	vst v4  }
0x13d: {  	[tilespmem:s12+$0x600] =	vst v5  }
0x13e: {  	v4 =	vld [tilespmem:s24+$0x1]  }
0x13f: {  	v5 =	vld [tilespmem:s2+$0x0]  }
0x140: {  	v6 =	vld [tilespmem:s2+$0x1];
	_ =	sdelay $0x2  }
0x141: {  	v4 =	vadd.s32 $0x105, v4  }
0x142: {  	v4 =	vcvt.s32.f32 v4  }
0x143: {  	v5 =	vsub.f32 v6, v5  }
0x144: {  	v4 =	vnsel vm0, $0xC47A0000, v4  }
0x145: {  	v5 =	vnsel vm0, $0x0, v5;
	[tilespmem:s6+$0x1800] =	vst v4  }
0x146: {  	[tilespmem:s6+$0x800] =	vst v5  }
0x147: {  	v4 =	vld [tilespmem:s24+$0x2]  }
0x148: {  	v5 =	vld [tilespmem:s2+$0x1]  }
0x149: {  	v6 =	vld [tilespmem:s2+$0x2];
	_ =	sdelay $0x2  }
0x14a: {  	v4 =	vadd.s32 $0x146, v4  }
0x14b: {  	v4 =	vcvt.s32.f32 v4  }
0x14c: {  	v5 =	vsub.f32 v6, v5  }
0x14d: {  	v4 =	vnsel vm0, $0xC47A0000, v4  }
.Ltmp1:
0x14e: {  	v5 =	vnsel vm0, $0x0, v5;
	[tilespmem:s6+$0x1880] =	vst v4;
	(pc) =	sbr.rel @p0 .LBB2_4-.Ltmp1, $4  }
0x14f: {  	[tilespmem:s6+$0x880] =	vst v5  }
0x150: {  	v5 =	vld [tilespmem:s24+$0x3]  }
0x151: {  	v4 =	vld [tilespmem:s2+$0x2]  }
0x152: {  	v6 =	vld [tilespmem:s2+$0x3]  }
0x153: {  	_ =	sdelay $0x1  }
0x154: {  	v3 =	vadd.s32 $0x187, v5  }
0x155: {  	v3 =	vcvt.s32.f32 v3  }
0x156: {  	v4 =	vsub.f32 v6, v4  }
0x157: {  	v3 =	vnsel vm0, $0xC47A0000, v3  }
0x158: {  	v4 =	vnsel vm0, $0x0, v4;
	[tilespmem:s6+$0x1900] =	vst v3  }
0x159: {  	[tilespmem:s6+$0x900] =	vst v4  }
0x15a: {  	v3 =	vld [tilespmem:s9+$0x4]  }
0x15b: {  	v4 =	vld [tilespmem:s8+$0x3]  }
0x15c: {  	v5 =	vld [tilespmem:s8+$0x4];
	_ =	sdelay $0x4  }
0x15d: {  	v3 =	vadd.s32 $0x1C8, v3;
	v4 =	vsub.f32 v5, v4  }
0x15e: {  	v3 =	vcvt.s32.f32 v3  }
0x15f: {  	s1 =	sor.u32 $0x380, s7;
	v4 =	vnsel vm0, $0x0, v4  }
0x160: {  	v3 =	vnsel vm0, $0xC47A0000, v3;
	[tilespmem:s1+$0x600] =	vst v4  }
0x161: {  	s2 =	rddreg [dreg:$0xb];
	[tilespmem:s1+$0x1600] =	vst v3;
	s1 =	simm.s32 $0x0  }
0x162: {  	[hbm4b:s2+s1] =	stream.linear.scatter [tilespmem:s30], [sflag:$0x1], $0x1000, $0x38;
	[tilespmem:$0x2600] =	vst v63  }
0x163: {  	_ =	swait.ge [sflag:s25], $0x1000  }
0x164: {  	[sflag:s25] =	ssyncset.done $0x0  }
0x165: {  	s11 =	rddreg [dreg:$0xc];
	[sflag:s25] =	ssyncadd.s32 $0xFFFFF000  }
0x166: {  	[hbm4b:s11+s1] =	stream.linear.scatter [tilespmem:s31], [sflag:$0x1], $0x1000, $0x38;
	[tilespmem:$0x2600] =	vst v63  }
0x167: {  	_ =	swait.ge [sflag:s25], $0x1000  }
0x168: {  	[sflag:s25] =	ssyncset.done $0x0  }
0x169: {  	[sflag:s25] =	ssyncadd.s32 $0xFFFFF000  }
0x16a: {  	[tilespmem:$0x1F8] =	vst v0  }
0x16b: {  	[tilespmem:$0x478] =	vst v1  }
0x16c: {  	[tilespmem:s1], [sflag:$0x1] =	stream.strided.gather [hbm4b:s15+s26], $0x200, s28, s26, $0x38;
	[tilespmem:$0x2600] =	vst v63  }
0x16d: {  	_ =	swait.ge [sflag:s25], $0x200  }
0x16e: {  	[sflag:s25] =	ssyncset.done $0x0  }
0x16f: {  	[sflag:s25] =	ssyncadd.s32 $0xFFFFFE00  }
0x170: {  	[tilespmem:s29], [sflag:$0x1] =	stream.strided.gather [hbm4b:s16+s26], $0x200, s28, s26, $0x38;
	[tilespmem:$0x2600] =	vst v63  }
0x171: {  	_ =	swait.ge [sflag:s25], $0x200  }
0x172: {  	[sflag:s25] =	ssyncset.done $0x0  }
0x173: {  	[sflag:s25] =	ssyncadd.s32 $0xFFFFFE00  }
0x174: {  	v3 =	vld [tilespmem:s10+$0x500];
	_ =	sdelay $0x4  }
0x175: {  	(v2sf) =	vpush v3, $0x0;
	_ =	sdelay $0x8  }
0x176: {  	s2 =	simm.s32 $0x4  }
0x177: {  	v4 =	vld [tilespmem:s2+$0xFFFFFFFC]  }
0x178: {  	s24 =	simm.s32 $0x284;
	v5 =	vld [tilespmem:s2+$0xFFFFFFFD]  }
0x179: {  	v6 =	vld [tilespmem:s24+$0xFFFFFFFD];
	_ =	sdelay $0x2  }
0x17a: {  	s12 =	spop (v2sf)  }
0x17b: {  	v7 =	vor.u32 s1, v2;
	s6 =	sadd.s32 $0xFFFFFFF8, s12  }
0x17c: {  	v4 =	vsub.f32 v5, v4;
	v5 =	vadd.s32 $0x1, v6;
	v3 =	vmov s6  }
0x17d: {  	s13 =	sand.u32 $0x70, s1;
	s14 =	sand.u32 $0xC00, s1;
	v5 =	vcvt.s32.f32 v5;
	vm0 =	vlt.s32 v7, v3  }
0x17e: {  	s6 =	sor.u32 s13, s14;
	v4 =	vnsel vm0, $0x0, v4  }
0x17f: {  	[tilespmem:s6+$0x600] =	vst v4;
	v4 =	vnsel vm0, $0xC47A0000, v5  }
0x180: {  	[tilespmem:s6+$0x1600] =	vst v4  }
0x181: {  	v4 =	vld [tilespmem:s24+$0xFFFFFFFE]  }
0x182: {  	v5 =	vld [tilespmem:s2+$0xFFFFFFFD]  }
0x183: {  	v6 =	vld [tilespmem:s2+$0xFFFFFFFE];
	_ =	sdelay $0x4  }
0x184: {  	v4 =	vadd.s32 $0x42, v4;
	v5 =	vsub.f32 v6, v5  }
0x185: {  	v4 =	vcvt.s32.f32 v4  }
0x186: {  	v5 =	vnsel vm0, $0x0, v5  }
0x187: {  	v4 =	vnsel vm0, $0xC47A0000, v4;
	[tilespmem:s6+$0x680] =	vst v5  }
0x188: {  	[tilespmem:s6+$0x1680] =	vst v4  }
0x189: {  	v4 =	vld [tilespmem:s24+$0xFFFFFFFF]  }
0x18a: {  	v5 =	vld [tilespmem:s2+$0xFFFFFFFE]  }
0x18b: {  	v6 =	vld [tilespmem:s2+$0xFFFFFFFF];
	_ =	sdelay $0x2  }
0x18c: {  	v4 =	vadd.s32 $0x83, v4  }
0x18d: {  	v4 =	vcvt.s32.f32 v4  }
0x18e: {  	v5 =	vsub.f32 v6, v5  }
0x18f: {  	v4 =	vnsel vm0, $0xC47A0000, v4  }
0x190: {  	[tilespmem:s6+$0x1700] =	vst v4;
	v4 =	vnsel vm0, $0x0, v5  }
0x191: {  	[tilespmem:s6+$0x700] =	vst v4  }
0x192: {  	v4 =	vld [tilespmem:s24+$0x0]  }
0x193: {  	v5 =	vld [tilespmem:s2+$0x0]  }
0x194: {  	v6 =	vld [tilespmem:s2+$0xFFFFFFFF];
	_ =	sdelay $0x4  }
0x195: {  	v4 =	vadd.s32 $0xC4, v4;
	v5 =	vsub.f32 v5, v6  }
0x196: {  	s7 =	sor.u32 s14, s1;
	v4 =	vcvt.s32.f32 v4  }
0x197: {  	s7 =	sor.u32 $0x180, s7;
	v5 =	vnsel vm0, $0x0, v5  }
0x198: {  	v4 =	vnsel vm0, $0xC47A0000, v4;
	[tilespmem:s7+$0x600] =	vst v5  }
0x199: {  	[tilespmem:s7+$0x1600] =	vst v4  }
0x19a: {  	v4 =	vld [tilespmem:s24+$0x1]  }
0x19b: {  	v5 =	vld [tilespmem:s2+$0x0]  }
0x19c: {  	v6 =	vld [tilespmem:s2+$0x1];
	_ =	sdelay $0x4  }
0x19d: {  	v4 =	vadd.s32 $0x105, v4;
	v5 =	vsub.f32 v6, v5  }
0x19e: {  	v4 =	vcvt.s32.f32 v4  }
0x19f: {  	v5 =	vnsel vm0, $0x0, v5  }
0x1a0: {  	v4 =	vnsel vm0, $0xC47A0000, v4;
	[tilespmem:s6+$0x800] =	vst v5  }
0x1a1: {  	[tilespmem:s6+$0x1800] =	vst v4  }
0x1a2: {  	v4 =	vld [tilespmem:s24+$0x2]  }
0x1a3: {  	v5 =	vld [tilespmem:s2+$0x1]  }
0x1a4: {  	v6 =	vld [tilespmem:s2+$0x2];
	_ =	sdelay $0x4  }
0x1a5: {  	v4 =	vadd.s32 $0x146, v4;
	v5 =	vsub.f32 v6, v5  }
0x1a6: {  	v4 =	vcvt.s32.f32 v4  }
0x1a7: {  	v5 =	vnsel vm0, $0x0, v5  }
0x1a8: {  	v4 =	vnsel vm0, $0xC47A0000, v4;
	[tilespmem:s6+$0x880] =	vst v5  }
0x1a9: {  	[tilespmem:s6+$0x1880] =	vst v4  }
0x1aa: {  	v5 =	vld [tilespmem:s24+$0x3]  }
0x1ab: {  	s9 =	simm.s32 $0x284;
	v4 =	vld [tilespmem:s2+$0x2]  }
0x1ac: {  	s8 =	simm.s32 $0x4;
	s11 =	simm.s32 $0x10;
	s7 =	sor.u32 s1, s1;
	v6 =	vld [tilespmem:s2+$0x3]  }
.LBB2_6:
0x1ad: {  	s1 =	sadd.s32 $0x80, s1  }
0x1ae: {  	s24 =	sadd.s32 $0x10, s24;
	s2 =	sadd.s32 $0x10, s2;
	s12 =	smov.u32 s11  }
0x1af: {  	p0 =	sne.s32 s11, $0x1F0;
	s11 =	sadd.s32 $0x10, s11;
	s13 =	sor.u32 s1, s12  }
0x1b0: {  	v5 =	vadd.s32 $0x187, v5  }
0x1b1: {  	v5 =	vcvt.s32.f32 v5  }
0x1b2: {  	v4 =	vsub.f32 v6, v4  }
0x1b3: {  	v5 =	vnsel vm0, $0xC47A0000, v5  }
0x1b4: {  	v4 =	vnsel vm0, $0x0, v4;
	[tilespmem:s6+$0x1900] =	vst v5  }
0x1b5: {  	[tilespmem:s6+$0x900] =	vst v4  }
0x1b6: {  	v4 =	vld [tilespmem:s9+$0x4];
	s9 =	smov.u32 s24  }
0x1b7: {  	v5 =	vld [tilespmem:s8+$0x3]  }
0x1b8: {  	v6 =	vld [tilespmem:s8+$0x4];
	s8 =	smov.u32 s2;
	_ =	sdelay $0x2  }
0x1b9: {  	v4 =	vadd.s32 $0x1C8, v4  }
0x1ba: {  	v4 =	vcvt.s32.f32 v4  }
0x1bb: {  	v5 =	vsub.f32 v6, v5  }
0x1bc: {  	s6 =	sor.u32 $0x380, s7;
	s7 =	smov.u32 s13;
	v4 =	vnsel vm0, $0xC47A0000, v4  }
0x1bd: {  	v5 =	vnsel vm0, $0x0, v5;
	[tilespmem:s6+$0x1600] =	vst v4  }
0x1be: {  	[tilespmem:s6+$0x600] =	vst v5  }
0x1bf: {  	v4 =	vld [tilespmem:s2+$0xFFFFFFFC]  }
0x1c0: {  	v5 =	vld [tilespmem:s2+$0xFFFFFFFD]  }
0x1c1: {  	v6 =	vld [tilespmem:s24+$0xFFFFFFFD];
	_ =	sdelay $0x3  }
0x1c2: {  	v7 =	vor.u32 s12, v2;
	v4 =	vsub.f32 v5, v4  }
0x1c3: {  	s13 =	sand.u32 $0xC00, s1;
	vm0 =	vlt.s32 v7, v3;
	s6 =	sand.u32 $0x70, s12;
	v5 =	vadd.s32 $0x1, v6  }
0x1c4: {  	s12 =	sor.u32 s13, s12;
	s6 =	sor.u32 s6, s13;
	v4 =	vnsel vm0, $0x0, v4;
	v5 =	vcvt.s32.f32 v5  }
0x1c5: {  	[tilespmem:s6+$0x600] =	vst v4  }
0x1c6: {  	v4 =	vnsel vm0, $0xC47A0000, v5  }
0x1c7: {  	[tilespmem:s6+$0x1600] =	vst v4  }
0x1c8: {  	v4 =	vld [tilespmem:s24+$0xFFFFFFFE]  }
0x1c9: {  	v5 =	vld [tilespmem:s2+$0xFFFFFFFD]  }
0x1ca: {  	v6 =	vld [tilespmem:s2+$0xFFFFFFFE];
	_ =	sdelay $0x2  }
0x1cb: {  	v4 =	vadd.s32 $0x42, v4  }
0x1cc: {  	v4 =	vcvt.s32.f32 v4  }
0x1cd: {  	v5 =	vsub.f32 v6, v5  }
0x1ce: {  	v4 =	vnsel vm0, $0xC47A0000, v4  }
0x1cf: {  	v5 =	vnsel vm0, $0x0, v5;
	[tilespmem:s6+$0x1680] =	vst v4  }
0x1d0: {  	[tilespmem:s6+$0x680] =	vst v5  }
0x1d1: {  	v4 =	vld [tilespmem:s24+$0xFFFFFFFF]  }
0x1d2: {  	v5 =	vld [tilespmem:s2+$0xFFFFFFFE];
	_ =	sdelay $0x3  }
0x1d3: {  	v6 =	vld [tilespmem:s2+$0xFFFFFFFF];
	v4 =	vadd.s32 $0x83, v4  }
0x1d4: {  	v4 =	vcvt.s32.f32 v4;
	_ =	sdelay $0x1  }
0x1d5: {  	v4 =	vnsel vm0, $0xC47A0000, v4  }
0x1d6: {  	[tilespmem:s6+$0x1700] =	vst v4  }
0x1d7: {  	v4 =	vsub.f32 v6, v5;
	_ =	sdelay $0x1  }
0x1d8: {  	v4 =	vnsel vm0, $0x0, v4  }
0x1d9: {  	[tilespmem:s6+$0x700] =	vst v4  }
0x1da: {  	v4 =	vld [tilespmem:s24+$0x0]  }
0x1db: {  	v5 =	vld [tilespmem:s2+$0x0]  }
0x1dc: {  	v6 =	vld [tilespmem:s2+$0xFFFFFFFF];
	_ =	sdelay $0x2  }
0x1dd: {  	v4 =	vadd.s32 $0xC4, v4  }
0x1de: {  	v4 =	vcvt.s32.f32 v4  }
0x1df: {  	v5 =	vsub.f32 v5, v6  }
0x1e0: {  	s12 =	sor.u32 $0x180, s12;
	v4 =	vnsel vm0, $0xC47A0000, v4  }
0x1e1: {  	v5 =	vnsel vm0, $0x0, v5;
	[tilespmem:s12+$0x1600] =	vst v4  }
0x1e2: {  	[tilespmem:s12+$0x600] =	vst v5  }
0x1e3: {  	v4 =	vld [tilespmem:s24+$0x1]  }
0x1e4: {  	v5 =	vld [tilespmem:s2+$0x0]  }
0x1e5: {  	v6 =	vld [tilespmem:s2+$0x1];
	_ =	sdelay $0x2  }
0x1e6: {  	v4 =	vadd.s32 $0x105, v4  }
0x1e7: {  	v4 =	vcvt.s32.f32 v4  }
0x1e8: {  	v5 =	vsub.f32 v6, v5  }
0x1e9: {  	v4 =	vnsel vm0, $0xC47A0000, v4  }
0x1ea: {  	v5 =	vnsel vm0, $0x0, v5;
	[tilespmem:s6+$0x1800] =	vst v4  }
0x1eb: {  	[tilespmem:s6+$0x800] =	vst v5  }
0x1ec: {  	v4 =	vld [tilespmem:s24+$0x2]  }
0x1ed: {  	v5 =	vld [tilespmem:s2+$0x1]  }
0x1ee: {  	v6 =	vld [tilespmem:s2+$0x2];
	_ =	sdelay $0x2  }
0x1ef: {  	v4 =	vadd.s32 $0x146, v4  }
0x1f0: {  	v4 =	vcvt.s32.f32 v4  }
0x1f1: {  	v5 =	vsub.f32 v6, v5  }
0x1f2: {  	v4 =	vnsel vm0, $0xC47A0000, v4  }
.Ltmp2:
0x1f3: {  	v5 =	vnsel vm0, $0x0, v5;
	[tilespmem:s6+$0x1880] =	vst v4;
	(pc) =	sbr.rel @p0 .LBB2_6-.Ltmp2, $4  }
0x1f4: {  	[tilespmem:s6+$0x880] =	vst v5  }
0x1f5: {  	v5 =	vld [tilespmem:s24+$0x3]  }
0x1f6: {  	v4 =	vld [tilespmem:s2+$0x2]  }
0x1f7: {  	v6 =	vld [tilespmem:s2+$0x3]  }
0x1f8: {  	_ =	sdelay $0x1  }
0x1f9: {  	v3 =	vadd.s32 $0x187, v5  }
0x1fa: {  	v3 =	vcvt.s32.f32 v3  }
0x1fb: {  	v4 =	vsub.f32 v6, v4  }
0x1fc: {  	v3 =	vnsel vm0, $0xC47A0000, v3  }
0x1fd: {  	v4 =	vnsel vm0, $0x0, v4;
	[tilespmem:s6+$0x1900] =	vst v3  }
0x1fe: {  	[tilespmem:s6+$0x900] =	vst v4  }
0x1ff: {  	v3 =	vld [tilespmem:s9+$0x4]  }
0x200: {  	v4 =	vld [tilespmem:s8+$0x3]  }
0x201: {  	v5 =	vld [tilespmem:s8+$0x4];
	_ =	sdelay $0x4  }
0x202: {  	v3 =	vadd.s32 $0x1C8, v3;
	v4 =	vsub.f32 v5, v4  }
0x203: {  	v3 =	vcvt.s32.f32 v3  }
0x204: {  	s1 =	sor.u32 $0x380, s7;
	v4 =	vnsel vm0, $0x0, v4  }
0x205: {  	v3 =	vnsel vm0, $0xC47A0000, v3;
	[tilespmem:s1+$0x600] =	vst v4  }
0x206: {  	[tilespmem:s1+$0x1600] =	vst v3;
	s1 =	simm.s32 $0x0  }
0x207: {  	[hbm4b:s17+s1] =	stream.linear.scatter [tilespmem:s30], [sflag:$0x1], $0x1000, $0x38;
	[tilespmem:$0x2600] =	vst v63  }
0x208: {  	_ =	swait.ge [sflag:s25], $0x1000  }
0x209: {  	[sflag:s25] =	ssyncset.done $0x0  }
0x20a: {  	[sflag:s25] =	ssyncadd.s32 $0xFFFFF000  }
0x20b: {  	[hbm4b:s18+s1] =	stream.linear.scatter [tilespmem:s31], [sflag:$0x1], $0x1000, $0x38;
	[tilespmem:$0x2600] =	vst v63  }
0x20c: {  	_ =	swait.ge [sflag:s25], $0x1000  }
0x20d: {  	[sflag:s25] =	ssyncset.done $0x0  }
0x20e: {  	[sflag:s25] =	ssyncadd.s32 $0xFFFFF000  }
0x20f: {  	[tilespmem:$0x1F8] =	vst v0  }
0x210: {  	[tilespmem:$0x478] =	vst v1  }
0x211: {  	[tilespmem:s1], [sflag:$0x1] =	stream.strided.gather [hbm4b:s19+s26], $0x200, s28, s26, $0x38;
	[tilespmem:$0x2600] =	vst v63  }
0x212: {  	_ =	swait.ge [sflag:s25], $0x200  }
0x213: {  	[sflag:s25] =	ssyncset.done $0x0  }
0x214: {  	[sflag:s25] =	ssyncadd.s32 $0xFFFFFE00  }
0x215: {  	[tilespmem:s29], [sflag:$0x1] =	stream.strided.gather [hbm4b:s20+s26], $0x200, s28, s26, $0x38;
	[tilespmem:$0x2600] =	vst v63  }
0x216: {  	_ =	swait.ge [sflag:s25], $0x200  }
0x217: {  	[sflag:s25] =	ssyncset.done $0x0  }
0x218: {  	[sflag:s25] =	ssyncadd.s32 $0xFFFFFE00  }
0x219: {  	v3 =	vld [tilespmem:s4+$0x503];
	_ =	sdelay $0x4  }
0x21a: {  	(v2sf) =	vpush v3, $0x0;
	_ =	sdelay $0x8  }
0x21b: {  	s2 =	simm.s32 $0x4  }
0x21c: {  	v4 =	vld [tilespmem:s2+$0xFFFFFFFC]  }
0x21d: {  	s24 =	simm.s32 $0x284;
	v5 =	vld [tilespmem:s2+$0xFFFFFFFD]  }
0x21e: {  	v6 =	vld [tilespmem:s24+$0xFFFFFFFD];
	_ =	sdelay $0x2  }
0x21f: {  	s12 =	spop (v2sf)  }
0x220: {  	v7 =	vor.u32 s1, v2;
	s6 =	sadd.s32 $0xFFFFFFF8, s12  }
0x221: {  	v4 =	vsub.f32 v5, v4;
	v5 =	vadd.s32 $0x1, v6;
	v3 =	vmov s6  }
0x222: {  	s13 =	sand.u32 $0x70, s1;
	s14 =	sand.u32 $0xC00, s1;
	v5 =	vcvt.s32.f32 v5;
	vm0 =	vlt.s32 v7, v3  }
0x223: {  	s6 =	sor.u32 s13, s14;
	v4 =	vnsel vm0, $0x0, v4  }
0x224: {  	[tilespmem:s6+$0x600] =	vst v4;
	v4 =	vnsel vm0, $0xC47A0000, v5  }
0x225: {  	[tilespmem:s6+$0x1600] =	vst v4  }
0x226: {  	v4 =	vld [tilespmem:s24+$0xFFFFFFFE]  }
0x227: {  	v5 =	vld [tilespmem:s2+$0xFFFFFFFD]  }
0x228: {  	v6 =	vld [tilespmem:s2+$0xFFFFFFFE];
	_ =	sdelay $0x4  }
0x229: {  	v4 =	vadd.s32 $0x42, v4;
	v5 =	vsub.f32 v6, v5  }
0x22a: {  	v4 =	vcvt.s32.f32 v4  }
0x22b: {  	v5 =	vnsel vm0, $0x0, v5  }
0x22c: {  	v4 =	vnsel vm0, $0xC47A0000, v4;
	[tilespmem:s6+$0x680] =	vst v5  }
0x22d: {  	[tilespmem:s6+$0x1680] =	vst v4  }
0x22e: {  	v4 =	vld [tilespmem:s24+$0xFFFFFFFF]  }
0x22f: {  	v5 =	vld [tilespmem:s2+$0xFFFFFFFE]  }
0x230: {  	v6 =	vld [tilespmem:s2+$0xFFFFFFFF];
	_ =	sdelay $0x2  }
0x231: {  	v4 =	vadd.s32 $0x83, v4  }
0x232: {  	v4 =	vcvt.s32.f32 v4  }
0x233: {  	v5 =	vsub.f32 v6, v5  }
0x234: {  	v4 =	vnsel vm0, $0xC47A0000, v4  }
0x235: {  	[tilespmem:s6+$0x1700] =	vst v4;
	v4 =	vnsel vm0, $0x0, v5  }
0x236: {  	[tilespmem:s6+$0x700] =	vst v4  }
0x237: {  	v4 =	vld [tilespmem:s24+$0x0]  }
0x238: {  	v5 =	vld [tilespmem:s2+$0x0]  }
0x239: {  	v6 =	vld [tilespmem:s2+$0xFFFFFFFF];
	_ =	sdelay $0x4  }
0x23a: {  	v4 =	vadd.s32 $0xC4, v4;
	v5 =	vsub.f32 v5, v6  }
0x23b: {  	s7 =	sor.u32 s14, s1;
	v4 =	vcvt.s32.f32 v4  }
0x23c: {  	s7 =	sor.u32 $0x180, s7;
	v5 =	vnsel vm0, $0x0, v5  }
0x23d: {  	v4 =	vnsel vm0, $0xC47A0000, v4;
	[tilespmem:s7+$0x600] =	vst v5  }
0x23e: {  	[tilespmem:s7+$0x1600] =	vst v4  }
0x23f: {  	v4 =	vld [tilespmem:s24+$0x1]  }
0x240: {  	v5 =	vld [tilespmem:s2+$0x0]  }
0x241: {  	v6 =	vld [tilespmem:s2+$0x1];
	_ =	sdelay $0x4  }
0x242: {  	v4 =	vadd.s32 $0x105, v4;
	v5 =	vsub.f32 v6, v5  }
0x243: {  	v4 =	vcvt.s32.f32 v4  }
0x244: {  	v5 =	vnsel vm0, $0x0, v5  }
0x245: {  	v4 =	vnsel vm0, $0xC47A0000, v4;
	[tilespmem:s6+$0x800] =	vst v5  }
0x246: {  	[tilespmem:s6+$0x1800] =	vst v4  }
0x247: {  	v4 =	vld [tilespmem:s24+$0x2]  }
0x248: {  	v5 =	vld [tilespmem:s2+$0x1]  }
0x249: {  	v6 =	vld [tilespmem:s2+$0x2];
	_ =	sdelay $0x4  }
0x24a: {  	v4 =	vadd.s32 $0x146, v4;
	v5 =	vsub.f32 v6, v5  }
0x24b: {  	v4 =	vcvt.s32.f32 v4  }
0x24c: {  	v5 =	vnsel vm0, $0x0, v5  }
0x24d: {  	v4 =	vnsel vm0, $0xC47A0000, v4;
	[tilespmem:s6+$0x880] =	vst v5  }
0x24e: {  	[tilespmem:s6+$0x1880] =	vst v4  }
0x24f: {  	v5 =	vld [tilespmem:s24+$0x3]  }
0x250: {  	s11 =	simm.s32 $0x10;
	v4 =	vld [tilespmem:s2+$0x2]  }
0x251: {  	s9 =	simm.s32 $0x284;
	s8 =	simm.s32 $0x4;
	s7 =	sor.u32 s1, s1;
	v6 =	vld [tilespmem:s2+$0x3]  }
.LBB2_8:
0x252: {  	s1 =	sadd.s32 $0x80, s1  }
0x253: {  	s24 =	sadd.s32 $0x10, s24;
	s2 =	sadd.s32 $0x10, s2;
	s12 =	smov.u32 s11  }
0x254: {  	p0 =	sne.s32 s11, $0x1F0;
	s11 =	sadd.s32 $0x10, s11;
	s13 =	sor.u32 s1, s12  }
0x255: {  	v5 =	vadd.s32 $0x187, v5  }
0x256: {  	v5 =	vcvt.s32.f32 v5  }
0x257: {  	v4 =	vsub.f32 v6, v4  }
0x258: {  	v5 =	vnsel vm0, $0xC47A0000, v5  }
0x259: {  	v4 =	vnsel vm0, $0x0, v4;
	[tilespmem:s6+$0x1900] =	vst v5  }
0x25a: {  	[tilespmem:s6+$0x900] =	vst v4  }
0x25b: {  	v4 =	vld [tilespmem:s9+$0x4];
	s9 =	smov.u32 s24  }
0x25c: {  	v5 =	vld [tilespmem:s8+$0x3]  }
0x25d: {  	v6 =	vld [tilespmem:s8+$0x4];
	s8 =	smov.u32 s2;
	_ =	sdelay $0x2  }
0x25e: {  	v4 =	vadd.s32 $0x1C8, v4  }
0x25f: {  	v4 =	vcvt.s32.f32 v4  }
0x260: {  	v5 =	vsub.f32 v6, v5  }
0x261: {  	s6 =	sor.u32 $0x380, s7;
	s7 =	smov.u32 s13;
	v4 =	vnsel vm0, $0xC47A0000, v4  }
0x262: {  	v5 =	vnsel vm0, $0x0, v5;
	[tilespmem:s6+$0x1600] =	vst v4  }
0x263: {  	[tilespmem:s6+$0x600] =	vst v5  }
0x264: {  	v4 =	vld [tilespmem:s2+$0xFFFFFFFC]  }
0x265: {  	v5 =	vld [tilespmem:s2+$0xFFFFFFFD]  }
0x266: {  	v6 =	vld [tilespmem:s24+$0xFFFFFFFD];
	_ =	sdelay $0x3  }
0x267: {  	v7 =	vor.u32 s12, v2;
	v4 =	vsub.f32 v5, v4  }
0x268: {  	s13 =	sand.u32 $0xC00, s1;
	vm0 =	vlt.s32 v7, v3;
	s6 =	sand.u32 $0x70, s12;
	v5 =	vadd.s32 $0x1, v6  }
0x269: {  	s12 =	sor.u32 s13, s12;
	s6 =	sor.u32 s6, s13;
	v4 =	vnsel vm0, $0x0, v4;
	v5 =	vcvt.s32.f32 v5  }
0x26a: {  	[tilespmem:s6+$0x600] =	vst v4  }
0x26b: {  	v4 =	vnsel vm0, $0xC47A0000, v5  }
0x26c: {  	[tilespmem:s6+$0x1600] =	vst v4  }
0x26d: {  	v4 =	vld [tilespmem:s24+$0xFFFFFFFE]  }
0x26e: {  	v5 =	vld [tilespmem:s2+$0xFFFFFFFD]  }
0x26f: {  	v6 =	vld [tilespmem:s2+$0xFFFFFFFE];
	_ =	sdelay $0x2  }
0x270: {  	v4 =	vadd.s32 $0x42, v4  }
0x271: {  	v4 =	vcvt.s32.f32 v4  }
0x272: {  	v5 =	vsub.f32 v6, v5  }
0x273: {  	v4 =	vnsel vm0, $0xC47A0000, v4  }
0x274: {  	v5 =	vnsel vm0, $0x0, v5;
	[tilespmem:s6+$0x1680] =	vst v4  }
0x275: {  	[tilespmem:s6+$0x680] =	vst v5  }
0x276: {  	v4 =	vld [tilespmem:s24+$0xFFFFFFFF]  }
0x277: {  	v5 =	vld [tilespmem:s2+$0xFFFFFFFE];
	_ =	sdelay $0x3  }
0x278: {  	v6 =	vld [tilespmem:s2+$0xFFFFFFFF];
	v4 =	vadd.s32 $0x83, v4  }
0x279: {  	v4 =	vcvt.s32.f32 v4;
	_ =	sdelay $0x1  }
0x27a: {  	v4 =	vnsel vm0, $0xC47A0000, v4  }
0x27b: {  	[tilespmem:s6+$0x1700] =	vst v4  }
0x27c: {  	v4 =	vsub.f32 v6, v5;
	_ =	sdelay $0x1  }
0x27d: {  	v4 =	vnsel vm0, $0x0, v4  }
0x27e: {  	[tilespmem:s6+$0x700] =	vst v4  }
0x27f: {  	v4 =	vld [tilespmem:s24+$0x0]  }
0x280: {  	v5 =	vld [tilespmem:s2+$0x0]  }
0x281: {  	v6 =	vld [tilespmem:s2+$0xFFFFFFFF];
	_ =	sdelay $0x2  }
0x282: {  	v4 =	vadd.s32 $0xC4, v4  }
0x283: {  	v4 =	vcvt.s32.f32 v4  }
0x284: {  	v5 =	vsub.f32 v5, v6  }
0x285: {  	s12 =	sor.u32 $0x180, s12;
	v4 =	vnsel vm0, $0xC47A0000, v4  }
0x286: {  	v5 =	vnsel vm0, $0x0, v5;
	[tilespmem:s12+$0x1600] =	vst v4  }
0x287: {  	[tilespmem:s12+$0x600] =	vst v5  }
0x288: {  	v4 =	vld [tilespmem:s24+$0x1]  }
0x289: {  	v5 =	vld [tilespmem:s2+$0x0]  }
0x28a: {  	v6 =	vld [tilespmem:s2+$0x1];
	_ =	sdelay $0x2  }
0x28b: {  	v4 =	vadd.s32 $0x105, v4  }
0x28c: {  	v4 =	vcvt.s32.f32 v4  }
0x28d: {  	v5 =	vsub.f32 v6, v5  }
0x28e: {  	v4 =	vnsel vm0, $0xC47A0000, v4  }
0x28f: {  	v5 =	vnsel vm0, $0x0, v5;
	[tilespmem:s6+$0x1800] =	vst v4  }
0x290: {  	[tilespmem:s6+$0x800] =	vst v5  }
0x291: {  	v4 =	vld [tilespmem:s24+$0x2]  }
0x292: {  	v5 =	vld [tilespmem:s2+$0x1]  }
0x293: {  	v6 =	vld [tilespmem:s2+$0x2];
	_ =	sdelay $0x2  }
0x294: {  	v4 =	vadd.s32 $0x146, v4  }
0x295: {  	v4 =	vcvt.s32.f32 v4  }
0x296: {  	v5 =	vsub.f32 v6, v5  }
0x297: {  	v4 =	vnsel vm0, $0xC47A0000, v4  }
.Ltmp3:
0x298: {  	v5 =	vnsel vm0, $0x0, v5;
	[tilespmem:s6+$0x1880] =	vst v4;
	(pc) =	sbr.rel @p0 .LBB2_8-.Ltmp3, $4  }
0x299: {  	[tilespmem:s6+$0x880] =	vst v5  }
0x29a: {  	v5 =	vld [tilespmem:s24+$0x3]  }
0x29b: {  	v4 =	vld [tilespmem:s2+$0x2]  }
0x29c: {  	v6 =	vld [tilespmem:s2+$0x3]  }
0x29d: {  	_ =	sdelay $0x1  }
0x29e: {  	v3 =	vadd.s32 $0x187, v5  }
0x29f: {  	v3 =	vcvt.s32.f32 v3  }
0x2a0: {  	v4 =	vsub.f32 v6, v4  }
0x2a1: {  	v3 =	vnsel vm0, $0xC47A0000, v3  }
0x2a2: {  	v4 =	vnsel vm0, $0x0, v4;
	[tilespmem:s6+$0x1900] =	vst v3  }
0x2a3: {  	[tilespmem:s6+$0x900] =	vst v4  }
0x2a4: {  	v3 =	vld [tilespmem:s9+$0x4]  }
0x2a5: {  	v4 =	vld [tilespmem:s8+$0x3]  }
0x2a6: {  	v63 =	vld [tilespmem:s8+$0x4];
	_ =	sdelay $0x4  }
0x2a7: {  	v3 =	vadd.s32 $0x1C8, v3;
	v4 =	vsub.f32 v63, v4  }
0x2a8: {  	v3 =	vcvt.s32.f32 v3  }
0x2a9: {  	s1 =	sor.u32 $0x380, s7;
	v4 =	vnsel vm0, $0x0, v4  }
0x2aa: {  	v3 =	vnsel vm0, $0xC47A0000, v3;
	[tilespmem:s1+$0x600] =	vst v4  }
0x2ab: {  	[tilespmem:s1+$0x1600] =	vst v3  }
0x2ac: {  	[hbm4b:s21+s3] =	stream.linear.scatter [tilespmem:s30], [sflag:$0x1], $0x1000, $0x38;
	[tilespmem:$0x2600] =	vst v63  }
0x2ad: {  	s0 =	sadd.s32 $0x1, s0;
	_ =	swait.ge [sflag:s25], $0x1000  }
0x2ae: {  	p0 =	sne.s32 s0, s23;
	[sflag:s25] =	ssyncset.done $0x0  }
.Ltmp4:
0x2af: {  	[sflag:s25] =	ssyncadd.s32 $0xFFFFF000;
	(pc) =	sbr.rel @p0 .LBB2_1-.Ltmp4, $4  }
0x2b0: {  	[hbm4b:s22+s3] =	stream.linear.scatter [tilespmem:s31], [sflag:$0x1], $0x1000, $0x38;
	[tilespmem:$0x2600] =	vst v63  }
0x2b1: {  	_ =	swait.ge [sflag:s25], $0x1000  }
0x2b2: {  	[sflag:s25] =	ssyncset.done $0x0  }
0x2b3: {  	[sflag:s25] =	ssyncadd.s32 $0xFFFFF000  }
0x2b4: {  	_ =	sfence.sel $0x180000  }
0x2b5: {  	[bflag:$0x0] =	sbarrier.arrive $0xFFFF  }
0x2b6: {  	_ =	strace $0x90000047  }
0x2b7: {  	s0 =	stileid.u32;
	[bflag:$0x2] =	sbarrier.arrive $0xFFFF  }
0x2b8: {  	p0 =	sne.s32 s0, $0x0;
	s0 =	rddreg [dreg:$0x4]  }
0x2b9: {  	s0 =	sadd.s32 @!p0 $0x100000, s0  }
0x2ba: {  	[sflag:s0] =	ssyncadd.tile.s32 @!p0 $0x1;
	_ =	shalt  }
.Lfunc_end2:
_tile_overlayer_lowered:
.L_overlay_start_2:
0x2bb: {  	(tag) =	ssettag $0x2  }
0x2bc: {  	s0 =	rddreg [dreg:$0x0];
	s2 =	stileid.u32  }
0x2bd: {  	s1 =	rddreg [dreg:$0x1];
	p0 =	sne.s32 s2, $0x0  }
0x2be: {  	s3 =	rddreg [dreg:$0x2];
	[bflag:$0x3] =	sbarrier.arrive $0xFFFF;
	s2 =	simm.s32 @!p0 $0x1C01  }
0x2bf: {  	[timem:s3], [sflag:s2] =	dma.local @!p0 [hbm:s0], s1  }
0x2c0: {  	s0 =	simm.s32 @!p0 $0x1  }
0x2c1: {  	_ =	swait.ge @!p0 [sflag:s0], s1  }
0x2c2: {  	s1 =	ssub.s32 @!p0 $0x0, s1;
	[sflag:s0] =	ssyncset.done @!p0 $0x0  }
0x2c3: {  	[sflag:s0] =	ssyncadd.s32 @!p0 s1  }
0x2c4: {  	[bflag:$0x3] =	sbarrier.arrive $0xFFFF  }
0x2c5: {  	_ =	shalt  }

</sc_bundles>
